<compile_context>
chip_gen: v7x
topology: tpu7x:2x2x1
jax: 0.10.2.dev20260603
libtpu: 0.0.44.dev20260713+nightly
codegen_flags: <defaults>
</compile_context>

<pallas_src>
import functools
import math

import jax
import jax.numpy as jnp
from jax import lax
from jax.experimental import pallas as pl
from jax.experimental.pallas import tpu as pltpu
from jax.experimental.pallas import tpu_sc as plsc

D_MODEL = 64
SCALE = math.sqrt(D_MODEL)

NC, NS, LANES = 2, 16, 16
NW = NC * NS
BPW = 128
TD = D_MODEL // 8
PITCH = BPW + 1


def _make_lookup(R, S, V):
    assert R == NW * BPW and S == 200
    mesh = plsc.VectorSubcoreMesh(core_axis_name="c", subcore_axis_name="s")

    @functools.partial(
        pl.kernel,
        out_type=jax.ShapeDtypeStruct((S, TD, NW, 8, BPW), jnp.float32),
        mesh=mesh,
        scratch_types=[
            pltpu.VMEM((BPW, 128), jnp.int32),
            pltpu.VMEM((BPW, 128), jnp.int32),
            pltpu.VMEM((208, PITCH), jnp.int32),
            pltpu.VMEM((2, BPW, D_MODEL), jnp.float32),
            pltpu.VMEM((2, D_MODEL, PITCH), jnp.float32),
        ]
        + [pltpu.SemaphoreType.DMA] * 4,
        compiler_params=pltpu.CompilerParams(
            use_tc_tiling_on_sc=False, needs_layout_passes=False
        ),
    )
    def lookup(table_hbm, x1_hbm, x2_hbm, out_hbm, xa_v, xb_v, xt_v, g_v, t_v,
               g0, g1, w0, w1):
        gsem, wsem = (g0, g1), (w0, w1)
        iota = lax.iota(jnp.int32, LANES)
        wid = lax.axis_index("s") * NC + lax.axis_index("c")
        b0 = pl.multiple_of(wid * BPW, BPW)
        pltpu.sync_copy(x1_hbm.at[pl.ds(b0, BPW)], xa_v)
        pltpu.sync_copy(x2_hbm.at[pl.ds(b0, BPW)], xb_v)

        def xpose(src, dst_off, groups):
            svecs = [iota + 16 * j + dst_off for j in range(groups)]

            def body(cb, _):
                cbv = jnp.full((LANES,), cb, jnp.int32)
                for j in range(groups):
                    plsc.store_scatter(
                        xt_v, [svecs[j], cbv],
                        src[cb, pl.ds(16 * j, LANES)],
                    )
                return ()
            return body

        lax.fori_loop(0, BPW, xpose(xa_v, 0, 8), ())
        lax.fori_loop(0, BPW, xpose(xb_v, 128, (S - 128) // LANES + 1), ())

        def fire(s, par):
            pltpu.async_copy(
                table_hbm.at[xt_v.at[s].at[pl.ds(0, BPW)]], g_v.at[par],
                gsem[par],
            )

        def drain_gather(par):
            pltpu.make_async_copy(
                table_hbm.at[xt_v.at[0].at[pl.ds(0, BPW)]], g_v.at[par],
                gsem[par],
            ).wait()

        def drain_wb(par):
            for td in range(TD):
                pltpu.make_async_copy(
                    t_v.at[par].at[pl.ds(8 * td, 8), pl.ds(0, BPW)],
                    out_hbm.at[0, td, 0],
                    wsem[par],
                ).wait()

        fire(0, 0)
        fire(1, 1)

        dvecs = [iota + 16 * c for c in range(D_MODEL // LANES)]

        def stage(s, par):
            drain_gather(par)

            @pl.when(s > 1)
            def _():
                drain_wb(par)

            @functools.partial(plsc.parallel_loop, 0, BPW, unroll=4)
            def _(cb):
                cbv = jnp.full((LANES,), cb, jnp.int32)
                for c in range(D_MODEL // LANES):
                    plsc.store_scatter(
                        t_v.at[par], [dvecs[c], cbv],
                        g_v[par, cb, pl.ds(16 * c, LANES)] * SCALE,
                    )
            fire(jnp.minimum(s + 2, S - 1), par)
            for td in range(TD):
                pltpu.async_copy(
                    t_v.at[par].at[pl.ds(8 * td, 8), pl.ds(0, BPW)],
                    out_hbm.at[s, td, wid],
                    wsem[par],
                )

        def pair(i, _):
            stage(2 * i, 0)
            stage(2 * i + 1, 1)
            return ()

        lax.fori_loop(0, S // 2, pair, ())
        for par in range(2):
            drain_gather(par)
            drain_wb(par)

    return lookup


def kernel(x, table):
    R, S = x.shape
    V = table.shape[0]
    xi = x.astype(jnp.int32)
    x1 = xi[:, :128]
    x2 = jnp.pad(xi[:, 128:], ((0, 0), (0, 256 - S)))
    out5 = _make_lookup(R, S, V)(table, x1, x2)
    return out5.transpose(2, 4, 0, 1, 3).reshape(R, S, D_MODEL)

# --- scband reference (transcript-rebuilt; emitter-appended) ---
"""Pipeline reference for scband-input-embeddings-9088150798720 (READ-ONLY COPY).

The authoritative reference and input builder live on the scoring server;
editing this copy changes nothing except your own understanding.
"""

import jax, jax.numpy as jnp
import numpy as np
import math

D_MODEL = 64
VOCAB_SIZE = 1000000

def setup_inputs(seed: int = 0) -> dict:
    key = jax.random.key(seed)
    k1, k2 = jax.random.split(key)
    x = jax.random.randint(k1, (4096, 200), 0, VOCAB_SIZE, dtype=jnp.int64 if jax.config.jax_enable_x64 else jnp.int32)
    table = jax.random.normal(k2, (VOCAB_SIZE, D_MODEL), dtype=jnp.float32)
    return {"x": x, "table": table}

def reference(x, table):
    # embedding lookup then scale by sqrt(d_model)
    emb = jnp.take(table, x, axis=0)
    return emb * math.sqrt(D_MODEL)

if __name__ == "__main__":
    import jax
    _d = setup_inputs()
    print(jax.jit(kernel)(*tuple(_d.values())))

</pallas_src>

<mosaic_0001>
#map = affine_map<(d0, d1) -> (0, 0)>
#map1 = affine_map<(d0, d1) -> (0, 0, 0, 0, 0)>
module attributes {stable_mosaic.version = 14 : i64} {
  func.func @lookup(%arg0: i32, %arg1: i32, %arg2: memref<1000000x64xf32, #tpu.memory_space<hbm>>, %arg3: memref<4096x128xi32, #tpu.memory_space<hbm>>, %arg4: memref<4096x128xi32, #tpu.memory_space<hbm>>, %arg5: memref<200x8x32x8x128xf32, #tpu.memory_space<hbm>>, %arg6: memref<128x128xi32, #tpu.memory_space<vmem>>, %arg7: memref<128x128xi32, #tpu.memory_space<vmem>>, %arg8: memref<208x129xi32, #tpu.memory_space<vmem>>, %arg9: memref<2x128x64xf32, #tpu.memory_space<vmem>>, %arg10: memref<2x64x129xf32, #tpu.memory_space<vmem>>, %arg11: memref<!tpu.dma_semaphore, #tpu.memory_space<semaphore_mem>>, %arg12: memref<!tpu.dma_semaphore, #tpu.memory_space<semaphore_mem>>, %arg13: memref<!tpu.dma_semaphore, #tpu.memory_space<semaphore_mem>>, %arg14: memref<!tpu.dma_semaphore, #tpu.memory_space<semaphore_mem>>) attributes {dimension_semantics = [#tpu.dimension_semantics<core_parallel>, #tpu.dimension_semantics<subcore_parallel>], iteration_bounds = array<i64: 2, 16>, scalar_prefetch = 0 : i64, scratch_operands = 9 : i64, tpu.core_type = #tpu.core_type<sc_vector_subcore>, window_params = [{transform_indices = #map}, {transform_indices = #map}, {transform_indices = #map}, {transform_indices = #map1}]} {
    %iota3A = tpu.iota {dimensions = array<i32: 0>} : vector<16xi32>
    %mul3A = arith.constant 2 : i32
    %mul3A_0 = arith.muli %arg1, %mul3A : i32
    %add3A = arith.addi %mul3A_0, %arg0 : i32
    %mul3A_1 = arith.constant 128 : i32
    %mul3A_2 = arith.muli %add3A, %mul3A_1 : i32
    %multiple_of3A = tpu.assume_multiple %mul3A_2, 128 : i32
    "tpu.region"() ({
      %run_scoped3A = tpu.sem_alloc : memref<!tpu.dma_semaphore, #tpu.memory_space<semaphore_mem>>
      %dma_start3A_577 = arith.constant 0 : i32
      %dma_start3A_578 = tpu.memref_slice %arg3[%multiple_of3A, %dma_start3A_577] : memref<4096x128xi32, #tpu.memory_space<hbm>> -> memref<128x128xi32, #tpu.memory_space<hbm>>
      %dma_start3A_579 = arith.constant 0 : i32
      %dma_start3A_580 = tpu.memref_slice %arg3[%multiple_of3A, %dma_start3A_579] : memref<4096x128xi32, #tpu.memory_space<hbm>> -> memref<128x128xi32, #tpu.memory_space<hbm>>
      tpu.enqueue_dma source(%dma_start3A_580 : memref<128x128xi32, #tpu.memory_space<hbm>>) target(%arg6 : memref<128x128xi32, #tpu.memory_space<vmem>>) target_semaphore(%run_scoped3A : memref<!tpu.dma_semaphore, #tpu.memory_space<semaphore_mem>>)
      %dma_wait3A_581 = arith.constant 0 : i32
      %dma_wait3A_582 = tpu.memref_slice %arg3[%multiple_of3A, %dma_wait3A_581] : memref<4096x128xi32, #tpu.memory_space<hbm>> -> memref<128x128xi32, #tpu.memory_space<hbm>>
      %dma_wait3A_583 = arith.constant 0 : i32
      %dma_wait3A_584 = tpu.memref_slice %arg3[%multiple_of3A, %dma_wait3A_583] : memref<4096x128xi32, #tpu.memory_space<hbm>> -> memref<128x128xi32, #tpu.memory_space<hbm>>
      tpu.wait_dma2 semaphore(%run_scoped3A : memref<!tpu.dma_semaphore, #tpu.memory_space<semaphore_mem>>) src(%dma_wait3A_584 : memref<128x128xi32, #tpu.memory_space<hbm>>) dst(%arg6 : memref<128x128xi32, #tpu.memory_space<vmem>>)
      tpu.yield
    }) : () -> ()
    "tpu.region"() ({
      %run_scoped3A = tpu.sem_alloc : memref<!tpu.dma_semaphore, #tpu.memory_space<semaphore_mem>>
      %dma_start3A_577 = arith.constant 0 : i32
      %dma_start3A_578 = tpu.memref_slice %arg4[%multiple_of3A, %dma_start3A_577] : memref<4096x128xi32, #tpu.memory_space<hbm>> -> memref<128x128xi32, #tpu.memory_space<hbm>>
      %dma_start3A_579 = arith.constant 0 : i32
      %dma_start3A_580 = tpu.memref_slice %arg4[%multiple_of3A, %dma_start3A_579] : memref<4096x128xi32, #tpu.memory_space<hbm>> -> memref<128x128xi32, #tpu.memory_space<hbm>>
      tpu.enqueue_dma source(%dma_start3A_580 : memref<128x128xi32, #tpu.memory_space<hbm>>) target(%arg7 : memref<128x128xi32, #tpu.memory_space<vmem>>) target_semaphore(%run_scoped3A : memref<!tpu.dma_semaphore, #tpu.memory_space<semaphore_mem>>)
      %dma_wait3A_581 = arith.constant 0 : i32
      %dma_wait3A_582 = tpu.memref_slice %arg4[%multiple_of3A, %dma_wait3A_581] : memref<4096x128xi32, #tpu.memory_space<hbm>> -> memref<128x128xi32, #tpu.memory_space<hbm>>
      %dma_wait3A_583 = arith.constant 0 : i32
      %dma_wait3A_584 = tpu.memref_slice %arg4[%multiple_of3A, %dma_wait3A_583] : memref<4096x128xi32, #tpu.memory_space<hbm>> -> memref<128x128xi32, #tpu.memory_space<hbm>>
      tpu.wait_dma2 semaphore(%run_scoped3A : memref<!tpu.dma_semaphore, #tpu.memory_space<semaphore_mem>>) src(%dma_wait3A_584 : memref<128x128xi32, #tpu.memory_space<hbm>>) dst(%arg7 : memref<128x128xi32, #tpu.memory_space<vmem>>)
      tpu.yield
    }) : () -> ()
    %add3A_3 = arith.constant 0 : i32
    %add3A_4 = vector.broadcast %add3A_3 : i32 to vector<16xi32>
    %add3A_5 = arith.addi %iota3A, %add3A_4 : vector<16xi32>
    %add3A_6 = arith.constant 0 : i32
    %add3A_7 = vector.broadcast %add3A_6 : i32 to vector<16xi32>
    %add3A_8 = arith.addi %add3A_5, %add3A_7 : vector<16xi32>
    %add3A_9 = arith.constant 16 : i32
    %add3A_10 = vector.broadcast %add3A_9 : i32 to vector<16xi32>
    %add3A_11 = arith.addi %iota3A, %add3A_10 : vector<16xi32>
    %add3A_12 = arith.constant 0 : i32
    %add3A_13 = vector.broadcast %add3A_12 : i32 to vector<16xi32>
    %add3A_14 = arith.addi %add3A_11, %add3A_13 : vector<16xi32>
    %add3A_15 = arith.constant 32 : i32
    %add3A_16 = vector.broadcast %add3A_15 : i32 to vector<16xi32>
    %add3A_17 = arith.addi %iota3A, %add3A_16 : vector<16xi32>
    %add3A_18 = arith.constant 0 : i32
    %add3A_19 = vector.broadcast %add3A_18 : i32 to vector<16xi32>
    %add3A_20 = arith.addi %add3A_17, %add3A_19 : vector<16xi32>
    %add3A_21 = arith.constant 48 : i32
    %add3A_22 = vector.broadcast %add3A_21 : i32 to vector<16xi32>
    %add3A_23 = arith.addi %iota3A, %add3A_22 : vector<16xi32>
    %add3A_24 = arith.constant 0 : i32
    %add3A_25 = vector.broadcast %add3A_24 : i32 to vector<16xi32>
    %add3A_26 = arith.addi %add3A_23, %add3A_25 : vector<16xi32>
    %add3A_27 = arith.constant 64 : i32
    %add3A_28 = vector.broadcast %add3A_27 : i32 to vector<16xi32>
    %add3A_29 = arith.addi %iota3A, %add3A_28 : vector<16xi32>
    %add3A_30 = arith.constant 0 : i32
    %add3A_31 = vector.broadcast %add3A_30 : i32 to vector<16xi32>
    %add3A_32 = arith.addi %add3A_29, %add3A_31 : vector<16xi32>
    %add3A_33 = arith.constant 80 : i32
    %add3A_34 = vector.broadcast %add3A_33 : i32 to vector<16xi32>
    %add3A_35 = arith.addi %iota3A, %add3A_34 : vector<16xi32>
    %add3A_36 = arith.constant 0 : i32
    %add3A_37 = vector.broadcast %add3A_36 : i32 to vector<16xi32>
    %add3A_38 = arith.addi %add3A_35, %add3A_37 : vector<16xi32>
    %add3A_39 = arith.constant 96 : i32
    %add3A_40 = vector.broadcast %add3A_39 : i32 to vector<16xi32>
    %add3A_41 = arith.addi %iota3A, %add3A_40 : vector<16xi32>
    %add3A_42 = arith.constant 0 : i32
    %add3A_43 = vector.broadcast %add3A_42 : i32 to vector<16xi32>
    %add3A_44 = arith.addi %add3A_41, %add3A_43 : vector<16xi32>
    %add3A_45 = arith.constant 112 : i32
    %add3A_46 = vector.broadcast %add3A_45 : i32 to vector<16xi32>
    %add3A_47 = arith.addi %iota3A, %add3A_46 : vector<16xi32>
    %add3A_48 = arith.constant 0 : i32
    %add3A_49 = vector.broadcast %add3A_48 : i32 to vector<16xi32>
    %add3A_50 = arith.addi %add3A_47, %add3A_49 : vector<16xi32>
    %scan3A = arith.constant 0 : i32
    %scan3A_51 = arith.constant 128 : i32
    %scan3A_52 = arith.addi %scan3A, %scan3A_51 : i32
    %scan3A_53 = arith.constant 1 : i32
    scf.for %scan3A_577 = %scan3A to %scan3A_52 step %scan3A_53  : i32 {
      %broadcast_in_dim3A = vector.broadcast %scan3A_577 : i32 to vector<16xi32>
      %get3A = arith.index_cast %scan3A_577 : i32 to index
      %get3A_578 = arith.constant 0 : index
      %get3A_579 = tpu.vector_load %arg6[%get3A, %get3A_578] {strides = array<i32>} : memref<128x128xi32, #tpu.memory_space<vmem>>, vector<16xi32>,
      tpu.vector_store_idx %arg8[%add3A_8, %broadcast_in_dim3A], %get3A_579 : memref<208x129xi32, #tpu.memory_space<vmem>>[vector<16xi32>, vector<16xi32>], vector<16xi32>,
      %get3A_580 = arith.index_cast %scan3A_577 : i32 to index
      %get3A_581 = arith.constant 16 : index
      %get3A_582 = tpu.vector_load %arg6[%get3A_580, %get3A_581] {strides = array<i32>} : memref<128x128xi32, #tpu.memory_space<vmem>>, vector<16xi32>,
      tpu.vector_store_idx %arg8[%add3A_14, %broadcast_in_dim3A], %get3A_582 : memref<208x129xi32, #tpu.memory_space<vmem>>[vector<16xi32>, vector<16xi32>], vector<16xi32>,
      %get3A_583 = arith.index_cast %scan3A_577 : i32 to index
      %get3A_584 = arith.constant 32 : index
      %get3A_585 = tpu.vector_load %arg6[%get3A_583, %get3A_584] {strides = array<i32>} : memref<128x128xi32, #tpu.memory_space<vmem>>, vector<16xi32>,
      tpu.vector_store_idx %arg8[%add3A_20, %broadcast_in_dim3A], %get3A_585 : memref<208x129xi32, #tpu.memory_space<vmem>>[vector<16xi32>, vector<16xi32>], vector<16xi32>,
      %get3A_586 = arith.index_cast %scan3A_577 : i32 to index
      %get3A_587 = arith.constant 48 : index
      %get3A_588 = tpu.vector_load %arg6[%get3A_586, %get3A_587] {strides = array<i32>} : memref<128x128xi32, #tpu.memory_space<vmem>>, vector<16xi32>,
      tpu.vector_store_idx %arg8[%add3A_26, %broadcast_in_dim3A], %get3A_588 : memref<208x129xi32, #tpu.memory_space<vmem>>[vector<16xi32>, vector<16xi32>], vector<16xi32>,
      %get3A_589 = arith.index_cast %scan3A_577 : i32 to index
      %get3A_590 = arith.constant 64 : index
      %get3A_591 = tpu.vector_load %arg6[%get3A_589, %get3A_590] {strides = array<i32>} : memref<128x128xi32, #tpu.memory_space<vmem>>, vector<16xi32>,
      tpu.vector_store_idx %arg8[%add3A_32, %broadcast_in_dim3A], %get3A_591 : memref<208x129xi32, #tpu.memory_space<vmem>>[vector<16xi32>, vector<16xi32>], vector<16xi32>,
      %get3A_592 = arith.index_cast %scan3A_577 : i32 to index
      %get3A_593 = arith.constant 80 : index
      %get3A_594 = tpu.vector_load %arg6[%get3A_592, %get3A_593] {strides = array<i32>} : memref<128x128xi32, #tpu.memory_space<vmem>>, vector<16xi32>,
      tpu.vector_store_idx %arg8[%add3A_38, %broadcast_in_dim3A], %get3A_594 : memref<208x129xi32, #tpu.memory_space<vmem>>[vector<16xi32>, vector<16xi32>], vector<16xi32>,
      %get3A_595 = arith.index_cast %scan3A_577 : i32 to index
      %get3A_596 = arith.constant 96 : index
      %get3A_597 = tpu.vector_load %arg6[%get3A_595, %get3A_596] {strides = array<i32>} : memref<128x128xi32, #tpu.memory_space<vmem>>, vector<16xi32>,
      tpu.vector_store_idx %arg8[%add3A_44, %broadcast_in_dim3A], %get3A_597 : memref<208x129xi32, #tpu.memory_space<vmem>>[vector<16xi32>, vector<16xi32>], vector<16xi32>,
      %get3A_598 = arith.index_cast %scan3A_577 : i32 to index
      %get3A_599 = arith.constant 112 : index
      %get3A_600 = tpu.vector_load %arg6[%get3A_598, %get3A_599] {strides = array<i32>} : memref<128x128xi32, #tpu.memory_space<vmem>>, vector<16xi32>,
      tpu.vector_store_idx %arg8[%add3A_50, %broadcast_in_dim3A], %get3A_600 : memref<208x129xi32, #tpu.memory_space<vmem>>[vector<16xi32>, vector<16xi32>], vector<16xi32>,
    }
    %scan3A_54 = arith.constant 128 : i32
    %add3A_55 = arith.constant 0 : i32
    %add3A_56 = vector.broadcast %add3A_55 : i32 to vector<16xi32>
    %add3A_57 = arith.addi %iota3A, %add3A_56 : vector<16xi32>
    %add3A_58 = arith.constant 128 : i32
    %add3A_59 = vector.broadcast %add3A_58 : i32 to vector<16xi32>
    %add3A_60 = arith.addi %add3A_57, %add3A_59 : vector<16xi32>
    %add3A_61 = arith.constant 16 : i32
    %add3A_62 = vector.broadcast %add3A_61 : i32 to vector<16xi32>
    %add3A_63 = arith.addi %iota3A, %add3A_62 : vector<16xi32>
    %add3A_64 = arith.constant 128 : i32
    %add3A_65 = vector.broadcast %add3A_64 : i32 to vector<16xi32>
    %add3A_66 = arith.addi %add3A_63, %add3A_65 : vector<16xi32>
    %add3A_67 = arith.constant 32 : i32
    %add3A_68 = vector.broadcast %add3A_67 : i32 to vector<16xi32>
    %add3A_69 = arith.addi %iota3A, %add3A_68 : vector<16xi32>
    %add3A_70 = arith.constant 128 : i32
    %add3A_71 = vector.broadcast %add3A_70 : i32 to vector<16xi32>
    %add3A_72 = arith.addi %add3A_69, %add3A_71 : vector<16xi32>
    %add3A_73 = arith.constant 48 : i32
    %add3A_74 = vector.broadcast %add3A_73 : i32 to vector<16xi32>
    %add3A_75 = arith.addi %iota3A, %add3A_74 : vector<16xi32>
    %add3A_76 = arith.constant 128 : i32
    %add3A_77 = vector.broadcast %add3A_76 : i32 to vector<16xi32>
    %add3A_78 = arith.addi %add3A_75, %add3A_77 : vector<16xi32>
    %add3A_79 = arith.constant 64 : i32
    %add3A_80 = vector.broadcast %add3A_79 : i32 to vector<16xi32>
    %add3A_81 = arith.addi %iota3A, %add3A_80 : vector<16xi32>
    %add3A_82 = arith.constant 128 : i32
    %add3A_83 = vector.broadcast %add3A_82 : i32 to vector<16xi32>
    %add3A_84 = arith.addi %add3A_81, %add3A_83 : vector<16xi32>
    %scan3A_85 = arith.constant 0 : i32
    %scan3A_86 = arith.constant 128 : i32
    %scan3A_87 = arith.addi %scan3A_85, %scan3A_86 : i32
    %scan3A_88 = arith.constant 1 : i32
    scf.for %scan3A_577 = %scan3A_85 to %scan3A_87 step %scan3A_88  : i32 {
      %broadcast_in_dim3A = vector.broadcast %scan3A_577 : i32 to vector<16xi32>
      %get3A = arith.index_cast %scan3A_577 : i32 to index
      %get3A_578 = arith.constant 0 : index
      %get3A_579 = tpu.vector_load %arg7[%get3A, %get3A_578] {strides = array<i32>} : memref<128x128xi32, #tpu.memory_space<vmem>>, vector<16xi32>,
      tpu.vector_store_idx %arg8[%add3A_60, %broadcast_in_dim3A], %get3A_579 : memref<208x129xi32, #tpu.memory_space<vmem>>[vector<16xi32>, vector<16xi32>], vector<16xi32>,
      %get3A_580 = arith.index_cast %scan3A_577 : i32 to index
      %get3A_581 = arith.constant 16 : index
      %get3A_582 = tpu.vector_load %arg7[%get3A_580, %get3A_581] {strides = array<i32>} : memref<128x128xi32, #tpu.memory_space<vmem>>, vector<16xi32>,
      tpu.vector_store_idx %arg8[%add3A_66, %broadcast_in_dim3A], %get3A_582 : memref<208x129xi32, #tpu.memory_space<vmem>>[vector<16xi32>, vector<16xi32>], vector<16xi32>,
      %get3A_583 = arith.index_cast %scan3A_577 : i32 to index
      %get3A_584 = arith.constant 32 : index
      %get3A_585 = tpu.vector_load %arg7[%get3A_583, %get3A_584] {strides = array<i32>} : memref<128x128xi32, #tpu.memory_space<vmem>>, vector<16xi32>,
      tpu.vector_store_idx %arg8[%add3A_72, %broadcast_in_dim3A], %get3A_585 : memref<208x129xi32, #tpu.memory_space<vmem>>[vector<16xi32>, vector<16xi32>], vector<16xi32>,
      %get3A_586 = arith.index_cast %scan3A_577 : i32 to index
      %get3A_587 = arith.constant 48 : index
      %get3A_588 = tpu.vector_load %arg7[%get3A_586, %get3A_587] {strides = array<i32>} : memref<128x128xi32, #tpu.memory_space<vmem>>, vector<16xi32>,
      tpu.vector_store_idx %arg8[%add3A_78, %broadcast_in_dim3A], %get3A_588 : memref<208x129xi32, #tpu.memory_space<vmem>>[vector<16xi32>, vector<16xi32>], vector<16xi32>,
      %get3A_589 = arith.index_cast %scan3A_577 : i32 to index
      %get3A_590 = arith.constant 64 : index
      %get3A_591 = tpu.vector_load %arg7[%get3A_589, %get3A_590] {strides = array<i32>} : memref<128x128xi32, #tpu.memory_space<vmem>>, vector<16xi32>,
      tpu.vector_store_idx %arg8[%add3A_84, %broadcast_in_dim3A], %get3A_591 : memref<208x129xi32, #tpu.memory_space<vmem>>[vector<16xi32>, vector<16xi32>], vector<16xi32>,
    }
    %scan3A_89 = arith.constant 128 : i32
    %dma_start3A = arith.constant 0 : i32
    %dma_start3A_90 = arith.constant 0 : i32
    %dma_start3A_91 = arith.constant 0 : i32
    %dma_start3A_92 = arith.constant 0 : i32
    %dma_start3A_93 = tpu.memref_slice %arg9[%dma_start3A_90, %dma_start3A_91, %dma_start3A_92] : memref<2x128x64xf32, #tpu.memory_space<vmem>> -> memref<1x128x64xf32, #tpu.memory_space<vmem>>
    %dma_start3A_94 = tpu.memref_squeeze %dma_start3A_93 : memref<1x128x64xf32, #tpu.memory_space<vmem>> -> memref<128x64xf32, #tpu.memory_space<vmem>>
    %dma_start3A_95 = arith.constant 0 : i32
    %dma_start3A_96 = tpu.memref_slice %arg8[%dma_start3A, %dma_start3A_95] : memref<208x129xi32, #tpu.memory_space<vmem>> -> memref<1x129xi32, #tpu.memory_space<vmem>>
    %dma_start3A_97 = tpu.memref_squeeze %dma_start3A_96 : memref<1x129xi32, #tpu.memory_space<vmem>> -> memref<129xi32, #tpu.memory_space<vmem>>
    %dma_start3A_98 = arith.constant 0 : i32
    %dma_start3A_99 = tpu.memref_slice %dma_start3A_97[%dma_start3A_98] : memref<129xi32, #tpu.memory_space<vmem>> -> memref<128xi32, #tpu.memory_space<vmem>>
    %dma_start3A_100 = arith.constant 0 : i32
    %dma_start3A_101 = arith.constant 0 : i32
    %dma_start3A_102 = tpu.memref_slice %arg2[%dma_start3A_100, %dma_start3A_101] : memref<1000000x64xf32, #tpu.memory_space<hbm>> -> memref<1000000x64xf32, #tpu.memory_space<hbm>>
    tpu.enqueue_indirect_dma source(%dma_start3A_102 : memref<1000000x64xf32, #tpu.memory_space<hbm>>) target(%dma_start3A_94 : memref<128x64xf32, #tpu.memory_space<vmem>>) offsets(%dma_start3A_99 : memref<128xi32, #tpu.memory_space<vmem>>) semaphore(%arg11 : memref<!tpu.dma_semaphore, #tpu.memory_space<semaphore_mem>>)
    %dma_start3A_103 = arith.constant 1 : i32
    %dma_start3A_104 = arith.constant 1 : i32
    %dma_start3A_105 = arith.constant 0 : i32
    %dma_start3A_106 = arith.constant 0 : i32
    %dma_start3A_107 = tpu.memref_slice %arg9[%dma_start3A_104, %dma_start3A_105, %dma_start3A_106] : memref<2x128x64xf32, #tpu.memory_space<vmem>> -> memref<1x128x64xf32, #tpu.memory_space<vmem>>
    %dma_start3A_108 = tpu.memref_squeeze %dma_start3A_107 : memref<1x128x64xf32, #tpu.memory_space<vmem>> -> memref<128x64xf32, #tpu.memory_space<vmem>>
    %dma_start3A_109 = arith.constant 0 : i32
    %dma_start3A_110 = tpu.memref_slice %arg8[%dma_start3A_103, %dma_start3A_109] : memref<208x129xi32, #tpu.memory_space<vmem>> -> memref<1x129xi32, #tpu.memory_space<vmem>>
    %dma_start3A_111 = tpu.memref_squeeze %dma_start3A_110 : memref<1x129xi32, #tpu.memory_space<vmem>> -> memref<129xi32, #tpu.memory_space<vmem>>
    %dma_start3A_112 = arith.constant 0 : i32
    %dma_start3A_113 = tpu.memref_slice %dma_start3A_111[%dma_start3A_112] : memref<129xi32, #tpu.memory_space<vmem>> -> memref<128xi32, #tpu.memory_space<vmem>>
    %dma_start3A_114 = arith.constant 0 : i32
    %dma_start3A_115 = arith.constant 0 : i32
    %dma_start3A_116 = tpu.memref_slice %arg2[%dma_start3A_114, %dma_start3A_115] : memref<1000000x64xf32, #tpu.memory_space<hbm>> -> memref<1000000x64xf32, #tpu.memory_space<hbm>>
    tpu.enqueue_indirect_dma source(%dma_start3A_116 : memref<1000000x64xf32, #tpu.memory_space<hbm>>) target(%dma_start3A_108 : memref<128x64xf32, #tpu.memory_space<vmem>>) offsets(%dma_start3A_113 : memref<128xi32, #tpu.memory_space<vmem>>) semaphore(%arg12 : memref<!tpu.dma_semaphore, #tpu.memory_space<semaphore_mem>>)
    %add3A_117 = arith.constant 0 : i32
    %add3A_118 = vector.broadcast %add3A_117 : i32 to vector<16xi32>
    %add3A_119 = arith.addi %iota3A, %add3A_118 : vector<16xi32>
    %add3A_120 = arith.constant 16 : i32
    %add3A_121 = vector.broadcast %add3A_120 : i32 to vector<16xi32>
    %add3A_122 = arith.addi %iota3A, %add3A_121 : vector<16xi32>
    %add3A_123 = arith.constant 32 : i32
    %add3A_124 = vector.broadcast %add3A_123 : i32 to vector<16xi32>
    %add3A_125 = arith.addi %iota3A, %add3A_124 : vector<16xi32>
    %add3A_126 = arith.constant 48 : i32
    %add3A_127 = vector.broadcast %add3A_126 : i32 to vector<16xi32>
    %add3A_128 = arith.addi %iota3A, %add3A_127 : vector<16xi32>
    %scan3A_129 = arith.constant 0 : i32
    %scan3A_130 = arith.constant 100 : i32
    %scan3A_131 = arith.addi %scan3A_129, %scan3A_130 : i32
    %scan3A_132 = arith.constant 1 : i32
    scf.for %scan3A_577 = %scan3A_129 to %scan3A_131 step %scan3A_132  : i32 {
      %mul3A_578 = arith.constant 2 : i32
      %mul3A_579 = arith.muli %mul3A_578, %scan3A_577 : i32
      %dma_wait3A_580 = arith.constant 0 : i32
      %dma_wait3A_581 = arith.constant 0 : i32
      %dma_wait3A_582 = arith.constant 0 : i32
      %dma_wait3A_583 = arith.constant 0 : i32
      %dma_wait3A_584 = tpu.memref_slice %arg9[%dma_wait3A_581, %dma_wait3A_582, %dma_wait3A_583] : memref<2x128x64xf32, #tpu.memory_space<vmem>> -> memref<1x128x64xf32, #tpu.memory_space<vmem>>
      %dma_wait3A_585 = tpu.memref_squeeze %dma_wait3A_584 : memref<1x128x64xf32, #tpu.memory_space<vmem>> -> memref<128x64xf32, #tpu.memory_space<vmem>>
      %dma_wait3A_586 = arith.constant 0 : i32
      %dma_wait3A_587 = tpu.memref_slice %arg8[%dma_wait3A_580, %dma_wait3A_586] : memref<208x129xi32, #tpu.memory_space<vmem>> -> memref<1x129xi32, #tpu.memory_space<vmem>>
      %dma_wait3A_588 = tpu.memref_squeeze %dma_wait3A_587 : memref<1x129xi32, #tpu.memory_space<vmem>> -> memref<129xi32, #tpu.memory_space<vmem>>
      %dma_wait3A_589 = arith.constant 0 : i32
      %dma_wait3A_590 = tpu.memref_slice %dma_wait3A_588[%dma_wait3A_589] : memref<129xi32, #tpu.memory_space<vmem>> -> memref<128xi32, #tpu.memory_space<vmem>>
      %dma_wait3A_591 = arith.constant 0 : i32
      %dma_wait3A_592 = arith.constant 0 : i32
      %dma_wait3A_593 = tpu.memref_slice %arg2[%dma_wait3A_591, %dma_wait3A_592] : memref<1000000x64xf32, #tpu.memory_space<hbm>> -> memref<1000000x64xf32, #tpu.memory_space<hbm>>
      tpu.wait_indirect_dma semaphore(%arg11 : memref<!tpu.dma_semaphore, #tpu.memory_space<semaphore_mem>>) src(%dma_wait3A_593 : memref<1000000x64xf32, #tpu.memory_space<hbm>>) dst(%dma_wait3A_585 : memref<128x64xf32, #tpu.memory_space<vmem>>)
      %gt3A = arith.constant 1 : i32
      %gt3A_594 = arith.cmpi sgt, %mul3A_579, %gt3A : i32
      %convert_element_type3A = arith.extui %gt3A_594 : i1 to i32
      %cond3A = arith.constant 0 : i32
      %cond3A_595 = arith.cmpi ne, %convert_element_type3A, %cond3A : i32
      scf.if %cond3A_595 {
        %dma_wait3A_1036 = arith.constant 0 : i32
        %dma_wait3A_1037 = arith.constant 0 : i32
        %dma_wait3A_1038 = arith.constant 0 : i32
        %dma_wait3A_1039 = arith.constant 0 : i32
        %dma_wait3A_1040 = arith.constant 0 : i32
        %dma_wait3A_1041 = arith.constant 0 : i32
        %dma_wait3A_1042 = tpu.memref_slice %arg10[%dma_wait3A_1036, %dma_wait3A_1040, %dma_wait3A_1041] : memref<2x64x129xf32, #tpu.memory_space<vmem>> -> memref<1x64x129xf32, #tpu.memory_space<vmem>>
        %dma_wait3A_1043 = tpu.memref_squeeze %dma_wait3A_1042 : memref<1x64x129xf32, #tpu.memory_space<vmem>> -> memref<64x129xf32, #tpu.memory_space<vmem>>
        %dma_wait3A_1044 = arith.constant 0 : i32
        %dma_wait3A_1045 = arith.constant 0 : i32
        %dma_wait3A_1046 = tpu.memref_slice %dma_wait3A_1043[%dma_wait3A_1044, %dma_wait3A_1045] : memref<64x129xf32, #tpu.memory_space<vmem>> -> memref<8x128xf32, #tpu.memory_space<vmem>>
        %dma_wait3A_1047 = arith.constant 0 : i32
        %dma_wait3A_1048 = arith.constant 0 : i32
        %dma_wait3A_1049 = tpu.memref_slice %arg5[%dma_wait3A_1037, %dma_wait3A_1038, %dma_wait3A_1039, %dma_wait3A_1047, %dma_wait3A_1048] : memref<200x8x32x8x128xf32, #tpu.memory_space<hbm>> -> memref<1x1x1x8x128xf32, #tpu.memory_space<hbm>>
        %dma_wait3A_1050 = tpu.memref_squeeze %dma_wait3A_1049 : memref<1x1x1x8x128xf32, #tpu.memory_space<hbm>> -> memref<8x128xf32, #tpu.memory_space<hbm>>
        %dma_wait3A_1051 = arith.constant 0 : i32
        %dma_wait3A_1052 = arith.constant 0 : i32
        %dma_wait3A_1053 = tpu.memref_slice %arg5[%dma_wait3A_1037, %dma_wait3A_1038, %dma_wait3A_1039, %dma_wait3A_1051, %dma_wait3A_1052] : memref<200x8x32x8x128xf32, #tpu.memory_space<hbm>> -> memref<1x1x1x8x128xf32, #tpu.memory_space<hbm>>
        %dma_wait3A_1054 = tpu.memref_squeeze %dma_wait3A_1053 : memref<1x1x1x8x128xf32, #tpu.memory_space<hbm>> -> memref<8x128xf32, #tpu.memory_space<hbm>>
        %dma_wait3A_1055 = arith.constant 0 : i32
        %dma_wait3A_1056 = arith.constant 0 : i32
        %dma_wait3A_1057 = tpu.memref_slice %arg10[%dma_wait3A_1036, %dma_wait3A_1055, %dma_wait3A_1056] : memref<2x64x129xf32, #tpu.memory_space<vmem>> -> memref<1x64x129xf32, #tpu.memory_space<vmem>>
        %dma_wait3A_1058 = tpu.memref_squeeze %dma_wait3A_1057 : memref<1x64x129xf32, #tpu.memory_space<vmem>> -> memref<64x129xf32, #tpu.memory_space<vmem>>
        %dma_wait3A_1059 = arith.constant 0 : i32
        %dma_wait3A_1060 = arith.constant 0 : i32
        %dma_wait3A_1061 = tpu.memref_slice %dma_wait3A_1058[%dma_wait3A_1059, %dma_wait3A_1060] : memref<64x129xf32, #tpu.memory_space<vmem>> -> memref<8x128xf32, #tpu.memory_space<vmem>>
        tpu.wait_dma2 semaphore(%arg13 : memref<!tpu.dma_semaphore, #tpu.memory_space<semaphore_mem>>) src(%dma_wait3A_1061 : memref<8x128xf32, #tpu.memory_space<vmem>>) dst(%dma_wait3A_1054 : memref<8x128xf32, #tpu.memory_space<hbm>>)
        %dma_wait3A_1062 = arith.constant 0 : i32
        %dma_wait3A_1063 = arith.constant 0 : i32
        %dma_wait3A_1064 = arith.constant 1 : i32
        %dma_wait3A_1065 = arith.constant 0 : i32
        %dma_wait3A_1066 = arith.constant 0 : i32
        %dma_wait3A_1067 = arith.constant 0 : i32
        %dma_wait3A_1068 = tpu.memref_slice %arg10[%dma_wait3A_1062, %dma_wait3A_1066, %dma_wait3A_1067] : memref<2x64x129xf32, #tpu.memory_space<vmem>> -> memref<1x64x129xf32, #tpu.memory_space<vmem>>
        %dma_wait3A_1069 = tpu.memref_squeeze %dma_wait3A_1068 : memref<1x64x129xf32, #tpu.memory_space<vmem>> -> memref<64x129xf32, #tpu.memory_space<vmem>>
        %dma_wait3A_1070 = arith.constant 8 : i32
        %dma_wait3A_1071 = arith.constant 0 : i32
        %dma_wait3A_1072 = tpu.memref_slice %dma_wait3A_1069[%dma_wait3A_1070, %dma_wait3A_1071] : memref<64x129xf32, #tpu.memory_space<vmem>> -> memref<8x128xf32, #tpu.memory_space<vmem>>
        %dma_wait3A_1073 = arith.constant 0 : i32
        %dma_wait3A_1074 = arith.constant 0 : i32
        %dma_wait3A_1075 = tpu.memref_slice %arg5[%dma_wait3A_1063, %dma_wait3A_1064, %dma_wait3A_1065, %dma_wait3A_1073, %dma_wait3A_1074] : memref<200x8x32x8x128xf32, #tpu.memory_space<hbm>> -> memref<1x1x1x8x128xf32, #tpu.memory_space<hbm>>
        %dma_wait3A_1076 = tpu.memref_squeeze %dma_wait3A_1075 : memref<1x1x1x8x128xf32, #tpu.memory_space<hbm>> -> memref<8x128xf32, #tpu.memory_space<hbm>>
        %dma_wait3A_1077 = arith.constant 0 : i32
        %dma_wait3A_1078 = arith.constant 0 : i32
        %dma_wait3A_1079 = tpu.memref_slice %arg5[%dma_wait3A_1063, %dma_wait3A_1064, %dma_wait3A_1065, %dma_wait3A_1077, %dma_wait3A_1078] : memref<200x8x32x8x128xf32, #tpu.memory_space<hbm>> -> memref<1x1x1x8x128xf32, #tpu.memory_space<hbm>>
        %dma_wait3A_1080 = tpu.memref_squeeze %dma_wait3A_1079 : memref<1x1x1x8x128xf32, #tpu.memory_space<hbm>> -> memref<8x128xf32, #tpu.memory_space<hbm>>
        %dma_wait3A_1081 = arith.constant 0 : i32
        %dma_wait3A_1082 = arith.constant 0 : i32
        %dma_wait3A_1083 = tpu.memref_slice %arg10[%dma_wait3A_1062, %dma_wait3A_1081, %dma_wait3A_1082] : memref<2x64x129xf32, #tpu.memory_space<vmem>> -> memref<1x64x129xf32, #tpu.memory_space<vmem>>
        %dma_wait3A_1084 = tpu.memref_squeeze %dma_wait3A_1083 : memref<1x64x129xf32, #tpu.memory_space<vmem>> -> memref<64x129xf32, #tpu.memory_space<vmem>>
        %dma_wait3A_1085 = arith.constant 8 : i32
        %dma_wait3A_1086 = arith.constant 0 : i32
        %dma_wait3A_1087 = tpu.memref_slice %dma_wait3A_1084[%dma_wait3A_1085, %dma_wait3A_1086] : memref<64x129xf32, #tpu.memory_space<vmem>> -> memref<8x128xf32, #tpu.memory_space<vmem>>
        tpu.wait_dma2 semaphore(%arg13 : memref<!tpu.dma_semaphore, #tpu.memory_space<semaphore_mem>>) src(%dma_wait3A_1087 : memref<8x128xf32, #tpu.memory_space<vmem>>) dst(%dma_wait3A_1080 : memref<8x128xf32, #tpu.memory_space<hbm>>)
        %dma_wait3A_1088 = arith.constant 0 : i32
        %dma_wait3A_1089 = arith.constant 0 : i32
        %dma_wait3A_1090 = arith.constant 2 : i32
        %dma_wait3A_1091 = arith.constant 0 : i32
        %dma_wait3A_1092 = arith.constant 0 : i32
        %dma_wait3A_1093 = arith.constant 0 : i32
        %dma_wait3A_1094 = tpu.memref_slice %arg10[%dma_wait3A_1088, %dma_wait3A_1092, %dma_wait3A_1093] : memref<2x64x129xf32, #tpu.memory_space<vmem>> -> memref<1x64x129xf32, #tpu.memory_space<vmem>>
        %dma_wait3A_1095 = tpu.memref_squeeze %dma_wait3A_1094 : memref<1x64x129xf32, #tpu.memory_space<vmem>> -> memref<64x129xf32, #tpu.memory_space<vmem>>
        %dma_wait3A_1096 = arith.constant 16 : i32
        %dma_wait3A_1097 = arith.constant 0 : i32
        %dma_wait3A_1098 = tpu.memref_slice %dma_wait3A_1095[%dma_wait3A_1096, %dma_wait3A_1097] : memref<64x129xf32, #tpu.memory_space<vmem>> -> memref<8x128xf32, #tpu.memory_space<vmem>>
        %dma_wait3A_1099 = arith.constant 0 : i32
        %dma_wait3A_1100 = arith.constant 0 : i32
        %dma_wait3A_1101 = tpu.memref_slice %arg5[%dma_wait3A_1089, %dma_wait3A_1090, %dma_wait3A_1091, %dma_wait3A_1099, %dma_wait3A_1100] : memref<200x8x32x8x128xf32, #tpu.memory_space<hbm>> -> memref<1x1x1x8x128xf32, #tpu.memory_space<hbm>>
        %dma_wait3A_1102 = tpu.memref_squeeze %dma_wait3A_1101 : memref<1x1x1x8x128xf32, #tpu.memory_space<hbm>> -> memref<8x128xf32, #tpu.memory_space<hbm>>
        %dma_wait3A_1103 = arith.constant 0 : i32
        %dma_wait3A_1104 = arith.constant 0 : i32
        %dma_wait3A_1105 = tpu.memref_slice %arg5[%dma_wait3A_1089, %dma_wait3A_1090, %dma_wait3A_1091, %dma_wait3A_1103, %dma_wait3A_1104] : memref<200x8x32x8x128xf32, #tpu.memory_space<hbm>> -> memref<1x1x1x8x128xf32, #tpu.memory_space<hbm>>
        %dma_wait3A_1106 = tpu.memref_squeeze %dma_wait3A_1105 : memref<1x1x1x8x128xf32, #tpu.memory_space<hbm>> -> memref<8x128xf32, #tpu.memory_space<hbm>>
        %dma_wait3A_1107 = arith.constant 0 : i32
        %dma_wait3A_1108 = arith.constant 0 : i32
        %dma_wait3A_1109 = tpu.memref_slice %arg10[%dma_wait3A_1088, %dma_wait3A_1107, %dma_wait3A_1108] : memref<2x64x129xf32, #tpu.memory_space<vmem>> -> memref<1x64x129xf32, #tpu.memory_space<vmem>>
        %dma_wait3A_1110 = tpu.memref_squeeze %dma_wait3A_1109 : memref<1x64x129xf32, #tpu.memory_space<vmem>> -> memref<64x129xf32, #tpu.memory_space<vmem>>
        %dma_wait3A_1111 = arith.constant 16 : i32
        %dma_wait3A_1112 = arith.constant 0 : i32
        %dma_wait3A_1113 = tpu.memref_slice %dma_wait3A_1110[%dma_wait3A_1111, %dma_wait3A_1112] : memref<64x129xf32, #tpu.memory_space<vmem>> -> memref<8x128xf32, #tpu.memory_space<vmem>>
        tpu.wait_dma2 semaphore(%arg13 : memref<!tpu.dma_semaphore, #tpu.memory_space<semaphore_mem>>) src(%dma_wait3A_1113 : memref<8x128xf32, #tpu.memory_space<vmem>>) dst(%dma_wait3A_1106 : memref<8x128xf32, #tpu.memory_space<hbm>>)
        %dma_wait3A_1114 = arith.constant 0 : i32
        %dma_wait3A_1115 = arith.constant 0 : i32
        %dma_wait3A_1116 = arith.constant 3 : i32
        %dma_wait3A_1117 = arith.constant 0 : i32
        %dma_wait3A_1118 = arith.constant 0 : i32
        %dma_wait3A_1119 = arith.constant 0 : i32
        %dma_wait3A_1120 = tpu.memref_slice %arg10[%dma_wait3A_1114, %dma_wait3A_1118, %dma_wait3A_1119] : memref<2x64x129xf32, #tpu.memory_space<vmem>> -> memref<1x64x129xf32, #tpu.memory_space<vmem>>
        %dma_wait3A_1121 = tpu.memref_squeeze %dma_wait3A_1120 : memref<1x64x129xf32, #tpu.memory_space<vmem>> -> memref<64x129xf32, #tpu.memory_space<vmem>>
        %dma_wait3A_1122 = arith.constant 24 : i32
        %dma_wait3A_1123 = arith.constant 0 : i32
        %dma_wait3A_1124 = tpu.memref_slice %dma_wait3A_1121[%dma_wait3A_1122, %dma_wait3A_1123] : memref<64x129xf32, #tpu.memory_space<vmem>> -> memref<8x128xf32, #tpu.memory_space<vmem>>
        %dma_wait3A_1125 = arith.constant 0 : i32
        %dma_wait3A_1126 = arith.constant 0 : i32
        %dma_wait3A_1127 = tpu.memref_slice %arg5[%dma_wait3A_1115, %dma_wait3A_1116, %dma_wait3A_1117, %dma_wait3A_1125, %dma_wait3A_1126] : memref<200x8x32x8x128xf32, #tpu.memory_space<hbm>> -> memref<1x1x1x8x128xf32, #tpu.memory_space<hbm>>
        %dma_wait3A_1128 = tpu.memref_squeeze %dma_wait3A_1127 : memref<1x1x1x8x128xf32, #tpu.memory_space<hbm>> -> memref<8x128xf32, #tpu.memory_space<hbm>>
        %dma_wait3A_1129 = arith.constant 0 : i32
        %dma_wait3A_1130 = arith.constant 0 : i32
        %dma_wait3A_1131 = tpu.memref_slice %arg5[%dma_wait3A_1115, %dma_wait3A_1116, %dma_wait3A_1117, %dma_wait3A_1129, %dma_wait3A_1130] : memref<200x8x32x8x128xf32, #tpu.memory_space<hbm>> -> memref<1x1x1x8x128xf32, #tpu.memory_space<hbm>>
        %dma_wait3A_1132 = tpu.memref_squeeze %dma_wait3A_1131 : memref<1x1x1x8x128xf32, #tpu.memory_space<hbm>> -> memref<8x128xf32, #tpu.memory_space<hbm>>
        %dma_wait3A_1133 = arith.constant 0 : i32
        %dma_wait3A_1134 = arith.constant 0 : i32
        %dma_wait3A_1135 = tpu.memref_slice %arg10[%dma_wait3A_1114, %dma_wait3A_1133, %dma_wait3A_1134] : memref<2x64x129xf32, #tpu.memory_space<vmem>> -> memref<1x64x129xf32, #tpu.memory_space<vmem>>
        %dma_wait3A_1136 = tpu.memref_squeeze %dma_wait3A_1135 : memref<1x64x129xf32, #tpu.memory_space<vmem>> -> memref<64x129xf32, #tpu.memory_space<vmem>>
        %dma_wait3A_1137 = arith.constant 24 : i32
        %dma_wait3A_1138 = arith.constant 0 : i32
        %dma_wait3A_1139 = tpu.memref_slice %dma_wait3A_1136[%dma_wait3A_1137, %dma_wait3A_1138] : memref<64x129xf32, #tpu.memory_space<vmem>> -> memref<8x128xf32, #tpu.memory_space<vmem>>
        tpu.wait_dma2 semaphore(%arg13 : memref<!tpu.dma_semaphore, #tpu.memory_space<semaphore_mem>>) src(%dma_wait3A_1139 : memref<8x128xf32, #tpu.memory_space<vmem>>) dst(%dma_wait3A_1132 : memref<8x128xf32, #tpu.memory_space<hbm>>)
        %dma_wait3A_1140 = arith.constant 0 : i32
        %dma_wait3A_1141 = arith.constant 0 : i32
        %dma_wait3A_1142 = arith.constant 4 : i32
        %dma_wait3A_1143 = arith.constant 0 : i32
        %dma_wait3A_1144 = arith.constant 0 : i32
        %dma_wait3A_1145 = arith.constant 0 : i32
        %dma_wait3A_1146 = tpu.memref_slice %arg10[%dma_wait3A_1140, %dma_wait3A_1144, %dma_wait3A_1145] : memref<2x64x129xf32, #tpu.memory_space<vmem>> -> memref<1x64x129xf32, #tpu.memory_space<vmem>>
        %dma_wait3A_1147 = tpu.memref_squeeze %dma_wait3A_1146 : memref<1x64x129xf32, #tpu.memory_space<vmem>> -> memref<64x129xf32, #tpu.memory_space<vmem>>
        %dma_wait3A_1148 = arith.constant 32 : i32
        %dma_wait3A_1149 = arith.constant 0 : i32
        %dma_wait3A_1150 = tpu.memref_slice %dma_wait3A_1147[%dma_wait3A_1148, %dma_wait3A_1149] : memref<64x129xf32, #tpu.memory_space<vmem>> -> memref<8x128xf32, #tpu.memory_space<vmem>>
        %dma_wait3A_1151 = arith.constant 0 : i32
        %dma_wait3A_1152 = arith.constant 0 : i32
        %dma_wait3A_1153 = tpu.memref_slice %arg5[%dma_wait3A_1141, %dma_wait3A_1142, %dma_wait3A_1143, %dma_wait3A_1151, %dma_wait3A_1152] : memref<200x8x32x8x128xf32, #tpu.memory_space<hbm>> -> memref<1x1x1x8x128xf32, #tpu.memory_space<hbm>>
        %dma_wait3A_1154 = tpu.memref_squeeze %dma_wait3A_1153 : memref<1x1x1x8x128xf32, #tpu.memory_space<hbm>> -> memref<8x128xf32, #tpu.memory_space<hbm>>
        %dma_wait3A_1155 = arith.constant 0 : i32
        %dma_wait3A_1156 = arith.constant 0 : i32
        %dma_wait3A_1157 = tpu.memref_slice %arg5[%dma_wait3A_1141, %dma_wait3A_1142, %dma_wait3A_1143, %dma_wait3A_1155, %dma_wait3A_1156] : memref<200x8x32x8x128xf32, #tpu.memory_space<hbm>> -> memref<1x1x1x8x128xf32, #tpu.memory_space<hbm>>
        %dma_wait3A_1158 = tpu.memref_squeeze %dma_wait3A_1157 : memref<1x1x1x8x128xf32, #tpu.memory_space<hbm>> -> memref<8x128xf32, #tpu.memory_space<hbm>>
        %dma_wait3A_1159 = arith.constant 0 : i32
        %dma_wait3A_1160 = arith.constant 0 : i32
        %dma_wait3A_1161 = tpu.memref_slice %arg10[%dma_wait3A_1140, %dma_wait3A_1159, %dma_wait3A_1160] : memref<2x64x129xf32, #tpu.memory_space<vmem>> -> memref<1x64x129xf32, #tpu.memory_space<vmem>>
        %dma_wait3A_1162 = tpu.memref_squeeze %dma_wait3A_1161 : memref<1x64x129xf32, #tpu.memory_space<vmem>> -> memref<64x129xf32, #tpu.memory_space<vmem>>
        %dma_wait3A_1163 = arith.constant 32 : i32
        %dma_wait3A_1164 = arith.constant 0 : i32
        %dma_wait3A_1165 = tpu.memref_slice %dma_wait3A_1162[%dma_wait3A_1163, %dma_wait3A_1164] : memref<64x129xf32, #tpu.memory_space<vmem>> -> memref<8x128xf32, #tpu.memory_space<vmem>>
        tpu.wait_dma2 semaphore(%arg13 : memref<!tpu.dma_semaphore, #tpu.memory_space<semaphore_mem>>) src(%dma_wait3A_1165 : memref<8x128xf32, #tpu.memory_space<vmem>>) dst(%dma_wait3A_1158 : memref<8x128xf32, #tpu.memory_space<hbm>>)
        %dma_wait3A_1166 = arith.constant 0 : i32
        %dma_wait3A_1167 = arith.constant 0 : i32
        %dma_wait3A_1168 = arith.constant 5 : i32
        %dma_wait3A_1169 = arith.constant 0 : i32
        %dma_wait3A_1170 = arith.constant 0 : i32
        %dma_wait3A_1171 = arith.constant 0 : i32
        %dma_wait3A_1172 = tpu.memref_slice %arg10[%dma_wait3A_1166, %dma_wait3A_1170, %dma_wait3A_1171] : memref<2x64x129xf32, #tpu.memory_space<vmem>> -> memref<1x64x129xf32, #tpu.memory_space<vmem>>
        %dma_wait3A_1173 = tpu.memref_squeeze %dma_wait3A_1172 : memref<1x64x129xf32, #tpu.memory_space<vmem>> -> memref<64x129xf32, #tpu.memory_space<vmem>>
        %dma_wait3A_1174 = arith.constant 40 : i32
        %dma_wait3A_1175 = arith.constant 0 : i32
        %dma_wait3A_1176 = tpu.memref_slice %dma_wait3A_1173[%dma_wait3A_1174, %dma_wait3A_1175] : memref<64x129xf32, #tpu.memory_space<vmem>> -> memref<8x128xf32, #tpu.memory_space<vmem>>
        %dma_wait3A_1177 = arith.constant 0 : i32
        %dma_wait3A_1178 = arith.constant 0 : i32
        %dma_wait3A_1179 = tpu.memref_slice %arg5[%dma_wait3A_1167, %dma_wait3A_1168, %dma_wait3A_1169, %dma_wait3A_1177, %dma_wait3A_1178] : memref<200x8x32x8x128xf32, #tpu.memory_space<hbm>> -> memref<1x1x1x8x128xf32, #tpu.memory_space<hbm>>
        %dma_wait3A_1180 = tpu.memref_squeeze %dma_wait3A_1179 : memref<1x1x1x8x128xf32, #tpu.memory_space<hbm>> -> memref<8x128xf32, #tpu.memory_space<hbm>>
        %dma_wait3A_1181 = arith.constant 0 : i32
        %dma_wait3A_1182 = arith.constant 0 : i32
        %dma_wait3A_1183 = tpu.memref_slice %arg5[%dma_wait3A_1167, %dma_wait3A_1168, %dma_wait3A_1169, %dma_wait3A_1181, %dma_wait3A_1182] : memref<200x8x32x8x128xf32, #tpu.memory_space<hbm>> -> memref<1x1x1x8x128xf32, #tpu.memory_space<hbm>>
        %dma_wait3A_1184 = tpu.memref_squeeze %dma_wait3A_1183 : memref<1x1x1x8x128xf32, #tpu.memory_space<hbm>> -> memref<8x128xf32, #tpu.memory_space<hbm>>
        %dma_wait3A_1185 = arith.constant 0 : i32
        %dma_wait3A_1186 = arith.constant 0 : i32
        %dma_wait3A_1187 = tpu.memref_slice %arg10[%dma_wait3A_1166, %dma_wait3A_1185, %dma_wait3A_1186] : memref<2x64x129xf32, #tpu.memory_space<vmem>> -> memref<1x64x129xf32, #tpu.memory_space<vmem>>
        %dma_wait3A_1188 = tpu.memref_squeeze %dma_wait3A_1187 : memref<1x64x129xf32, #tpu.memory_space<vmem>> -> memref<64x129xf32, #tpu.memory_space<vmem>>
        %dma_wait3A_1189 = arith.constant 40 : i32
        %dma_wait3A_1190 = arith.constant 0 : i32
        %dma_wait3A_1191 = tpu.memref_slice %dma_wait3A_1188[%dma_wait3A_1189, %dma_wait3A_1190] : memref<64x129xf32, #tpu.memory_space<vmem>> -> memref<8x128xf32, #tpu.memory_space<vmem>>
        tpu.wait_dma2 semaphore(%arg13 : memref<!tpu.dma_semaphore, #tpu.memory_space<semaphore_mem>>) src(%dma_wait3A_1191 : memref<8x128xf32, #tpu.memory_space<vmem>>) dst(%dma_wait3A_1184 : memref<8x128xf32, #tpu.memory_space<hbm>>)
        %dma_wait3A_1192 = arith.constant 0 : i32
        %dma_wait3A_1193 = arith.constant 0 : i32
        %dma_wait3A_1194 = arith.constant 6 : i32
        %dma_wait3A_1195 = arith.constant 0 : i32
        %dma_wait3A_1196 = arith.constant 0 : i32
        %dma_wait3A_1197 = arith.constant 0 : i32
        %dma_wait3A_1198 = tpu.memref_slice %arg10[%dma_wait3A_1192, %dma_wait3A_1196, %dma_wait3A_1197] : memref<2x64x129xf32, #tpu.memory_space<vmem>> -> memref<1x64x129xf32, #tpu.memory_space<vmem>>
        %dma_wait3A_1199 = tpu.memref_squeeze %dma_wait3A_1198 : memref<1x64x129xf32, #tpu.memory_space<vmem>> -> memref<64x129xf32, #tpu.memory_space<vmem>>
        %dma_wait3A_1200 = arith.constant 48 : i32
        %dma_wait3A_1201 = arith.constant 0 : i32
        %dma_wait3A_1202 = tpu.memref_slice %dma_wait3A_1199[%dma_wait3A_1200, %dma_wait3A_1201] : memref<64x129xf32, #tpu.memory_space<vmem>> -> memref<8x128xf32, #tpu.memory_space<vmem>>
        %dma_wait3A_1203 = arith.constant 0 : i32
        %dma_wait3A_1204 = arith.constant 0 : i32
        %dma_wait3A_1205 = tpu.memref_slice %arg5[%dma_wait3A_1193, %dma_wait3A_1194, %dma_wait3A_1195, %dma_wait3A_1203, %dma_wait3A_1204] : memref<200x8x32x8x128xf32, #tpu.memory_space<hbm>> -> memref<1x1x1x8x128xf32, #tpu.memory_space<hbm>>
        %dma_wait3A_1206 = tpu.memref_squeeze %dma_wait3A_1205 : memref<1x1x1x8x128xf32, #tpu.memory_space<hbm>> -> memref<8x128xf32, #tpu.memory_space<hbm>>
        %dma_wait3A_1207 = arith.constant 0 : i32
        %dma_wait3A_1208 = arith.constant 0 : i32
        %dma_wait3A_1209 = tpu.memref_slice %arg5[%dma_wait3A_1193, %dma_wait3A_1194, %dma_wait3A_1195, %dma_wait3A_1207, %dma_wait3A_1208] : memref<200x8x32x8x128xf32, #tpu.memory_space<hbm>> -> memref<1x1x1x8x128xf32, #tpu.memory_space<hbm>>
        %dma_wait3A_1210 = tpu.memref_squeeze %dma_wait3A_1209 : memref<1x1x1x8x128xf32, #tpu.memory_space<hbm>> -> memref<8x128xf32, #tpu.memory_space<hbm>>
        %dma_wait3A_1211 = arith.constant 0 : i32
        %dma_wait3A_1212 = arith.constant 0 : i32
        %dma_wait3A_1213 = tpu.memref_slice %arg10[%dma_wait3A_1192, %dma_wait3A_1211, %dma_wait3A_1212] : memref<2x64x129xf32, #tpu.memory_space<vmem>> -> memref<1x64x129xf32, #tpu.memory_space<vmem>>
        %dma_wait3A_1214 = tpu.memref_squeeze %dma_wait3A_1213 : memref<1x64x129xf32, #tpu.memory_space<vmem>> -> memref<64x129xf32, #tpu.memory_space<vmem>>
        %dma_wait3A_1215 = arith.constant 48 : i32
        %dma_wait3A_1216 = arith.constant 0 : i32
        %dma_wait3A_1217 = tpu.memref_slice %dma_wait3A_1214[%dma_wait3A_1215, %dma_wait3A_1216] : memref<64x129xf32, #tpu.memory_space<vmem>> -> memref<8x128xf32, #tpu.memory_space<vmem>>
        tpu.wait_dma2 semaphore(%arg13 : memref<!tpu.dma_semaphore, #tpu.memory_space<semaphore_mem>>) src(%dma_wait3A_1217 : memref<8x128xf32, #tpu.memory_space<vmem>>) dst(%dma_wait3A_1210 : memref<8x128xf32, #tpu.memory_space<hbm>>)
        %dma_wait3A_1218 = arith.constant 0 : i32
        %dma_wait3A_1219 = arith.constant 0 : i32
        %dma_wait3A_1220 = arith.constant 7 : i32
        %dma_wait3A_1221 = arith.constant 0 : i32
        %dma_wait3A_1222 = arith.constant 0 : i32
        %dma_wait3A_1223 = arith.constant 0 : i32
        %dma_wait3A_1224 = tpu.memref_slice %arg10[%dma_wait3A_1218, %dma_wait3A_1222, %dma_wait3A_1223] : memref<2x64x129xf32, #tpu.memory_space<vmem>> -> memref<1x64x129xf32, #tpu.memory_space<vmem>>
        %dma_wait3A_1225 = tpu.memref_squeeze %dma_wait3A_1224 : memref<1x64x129xf32, #tpu.memory_space<vmem>> -> memref<64x129xf32, #tpu.memory_space<vmem>>
        %dma_wait3A_1226 = arith.constant 56 : i32
        %dma_wait3A_1227 = arith.constant 0 : i32
        %dma_wait3A_1228 = tpu.memref_slice %dma_wait3A_1225[%dma_wait3A_1226, %dma_wait3A_1227] : memref<64x129xf32, #tpu.memory_space<vmem>> -> memref<8x128xf32, #tpu.memory_space<vmem>>
        %dma_wait3A_1229 = arith.constant 0 : i32
        %dma_wait3A_1230 = arith.constant 0 : i32
        %dma_wait3A_1231 = tpu.memref_slice %arg5[%dma_wait3A_1219, %dma_wait3A_1220, %dma_wait3A_1221, %dma_wait3A_1229, %dma_wait3A_1230] : memref<200x8x32x8x128xf32, #tpu.memory_space<hbm>> -> memref<1x1x1x8x128xf32, #tpu.memory_space<hbm>>
        %dma_wait3A_1232 = tpu.memref_squeeze %dma_wait3A_1231 : memref<1x1x1x8x128xf32, #tpu.memory_space<hbm>> -> memref<8x128xf32, #tpu.memory_space<hbm>>
        %dma_wait3A_1233 = arith.constant 0 : i32
        %dma_wait3A_1234 = arith.constant 0 : i32
        %dma_wait3A_1235 = tpu.memref_slice %arg5[%dma_wait3A_1219, %dma_wait3A_1220, %dma_wait3A_1221, %dma_wait3A_1233, %dma_wait3A_1234] : memref<200x8x32x8x128xf32, #tpu.memory_space<hbm>> -> memref<1x1x1x8x128xf32, #tpu.memory_space<hbm>>
        %dma_wait3A_1236 = tpu.memref_squeeze %dma_wait3A_1235 : memref<1x1x1x8x128xf32, #tpu.memory_space<hbm>> -> memref<8x128xf32, #tpu.memory_space<hbm>>
        %dma_wait3A_1237 = arith.constant 0 : i32
        %dma_wait3A_1238 = arith.constant 0 : i32
        %dma_wait3A_1239 = tpu.memref_slice %arg10[%dma_wait3A_1218, %dma_wait3A_1237, %dma_wait3A_1238] : memref<2x64x129xf32, #tpu.memory_space<vmem>> -> memref<1x64x129xf32, #tpu.memory_space<vmem>>
        %dma_wait3A_1240 = tpu.memref_squeeze %dma_wait3A_1239 : memref<1x64x129xf32, #tpu.memory_space<vmem>> -> memref<64x129xf32, #tpu.memory_space<vmem>>
        %dma_wait3A_1241 = arith.constant 56 : i32
        %dma_wait3A_1242 = arith.constant 0 : i32
        %dma_wait3A_1243 = tpu.memref_slice %dma_wait3A_1240[%dma_wait3A_1241, %dma_wait3A_1242] : memref<64x129xf32, #tpu.memory_space<vmem>> -> memref<8x128xf32, #tpu.memory_space<vmem>>
        tpu.wait_dma2 semaphore(%arg13 : memref<!tpu.dma_semaphore, #tpu.memory_space<semaphore_mem>>) src(%dma_wait3A_1243 : memref<8x128xf32, #tpu.memory_space<vmem>>) dst(%dma_wait3A_1236 : memref<8x128xf32, #tpu.memory_space<hbm>>)
      } else {
      }
      %add3A_596 = arith.constant 2 : i32
      %add3A_597 = arith.addi %mul3A_579, %add3A_596 : i32
      %min3A = arith.constant 199 : i32
      %min3A_598 = arith.minsi %add3A_597, %min3A : i32
      %dma_start3A_599 = arith.constant 0 : i32
      %dma_start3A_600 = arith.constant 0 : i32
      %dma_start3A_601 = arith.constant 0 : i32
      %dma_start3A_602 = tpu.memref_slice %arg9[%dma_start3A_599, %dma_start3A_600, %dma_start3A_601] : memref<2x128x64xf32, #tpu.memory_space<vmem>> -> memref<1x128x64xf32, #tpu.memory_space<vmem>>
      %dma_start3A_603 = tpu.memref_squeeze %dma_start3A_602 : memref<1x128x64xf32, #tpu.memory_space<vmem>> -> memref<128x64xf32, #tpu.memory_space<vmem>>
      %dma_start3A_604 = arith.constant 0 : i32
      %dma_start3A_605 = tpu.memref_slice %arg8[%min3A_598, %dma_start3A_604] : memref<208x129xi32, #tpu.memory_space<vmem>> -> memref<1x129xi32, #tpu.memory_space<vmem>>
      %dma_start3A_606 = tpu.memref_squeeze %dma_start3A_605 : memref<1x129xi32, #tpu.memory_space<vmem>> -> memref<129xi32, #tpu.memory_space<vmem>>
      %dma_start3A_607 = arith.constant 0 : i32
      %dma_start3A_608 = tpu.memref_slice %dma_start3A_606[%dma_start3A_607] : memref<129xi32, #tpu.memory_space<vmem>> -> memref<128xi32, #tpu.memory_space<vmem>>
      %dma_start3A_609 = arith.constant 0 : i32
      %dma_start3A_610 = arith.constant 0 : i32
      %dma_start3A_611 = tpu.memref_slice %arg2[%dma_start3A_609, %dma_start3A_610] : memref<1000000x64xf32, #tpu.memory_space<hbm>> -> memref<1000000x64xf32, #tpu.memory_space<hbm>>
      tpu.enqueue_indirect_dma source(%dma_start3A_611 : memref<1000000x64xf32, #tpu.memory_space<hbm>>) target(%dma_start3A_603 : memref<128x64xf32, #tpu.memory_space<vmem>>) offsets(%dma_start3A_608 : memref<128xi32, #tpu.memory_space<vmem>>) semaphore(%arg11 : memref<!tpu.dma_semaphore, #tpu.memory_space<semaphore_mem>>)
      %dma_start3A_612 = arith.constant 0 : i32
      %dma_start3A_613 = arith.constant 0 : i32
      %dma_start3A_614 = arith.constant 0 : i32
      %dma_start3A_615 = arith.constant 0 : i32
      %dma_start3A_616 = tpu.memref_slice %arg10[%dma_start3A_612, %dma_start3A_614, %dma_start3A_615] : memref<2x64x129xf32, #tpu.memory_space<vmem>> -> memref<1x64x129xf32, #tpu.memory_space<vmem>>
      %dma_start3A_617 = tpu.memref_squeeze %dma_start3A_616 : memref<1x64x129xf32, #tpu.memory_space<vmem>> -> memref<64x129xf32, #tpu.memory_space<vmem>>
      %dma_start3A_618 = arith.constant 0 : i32
      %dma_start3A_619 = arith.constant 0 : i32
      %dma_start3A_620 = tpu.memref_slice %dma_start3A_617[%dma_start3A_618, %dma_start3A_619] : memref<64x129xf32, #tpu.memory_space<vmem>> -> memref<8x128xf32, #tpu.memory_space<vmem>>
      %dma_start3A_621 = arith.constant 0 : i32
      %dma_start3A_622 = arith.constant 0 : i32
      %dma_start3A_623 = tpu.memref_slice %arg5[%mul3A_579, %dma_start3A_613, %add3A, %dma_start3A_621, %dma_start3A_622] : memref<200x8x32x8x128xf32, #tpu.memory_space<hbm>> -> memref<1x1x1x8x128xf32, #tpu.memory_space<hbm>>
      %dma_start3A_624 = tpu.memref_squeeze %dma_start3A_623 : memref<1x1x1x8x128xf32, #tpu.memory_space<hbm>> -> memref<8x128xf32, #tpu.memory_space<hbm>>
      %dma_start3A_625 = arith.constant 0 : i32
      %dma_start3A_626 = arith.constant 0 : i32
      %dma_start3A_627 = tpu.memref_slice %arg5[%mul3A_579, %dma_start3A_613, %add3A, %dma_start3A_625, %dma_start3A_626] : memref<200x8x32x8x128xf32, #tpu.memory_space<hbm>> -> memref<1x1x1x8x128xf32, #tpu.memory_space<hbm>>
      %dma_start3A_628 = tpu.memref_squeeze %dma_start3A_627 : memref<1x1x1x8x128xf32, #tpu.memory_space<hbm>> -> memref<8x128xf32, #tpu.memory_space<hbm>>
      %dma_start3A_629 = arith.constant 0 : i32
      %dma_start3A_630 = arith.constant 0 : i32
      %dma_start3A_631 = tpu.memref_slice %arg10[%dma_start3A_612, %dma_start3A_629, %dma_start3A_630] : memref<2x64x129xf32, #tpu.memory_space<vmem>> -> memref<1x64x129xf32, #tpu.memory_space<vmem>>
      %dma_start3A_632 = tpu.memref_squeeze %dma_start3A_631 : memref<1x64x129xf32, #tpu.memory_space<vmem>> -> memref<64x129xf32, #tpu.memory_space<vmem>>
      %dma_start3A_633 = arith.constant 0 : i32
      %dma_start3A_634 = arith.constant 0 : i32
      %dma_start3A_635 = tpu.memref_slice %dma_start3A_632[%dma_start3A_633, %dma_start3A_634] : memref<64x129xf32, #tpu.memory_space<vmem>> -> memref<8x128xf32, #tpu.memory_space<vmem>>
      tpu.enqueue_dma source(%dma_start3A_635 : memref<8x128xf32, #tpu.memory_space<vmem>>) target(%dma_start3A_628 : memref<8x128xf32, #tpu.memory_space<hbm>>) target_semaphore(%arg13 : memref<!tpu.dma_semaphore, #tpu.memory_space<semaphore_mem>>)
      %dma_start3A_636 = arith.constant 0 : i32
      %dma_start3A_637 = arith.constant 1 : i32
      %dma_start3A_638 = arith.constant 0 : i32
      %dma_start3A_639 = arith.constant 0 : i32
      %dma_start3A_640 = tpu.memref_slice %arg10[%dma_start3A_636, %dma_start3A_638, %dma_start3A_639] : memref<2x64x129xf32, #tpu.memory_space<vmem>> -> memref<1x64x129xf32, #tpu.memory_space<vmem>>
      %dma_start3A_641 = tpu.memref_squeeze %dma_start3A_640 : memref<1x64x129xf32, #tpu.memory_space<vmem>> -> memref<64x129xf32, #tpu.memory_space<vmem>>
      %dma_start3A_642 = arith.constant 8 : i32
      %dma_start3A_643 = arith.constant 0 : i32
      %dma_start3A_644 = tpu.memref_slice %dma_start3A_641[%dma_start3A_642, %dma_start3A_643] : memref<64x129xf32, #tpu.memory_space<vmem>> -> memref<8x128xf32, #tpu.memory_space<vmem>>
      %dma_start3A_645 = arith.constant 0 : i32
      %dma_start3A_646 = arith.constant 0 : i32
      %dma_start3A_647 = tpu.memref_slice %arg5[%mul3A_579, %dma_start3A_637, %add3A, %dma_start3A_645, %dma_start3A_646] : memref<200x8x32x8x128xf32, #tpu.memory_space<hbm>> -> memref<1x1x1x8x128xf32, #tpu.memory_space<hbm>>
      %dma_start3A_648 = tpu.memref_squeeze %dma_start3A_647 : memref<1x1x1x8x128xf32, #tpu.memory_space<hbm>> -> memref<8x128xf32, #tpu.memory_space<hbm>>
      %dma_start3A_649 = arith.constant 0 : i32
      %dma_start3A_650 = arith.constant 0 : i32
      %dma_start3A_651 = tpu.memref_slice %arg5[%mul3A_579, %dma_start3A_637, %add3A, %dma_start3A_649, %dma_start3A_650] : memref<200x8x32x8x128xf32, #tpu.memory_space<hbm>> -> memref<1x1x1x8x128xf32, #tpu.memory_space<hbm>>
      %dma_start3A_652 = tpu.memref_squeeze %dma_start3A_651 : memref<1x1x1x8x128xf32, #tpu.memory_space<hbm>> -> memref<8x128xf32, #tpu.memory_space<hbm>>
      %dma_start3A_653 = arith.constant 0 : i32
      %dma_start3A_654 = arith.constant 0 : i32
      %dma_start3A_655 = tpu.memref_slice %arg10[%dma_start3A_636, %dma_start3A_653, %dma_start3A_654] : memref<2x64x129xf32, #tpu.memory_space<vmem>> -> memref<1x64x129xf32, #tpu.memory_space<vmem>>
      %dma_start3A_656 = tpu.memref_squeeze %dma_start3A_655 : memref<1x64x129xf32, #tpu.memory_space<vmem>> -> memref<64x129xf32, #tpu.memory_space<vmem>>
      %dma_start3A_657 = arith.constant 8 : i32
      %dma_start3A_658 = arith.constant 0 : i32
      %dma_start3A_659 = tpu.memref_slice %dma_start3A_656[%dma_start3A_657, %dma_start3A_658] : memref<64x129xf32, #tpu.memory_space<vmem>> -> memref<8x128xf32, #tpu.memory_space<vmem>>
      tpu.enqueue_dma source(%dma_start3A_659 : memref<8x128xf32, #tpu.memory_space<vmem>>) target(%dma_start3A_652 : memref<8x128xf32, #tpu.memory_space<hbm>>) target_semaphore(%arg13 : memref<!tpu.dma_semaphore, #tpu.memory_space<semaphore_mem>>)
      %dma_start3A_660 = arith.constant 0 : i32
      %dma_start3A_661 = arith.constant 2 : i32
      %dma_start3A_662 = arith.constant 0 : i32
      %dma_start3A_663 = arith.constant 0 : i32
      %dma_start3A_664 = tpu.memref_slice %arg10[%dma_start3A_660, %dma_start3A_662, %dma_start3A_663] : memref<2x64x129xf32, #tpu.memory_space<vmem>> -> memref<1x64x129xf32, #tpu.memory_space<vmem>>
      %dma_start3A_665 = tpu.memref_squeeze %dma_start3A_664 : memref<1x64x129xf32, #tpu.memory_space<vmem>> -> memref<64x129xf32, #tpu.memory_space<vmem>>
      %dma_start3A_666 = arith.constant 16 : i32
      %dma_start3A_667 = arith.constant 0 : i32
      %dma_start3A_668 = tpu.memref_slice %dma_start3A_665[%dma_start3A_666, %dma_start3A_667] : memref<64x129xf32, #tpu.memory_space<vmem>> -> memref<8x128xf32, #tpu.memory_space<vmem>>
      %dma_start3A_669 = arith.constant 0 : i32
      %dma_start3A_670 = arith.constant 0 : i32
      %dma_start3A_671 = tpu.memref_slice %arg5[%mul3A_579, %dma_start3A_661, %add3A, %dma_start3A_669, %dma_start3A_670] : memref<200x8x32x8x128xf32, #tpu.memory_space<hbm>> -> memref<1x1x1x8x128xf32, #tpu.memory_space<hbm>>
      %dma_start3A_672 = tpu.memref_squeeze %dma_start3A_671 : memref<1x1x1x8x128xf32, #tpu.memory_space<hbm>> -> memref<8x128xf32, #tpu.memory_space<hbm>>
      %dma_start3A_673 = arith.constant 0 : i32
      %dma_start3A_674 = arith.constant 0 : i32
      %dma_start3A_675 = tpu.memref_slice %arg5[%mul3A_579, %dma_start3A_661, %add3A, %dma_start3A_673, %dma_start3A_674] : memref<200x8x32x8x128xf32, #tpu.memory_space<hbm>> -> memref<1x1x1x8x128xf32, #tpu.memory_space<hbm>>
      %dma_start3A_676 = tpu.memref_squeeze %dma_start3A_675 : memref<1x1x1x8x128xf32, #tpu.memory_space<hbm>> -> memref<8x128xf32, #tpu.memory_space<hbm>>
      %dma_start3A_677 = arith.constant 0 : i32
      %dma_start3A_678 = arith.constant 0 : i32
      %dma_start3A_679 = tpu.memref_slice %arg10[%dma_start3A_660, %dma_start3A_677, %dma_start3A_678] : memref<2x64x129xf32, #tpu.memory_space<vmem>> -> memref<1x64x129xf32, #tpu.memory_space<vmem>>
      %dma_start3A_680 = tpu.memref_squeeze %dma_start3A_679 : memref<1x64x129xf32, #tpu.memory_space<vmem>> -> memref<64x129xf32, #tpu.memory_space<vmem>>
      %dma_start3A_681 = arith.constant 16 : i32
      %dma_start3A_682 = arith.constant 0 : i32
      %dma_start3A_683 = tpu.memref_slice %dma_start3A_680[%dma_start3A_681, %dma_start3A_682] : memref<64x129xf32, #tpu.memory_space<vmem>> -> memref<8x128xf32, #tpu.memory_space<vmem>>
      tpu.enqueue_dma source(%dma_start3A_683 : memref<8x128xf32, #tpu.memory_space<vmem>>) target(%dma_start3A_676 : memref<8x128xf32, #tpu.memory_space<hbm>>) target_semaphore(%arg13 : memref<!tpu.dma_semaphore, #tpu.memory_space<semaphore_mem>>)
      %dma_start3A_684 = arith.constant 0 : i32
      %dma_start3A_685 = arith.constant 3 : i32
      %dma_start3A_686 = arith.constant 0 : i32
      %dma_start3A_687 = arith.constant 0 : i32
      %dma_start3A_688 = tpu.memref_slice %arg10[%dma_start3A_684, %dma_start3A_686, %dma_start3A_687] : memref<2x64x129xf32, #tpu.memory_space<vmem>> -> memref<1x64x129xf32, #tpu.memory_space<vmem>>
      %dma_start3A_689 = tpu.memref_squeeze %dma_start3A_688 : memref<1x64x129xf32, #tpu.memory_space<vmem>> -> memref<64x129xf32, #tpu.memory_space<vmem>>
      %dma_start3A_690 = arith.constant 24 : i32
      %dma_start3A_691 = arith.constant 0 : i32
      %dma_start3A_692 = tpu.memref_slice %dma_start3A_689[%dma_start3A_690, %dma_start3A_691] : memref<64x129xf32, #tpu.memory_space<vmem>> -> memref<8x128xf32, #tpu.memory_space<vmem>>
      %dma_start3A_693 = arith.constant 0 : i32
      %dma_start3A_694 = arith.constant 0 : i32
      %dma_start3A_695 = tpu.memref_slice %arg5[%mul3A_579, %dma_start3A_685, %add3A, %dma_start3A_693, %dma_start3A_694] : memref<200x8x32x8x128xf32, #tpu.memory_space<hbm>> -> memref<1x1x1x8x128xf32, #tpu.memory_space<hbm>>
      %dma_start3A_696 = tpu.memref_squeeze %dma_start3A_695 : memref<1x1x1x8x128xf32, #tpu.memory_space<hbm>> -> memref<8x128xf32, #tpu.memory_space<hbm>>
      %dma_start3A_697 = arith.constant 0 : i32
      %dma_start3A_698 = arith.constant 0 : i32
      %dma_start3A_699 = tpu.memref_slice %arg5[%mul3A_579, %dma_start3A_685, %add3A, %dma_start3A_697, %dma_start3A_698] : memref<200x8x32x8x128xf32, #tpu.memory_space<hbm>> -> memref<1x1x1x8x128xf32, #tpu.memory_space<hbm>>
      %dma_start3A_700 = tpu.memref_squeeze %dma_start3A_699 : memref<1x1x1x8x128xf32, #tpu.memory_space<hbm>> -> memref<8x128xf32, #tpu.memory_space<hbm>>
      %dma_start3A_701 = arith.constant 0 : i32
      %dma_start3A_702 = arith.constant 0 : i32
      %dma_start3A_703 = tpu.memref_slice %arg10[%dma_start3A_684, %dma_start3A_701, %dma_start3A_702] : memref<2x64x129xf32, #tpu.memory_space<vmem>> -> memref<1x64x129xf32, #tpu.memory_space<vmem>>
      %dma_start3A_704 = tpu.memref_squeeze %dma_start3A_703 : memref<1x64x129xf32, #tpu.memory_space<vmem>> -> memref<64x129xf32, #tpu.memory_space<vmem>>
      %dma_start3A_705 = arith.constant 24 : i32
      %dma_start3A_706 = arith.constant 0 : i32
      %dma_start3A_707 = tpu.memref_slice %dma_start3A_704[%dma_start3A_705, %dma_start3A_706] : memref<64x129xf32, #tpu.memory_space<vmem>> -> memref<8x128xf32, #tpu.memory_space<vmem>>
      tpu.enqueue_dma source(%dma_start3A_707 : memref<8x128xf32, #tpu.memory_space<vmem>>) target(%dma_start3A_700 : memref<8x128xf32, #tpu.memory_space<hbm>>) target_semaphore(%arg13 : memref<!tpu.dma_semaphore, #tpu.memory_space<semaphore_mem>>)
      %dma_start3A_708 = arith.constant 0 : i32
      %dma_start3A_709 = arith.constant 4 : i32
      %dma_start3A_710 = arith.constant 0 : i32
      %dma_start3A_711 = arith.constant 0 : i32
      %dma_start3A_712 = tpu.memref_slice %arg10[%dma_start3A_708, %dma_start3A_710, %dma_start3A_711] : memref<2x64x129xf32, #tpu.memory_space<vmem>> -> memref<1x64x129xf32, #tpu.memory_space<vmem>>
      %dma_start3A_713 = tpu.memref_squeeze %dma_start3A_712 : memref<1x64x129xf32, #tpu.memory_space<vmem>> -> memref<64x129xf32, #tpu.memory_space<vmem>>
      %dma_start3A_714 = arith.constant 32 : i32
      %dma_start3A_715 = arith.constant 0 : i32
      %dma_start3A_716 = tpu.memref_slice %dma_start3A_713[%dma_start3A_714, %dma_start3A_715] : memref<64x129xf32, #tpu.memory_space<vmem>> -> memref<8x128xf32, #tpu.memory_space<vmem>>
      %dma_start3A_717 = arith.constant 0 : i32
      %dma_start3A_718 = arith.constant 0 : i32
      %dma_start3A_719 = tpu.memref_slice %arg5[%mul3A_579, %dma_start3A_709, %add3A, %dma_start3A_717, %dma_start3A_718] : memref<200x8x32x8x128xf32, #tpu.memory_space<hbm>> -> memref<1x1x1x8x128xf32, #tpu.memory_space<hbm>>
      %dma_start3A_720 = tpu.memref_squeeze %dma_start3A_719 : memref<1x1x1x8x128xf32, #tpu.memory_space<hbm>> -> memref<8x128xf32, #tpu.memory_space<hbm>>
      %dma_start3A_721 = arith.constant 0 : i32
      %dma_start3A_722 = arith.constant 0 : i32
      %dma_start3A_723 = tpu.memref_slice %arg5[%mul3A_579, %dma_start3A_709, %add3A, %dma_start3A_721, %dma_start3A_722] : memref<200x8x32x8x128xf32, #tpu.memory_space<hbm>> -> memref<1x1x1x8x128xf32, #tpu.memory_space<hbm>>
      %dma_start3A_724 = tpu.memref_squeeze %dma_start3A_723 : memref<1x1x1x8x128xf32, #tpu.memory_space<hbm>> -> memref<8x128xf32, #tpu.memory_space<hbm>>
      %dma_start3A_725 = arith.constant 0 : i32
      %dma_start3A_726 = arith.constant 0 : i32
      %dma_start3A_727 = tpu.memref_slice %arg10[%dma_start3A_708, %dma_start3A_725, %dma_start3A_726] : memref<2x64x129xf32, #tpu.memory_space<vmem>> -> memref<1x64x129xf32, #tpu.memory_space<vmem>>
      %dma_start3A_728 = tpu.memref_squeeze %dma_start3A_727 : memref<1x64x129xf32, #tpu.memory_space<vmem>> -> memref<64x129xf32, #tpu.memory_space<vmem>>
      %dma_start3A_729 = arith.constant 32 : i32
      %dma_start3A_730 = arith.constant 0 : i32
      %dma_start3A_731 = tpu.memref_slice %dma_start3A_728[%dma_start3A_729, %dma_start3A_730] : memref<64x129xf32, #tpu.memory_space<vmem>> -> memref<8x128xf32, #tpu.memory_space<vmem>>
      tpu.enqueue_dma source(%dma_start3A_731 : memref<8x128xf32, #tpu.memory_space<vmem>>) target(%dma_start3A_724 : memref<8x128xf32, #tpu.memory_space<hbm>>) target_semaphore(%arg13 : memref<!tpu.dma_semaphore, #tpu.memory_space<semaphore_mem>>)
      %dma_start3A_732 = arith.constant 0 : i32
      %dma_start3A_733 = arith.constant 5 : i32
      %dma_start3A_734 = arith.constant 0 : i32
      %dma_start3A_735 = arith.constant 0 : i32
      %dma_start3A_736 = tpu.memref_slice %arg10[%dma_start3A_732, %dma_start3A_734, %dma_start3A_735] : memref<2x64x129xf32, #tpu.memory_space<vmem>> -> memref<1x64x129xf32, #tpu.memory_space<vmem>>
      %dma_start3A_737 = tpu.memref_squeeze %dma_start3A_736 : memref<1x64x129xf32, #tpu.memory_space<vmem>> -> memref<64x129xf32, #tpu.memory_space<vmem>>
      %dma_start3A_738 = arith.constant 40 : i32
      %dma_start3A_739 = arith.constant 0 : i32
      %dma_start3A_740 = tpu.memref_slice %dma_start3A_737[%dma_start3A_738, %dma_start3A_739] : memref<64x129xf32, #tpu.memory_space<vmem>> -> memref<8x128xf32, #tpu.memory_space<vmem>>
      %dma_start3A_741 = arith.constant 0 : i32
      %dma_start3A_742 = arith.constant 0 : i32
      %dma_start3A_743 = tpu.memref_slice %arg5[%mul3A_579, %dma_start3A_733, %add3A, %dma_start3A_741, %dma_start3A_742] : memref<200x8x32x8x128xf32, #tpu.memory_space<hbm>> -> memref<1x1x1x8x128xf32, #tpu.memory_space<hbm>>
      %dma_start3A_744 = tpu.memref_squeeze %dma_start3A_743 : memref<1x1x1x8x128xf32, #tpu.memory_space<hbm>> -> memref<8x128xf32, #tpu.memory_space<hbm>>
      %dma_start3A_745 = arith.constant 0 : i32
      %dma_start3A_746 = arith.constant 0 : i32
      %dma_start3A_747 = tpu.memref_slice %arg5[%mul3A_579, %dma_start3A_733, %add3A, %dma_start3A_745, %dma_start3A_746] : memref<200x8x32x8x128xf32, #tpu.memory_space<hbm>> -> memref<1x1x1x8x128xf32, #tpu.memory_space<hbm>>
      %dma_start3A_748 = tpu.memref_squeeze %dma_start3A_747 : memref<1x1x1x8x128xf32, #tpu.memory_space<hbm>> -> memref<8x128xf32, #tpu.memory_space<hbm>>
      %dma_start3A_749 = arith.constant 0 : i32
      %dma_start3A_750 = arith.constant 0 : i32
      %dma_start3A_751 = tpu.memref_slice %arg10[%dma_start3A_732, %dma_start3A_749, %dma_start3A_750] : memref<2x64x129xf32, #tpu.memory_space<vmem>> -> memref<1x64x129xf32, #tpu.memory_space<vmem>>
      %dma_start3A_752 = tpu.memref_squeeze %dma_start3A_751 : memref<1x64x129xf32, #tpu.memory_space<vmem>> -> memref<64x129xf32, #tpu.memory_space<vmem>>
      %dma_start3A_753 = arith.constant 40 : i32
      %dma_start3A_754 = arith.constant 0 : i32
      %dma_start3A_755 = tpu.memref_slice %dma_start3A_752[%dma_start3A_753, %dma_start3A_754] : memref<64x129xf32, #tpu.memory_space<vmem>> -> memref<8x128xf32, #tpu.memory_space<vmem>>
      tpu.enqueue_dma source(%dma_start3A_755 : memref<8x128xf32, #tpu.memory_space<vmem>>) target(%dma_start3A_748 : memref<8x128xf32, #tpu.memory_space<hbm>>) target_semaphore(%arg13 : memref<!tpu.dma_semaphore, #tpu.memory_space<semaphore_mem>>)
      %dma_start3A_756 = arith.constant 0 : i32
      %dma_start3A_757 = arith.constant 6 : i32
      %dma_start3A_758 = arith.constant 0 : i32
      %dma_start3A_759 = arith.constant 0 : i32
      %dma_start3A_760 = tpu.memref_slice %arg10[%dma_start3A_756, %dma_start3A_758, %dma_start3A_759] : memref<2x64x129xf32, #tpu.memory_space<vmem>> -> memref<1x64x129xf32, #tpu.memory_space<vmem>>
      %dma_start3A_761 = tpu.memref_squeeze %dma_start3A_760 : memref<1x64x129xf32, #tpu.memory_space<vmem>> -> memref<64x129xf32, #tpu.memory_space<vmem>>
      %dma_start3A_762 = arith.constant 48 : i32
      %dma_start3A_763 = arith.constant 0 : i32
      %dma_start3A_764 = tpu.memref_slice %dma_start3A_761[%dma_start3A_762, %dma_start3A_763] : memref<64x129xf32, #tpu.memory_space<vmem>> -> memref<8x128xf32, #tpu.memory_space<vmem>>
      %dma_start3A_765 = arith.constant 0 : i32
      %dma_start3A_766 = arith.constant 0 : i32
      %dma_start3A_767 = tpu.memref_slice %arg5[%mul3A_579, %dma_start3A_757, %add3A, %dma_start3A_765, %dma_start3A_766] : memref<200x8x32x8x128xf32, #tpu.memory_space<hbm>> -> memref<1x1x1x8x128xf32, #tpu.memory_space<hbm>>
      %dma_start3A_768 = tpu.memref_squeeze %dma_start3A_767 : memref<1x1x1x8x128xf32, #tpu.memory_space<hbm>> -> memref<8x128xf32, #tpu.memory_space<hbm>>
      %dma_start3A_769 = arith.constant 0 : i32
      %dma_start3A_770 = arith.constant 0 : i32
      %dma_start3A_771 = tpu.memref_slice %arg5[%mul3A_579, %dma_start3A_757, %add3A, %dma_start3A_769, %dma_start3A_770] : memref<200x8x32x8x128xf32, #tpu.memory_space<hbm>> -> memref<1x1x1x8x128xf32, #tpu.memory_space<hbm>>
      %dma_start3A_772 = tpu.memref_squeeze %dma_start3A_771 : memref<1x1x1x8x128xf32, #tpu.memory_space<hbm>> -> memref<8x128xf32, #tpu.memory_space<hbm>>
      %dma_start3A_773 = arith.constant 0 : i32
      %dma_start3A_774 = arith.constant 0 : i32
      %dma_start3A_775 = tpu.memref_slice %arg10[%dma_start3A_756, %dma_start3A_773, %dma_start3A_774] : memref<2x64x129xf32, #tpu.memory_space<vmem>> -> memref<1x64x129xf32, #tpu.memory_space<vmem>>
      %dma_start3A_776 = tpu.memref_squeeze %dma_start3A_775 : memref<1x64x129xf32, #tpu.memory_space<vmem>> -> memref<64x129xf32, #tpu.memory_space<vmem>>
      %dma_start3A_777 = arith.constant 48 : i32
      %dma_start3A_778 = arith.constant 0 : i32
      %dma_start3A_779 = tpu.memref_slice %dma_start3A_776[%dma_start3A_777, %dma_start3A_778] : memref<64x129xf32, #tpu.memory_space<vmem>> -> memref<8x128xf32, #tpu.memory_space<vmem>>
      tpu.enqueue_dma source(%dma_start3A_779 : memref<8x128xf32, #tpu.memory_space<vmem>>) target(%dma_start3A_772 : memref<8x128xf32, #tpu.memory_space<hbm>>) target_semaphore(%arg13 : memref<!tpu.dma_semaphore, #tpu.memory_space<semaphore_mem>>)
      %dma_start3A_780 = arith.constant 0 : i32
      %dma_start3A_781 = arith.constant 7 : i32
      %dma_start3A_782 = arith.constant 0 : i32
      %dma_start3A_783 = arith.constant 0 : i32
      %dma_start3A_784 = tpu.memref_slice %arg10[%dma_start3A_780, %dma_start3A_782, %dma_start3A_783] : memref<2x64x129xf32, #tpu.memory_space<vmem>> -> memref<1x64x129xf32, #tpu.memory_space<vmem>>
      %dma_start3A_785 = tpu.memref_squeeze %dma_start3A_784 : memref<1x64x129xf32, #tpu.memory_space<vmem>> -> memref<64x129xf32, #tpu.memory_space<vmem>>
      %dma_start3A_786 = arith.constant 56 : i32
      %dma_start3A_787 = arith.constant 0 : i32
      %dma_start3A_788 = tpu.memref_slice %dma_start3A_785[%dma_start3A_786, %dma_start3A_787] : memref<64x129xf32, #tpu.memory_space<vmem>> -> memref<8x128xf32, #tpu.memory_space<vmem>>
      %dma_start3A_789 = arith.constant 0 : i32
      %dma_start3A_790 = arith.constant 0 : i32
      %dma_start3A_791 = tpu.memref_slice %arg5[%mul3A_579, %dma_start3A_781, %add3A, %dma_start3A_789, %dma_start3A_790] : memref<200x8x32x8x128xf32, #tpu.memory_space<hbm>> -> memref<1x1x1x8x128xf32, #tpu.memory_space<hbm>>
      %dma_start3A_792 = tpu.memref_squeeze %dma_start3A_791 : memref<1x1x1x8x128xf32, #tpu.memory_space<hbm>> -> memref<8x128xf32, #tpu.memory_space<hbm>>
      %dma_start3A_793 = arith.constant 0 : i32
      %dma_start3A_794 = arith.constant 0 : i32
      %dma_start3A_795 = tpu.memref_slice %arg5[%mul3A_579, %dma_start3A_781, %add3A, %dma_start3A_793, %dma_start3A_794] : memref<200x8x32x8x128xf32, #tpu.memory_space<hbm>> -> memref<1x1x1x8x128xf32, #tpu.memory_space<hbm>>
      %dma_start3A_796 = tpu.memref_squeeze %dma_start3A_795 : memref<1x1x1x8x128xf32, #tpu.memory_space<hbm>> -> memref<8x128xf32, #tpu.memory_space<hbm>>
      %dma_start3A_797 = arith.constant 0 : i32
      %dma_start3A_798 = arith.constant 0 : i32
      %dma_start3A_799 = tpu.memref_slice %arg10[%dma_start3A_780, %dma_start3A_797, %dma_start3A_798] : memref<2x64x129xf32, #tpu.memory_space<vmem>> -> memref<1x64x129xf32, #tpu.memory_space<vmem>>
      %dma_start3A_800 = tpu.memref_squeeze %dma_start3A_799 : memref<1x64x129xf32, #tpu.memory_space<vmem>> -> memref<64x129xf32, #tpu.memory_space<vmem>>
      %dma_start3A_801 = arith.constant 56 : i32
      %dma_start3A_802 = arith.constant 0 : i32
      %dma_start3A_803 = tpu.memref_slice %dma_start3A_800[%dma_start3A_801, %dma_start3A_802] : memref<64x129xf32, #tpu.memory_space<vmem>> -> memref<8x128xf32, #tpu.memory_space<vmem>>
      tpu.enqueue_dma source(%dma_start3A_803 : memref<8x128xf32, #tpu.memory_space<vmem>>) target(%dma_start3A_796 : memref<8x128xf32, #tpu.memory_space<hbm>>) target_semaphore(%arg13 : memref<!tpu.dma_semaphore, #tpu.memory_space<semaphore_mem>>)
      %mul3A_804 = arith.constant 2 : i32
      %mul3A_805 = arith.muli %mul3A_804, %scan3A_577 : i32
      %add3A_806 = arith.constant 1 : i32
      %add3A_807 = arith.addi %mul3A_805, %add3A_806 : i32
      %dma_wait3A_808 = arith.constant 0 : i32
      %dma_wait3A_809 = arith.constant 1 : i32
      %dma_wait3A_810 = arith.constant 0 : i32
      %dma_wait3A_811 = arith.constant 0 : i32
      %dma_wait3A_812 = tpu.memref_slice %arg9[%dma_wait3A_809, %dma_wait3A_810, %dma_wait3A_811] : memref<2x128x64xf32, #tpu.memory_space<vmem>> -> memref<1x128x64xf32, #tpu.memory_space<vmem>>
      %dma_wait3A_813 = tpu.memref_squeeze %dma_wait3A_812 : memref<1x128x64xf32, #tpu.memory_space<vmem>> -> memref<128x64xf32, #tpu.memory_space<vmem>>
      %dma_wait3A_814 = arith.constant 0 : i32
      %dma_wait3A_815 = tpu.memref_slice %arg8[%dma_wait3A_808, %dma_wait3A_814] : memref<208x129xi32, #tpu.memory_space<vmem>> -> memref<1x129xi32, #tpu.memory_space<vmem>>
      %dma_wait3A_816 = tpu.memref_squeeze %dma_wait3A_815 : memref<1x129xi32, #tpu.memory_space<vmem>> -> memref<129xi32, #tpu.memory_space<vmem>>
      %dma_wait3A_817 = arith.constant 0 : i32
      %dma_wait3A_818 = tpu.memref_slice %dma_wait3A_816[%dma_wait3A_817] : memref<129xi32, #tpu.memory_space<vmem>> -> memref<128xi32, #tpu.memory_space<vmem>>
      %dma_wait3A_819 = arith.constant 0 : i32
      %dma_wait3A_820 = arith.constant 0 : i32
      %dma_wait3A_821 = tpu.memref_slice %arg2[%dma_wait3A_819, %dma_wait3A_820] : memref<1000000x64xf32, #tpu.memory_space<hbm>> -> memref<1000000x64xf32, #tpu.memory_space<hbm>>
      tpu.wait_indirect_dma semaphore(%arg12 : memref<!tpu.dma_semaphore, #tpu.memory_space<semaphore_mem>>) src(%dma_wait3A_821 : memref<1000000x64xf32, #tpu.memory_space<hbm>>) dst(%dma_wait3A_813 : memref<128x64xf32, #tpu.memory_space<vmem>>)
      %gt3A_822 = arith.constant 1 : i32
      %gt3A_823 = arith.cmpi sgt, %add3A_807, %gt3A_822 : i32
      %convert_element_type3A_824 = arith.extui %gt3A_823 : i1 to i32
      %cond3A_825 = arith.constant 0 : i32
      %cond3A_826 = arith.cmpi ne, %convert_element_type3A_824, %cond3A_825 : i32
      scf.if %cond3A_826 {
        %dma_wait3A_1036 = arith.constant 1 : i32
        %dma_wait3A_1037 = arith.constant 0 : i32
        %dma_wait3A_1038 = arith.constant 0 : i32
        %dma_wait3A_1039 = arith.constant 0 : i32
        %dma_wait3A_1040 = arith.constant 0 : i32
        %dma_wait3A_1041 = arith.constant 0 : i32
        %dma_wait3A_1042 = tpu.memref_slice %arg10[%dma_wait3A_1036, %dma_wait3A_1040, %dma_wait3A_1041] : memref<2x64x129xf32, #tpu.memory_space<vmem>> -> memref<1x64x129xf32, #tpu.memory_space<vmem>>
        %dma_wait3A_1043 = tpu.memref_squeeze %dma_wait3A_1042 : memref<1x64x129xf32, #tpu.memory_space<vmem>> -> memref<64x129xf32, #tpu.memory_space<vmem>>
        %dma_wait3A_1044 = arith.constant 0 : i32
        %dma_wait3A_1045 = arith.constant 0 : i32
        %dma_wait3A_1046 = tpu.memref_slice %dma_wait3A_1043[%dma_wait3A_1044, %dma_wait3A_1045] : memref<64x129xf32, #tpu.memory_space<vmem>> -> memref<8x128xf32, #tpu.memory_space<vmem>>
        %dma_wait3A_1047 = arith.constant 0 : i32
        %dma_wait3A_1048 = arith.constant 0 : i32
        %dma_wait3A_1049 = tpu.memref_slice %arg5[%dma_wait3A_1037, %dma_wait3A_1038, %dma_wait3A_1039, %dma_wait3A_1047, %dma_wait3A_1048] : memref<200x8x32x8x128xf32, #tpu.memory_space<hbm>> -> memref<1x1x1x8x128xf32, #tpu.memory_space<hbm>>
        %dma_wait3A_1050 = tpu.memref_squeeze %dma_wait3A_1049 : memref<1x1x1x8x128xf32, #tpu.memory_space<hbm>> -> memref<8x128xf32, #tpu.memory_space<hbm>>
        %dma_wait3A_1051 = arith.constant 0 : i32
        %dma_wait3A_1052 = arith.constant 0 : i32
        %dma_wait3A_1053 = tpu.memref_slice %arg5[%dma_wait3A_1037, %dma_wait3A_1038, %dma_wait3A_1039, %dma_wait3A_1051, %dma_wait3A_1052] : memref<200x8x32x8x128xf32, #tpu.memory_space<hbm>> -> memref<1x1x1x8x128xf32, #tpu.memory_space<hbm>>
        %dma_wait3A_1054 = tpu.memref_squeeze %dma_wait3A_1053 : memref<1x1x1x8x128xf32, #tpu.memory_space<hbm>> -> memref<8x128xf32, #tpu.memory_space<hbm>>
        %dma_wait3A_1055 = arith.constant 0 : i32
        %dma_wait3A_1056 = arith.constant 0 : i32
        %dma_wait3A_1057 = tpu.memref_slice %arg10[%dma_wait3A_1036, %dma_wait3A_1055, %dma_wait3A_1056] : memref<2x64x129xf32, #tpu.memory_space<vmem>> -> memref<1x64x129xf32, #tpu.memory_space<vmem>>
        %dma_wait3A_1058 = tpu.memref_squeeze %dma_wait3A_1057 : memref<1x64x129xf32, #tpu.memory_space<vmem>> -> memref<64x129xf32, #tpu.memory_space<vmem>>
        %dma_wait3A_1059 = arith.constant 0 : i32
        %dma_wait3A_1060 = arith.constant 0 : i32
        %dma_wait3A_1061 = tpu.memref_slice %dma_wait3A_1058[%dma_wait3A_1059, %dma_wait3A_1060] : memref<64x129xf32, #tpu.memory_space<vmem>> -> memref<8x128xf32, #tpu.memory_space<vmem>>
        tpu.wait_dma2 semaphore(%arg14 : memref<!tpu.dma_semaphore, #tpu.memory_space<semaphore_mem>>) src(%dma_wait3A_1061 : memref<8x128xf32, #tpu.memory_space<vmem>>) dst(%dma_wait3A_1054 : memref<8x128xf32, #tpu.memory_space<hbm>>)
        %dma_wait3A_1062 = arith.constant 1 : i32
        %dma_wait3A_1063 = arith.constant 0 : i32
        %dma_wait3A_1064 = arith.constant 1 : i32
        %dma_wait3A_1065 = arith.constant 0 : i32
        %dma_wait3A_1066 = arith.constant 0 : i32
        %dma_wait3A_1067 = arith.constant 0 : i32
        %dma_wait3A_1068 = tpu.memref_slice %arg10[%dma_wait3A_1062, %dma_wait3A_1066, %dma_wait3A_1067] : memref<2x64x129xf32, #tpu.memory_space<vmem>> -> memref<1x64x129xf32, #tpu.memory_space<vmem>>
        %dma_wait3A_1069 = tpu.memref_squeeze %dma_wait3A_1068 : memref<1x64x129xf32, #tpu.memory_space<vmem>> -> memref<64x129xf32, #tpu.memory_space<vmem>>
        %dma_wait3A_1070 = arith.constant 8 : i32
        %dma_wait3A_1071 = arith.constant 0 : i32
        %dma_wait3A_1072 = tpu.memref_slice %dma_wait3A_1069[%dma_wait3A_1070, %dma_wait3A_1071] : memref<64x129xf32, #tpu.memory_space<vmem>> -> memref<8x128xf32, #tpu.memory_space<vmem>>
        %dma_wait3A_1073 = arith.constant 0 : i32
        %dma_wait3A_1074 = arith.constant 0 : i32
        %dma_wait3A_1075 = tpu.memref_slice %arg5[%dma_wait3A_1063, %dma_wait3A_1064, %dma_wait3A_1065, %dma_wait3A_1073, %dma_wait3A_1074] : memref<200x8x32x8x128xf32, #tpu.memory_space<hbm>> -> memref<1x1x1x8x128xf32, #tpu.memory_space<hbm>>
        %dma_wait3A_1076 = tpu.memref_squeeze %dma_wait3A_1075 : memref<1x1x1x8x128xf32, #tpu.memory_space<hbm>> -> memref<8x128xf32, #tpu.memory_space<hbm>>
        %dma_wait3A_1077 = arith.constant 0 : i32
        %dma_wait3A_1078 = arith.constant 0 : i32
        %dma_wait3A_1079 = tpu.memref_slice %arg5[%dma_wait3A_1063, %dma_wait3A_1064, %dma_wait3A_1065, %dma_wait3A_1077, %dma_wait3A_1078] : memref<200x8x32x8x128xf32, #tpu.memory_space<hbm>> -> memref<1x1x1x8x128xf32, #tpu.memory_space<hbm>>
        %dma_wait3A_1080 = tpu.memref_squeeze %dma_wait3A_1079 : memref<1x1x1x8x128xf32, #tpu.memory_space<hbm>> -> memref<8x128xf32, #tpu.memory_space<hbm>>
        %dma_wait3A_1081 = arith.constant 0 : i32
        %dma_wait3A_1082 = arith.constant 0 : i32
        %dma_wait3A_1083 = tpu.memref_slice %arg10[%dma_wait3A_1062, %dma_wait3A_1081, %dma_wait3A_1082] : memref<2x64x129xf32, #tpu.memory_space<vmem>> -> memref<1x64x129xf32, #tpu.memory_space<vmem>>
        %dma_wait3A_1084 = tpu.memref_squeeze %dma_wait3A_1083 : memref<1x64x129xf32, #tpu.memory_space<vmem>> -> memref<64x129xf32, #tpu.memory_space<vmem>>
        %dma_wait3A_1085 = arith.constant 8 : i32
        %dma_wait3A_1086 = arith.constant 0 : i32
        %dma_wait3A_1087 = tpu.memref_slice %dma_wait3A_1084[%dma_wait3A_1085, %dma_wait3A_1086] : memref<64x129xf32, #tpu.memory_space<vmem>> -> memref<8x128xf32, #tpu.memory_space<vmem>>
        tpu.wait_dma2 semaphore(%arg14 : memref<!tpu.dma_semaphore, #tpu.memory_space<semaphore_mem>>) src(%dma_wait3A_1087 : memref<8x128xf32, #tpu.memory_space<vmem>>) dst(%dma_wait3A_1080 : memref<8x128xf32, #tpu.memory_space<hbm>>)
        %dma_wait3A_1088 = arith.constant 1 : i32
        %dma_wait3A_1089 = arith.constant 0 : i32
        %dma_wait3A_1090 = arith.constant 2 : i32
        %dma_wait3A_1091 = arith.constant 0 : i32
        %dma_wait3A_1092 = arith.constant 0 : i32
        %dma_wait3A_1093 = arith.constant 0 : i32
        %dma_wait3A_1094 = tpu.memref_slice %arg10[%dma_wait3A_1088, %dma_wait3A_1092, %dma_wait3A_1093] : memref<2x64x129xf32, #tpu.memory_space<vmem>> -> memref<1x64x129xf32, #tpu.memory_space<vmem>>
        %dma_wait3A_1095 = tpu.memref_squeeze %dma_wait3A_1094 : memref<1x64x129xf32, #tpu.memory_space<vmem>> -> memref<64x129xf32, #tpu.memory_space<vmem>>
        %dma_wait3A_1096 = arith.constant 16 : i32
        %dma_wait3A_1097 = arith.constant 0 : i32
        %dma_wait3A_1098 = tpu.memref_slice %dma_wait3A_1095[%dma_wait3A_1096, %dma_wait3A_1097] : memref<64x129xf32, #tpu.memory_space<vmem>> -> memref<8x128xf32, #tpu.memory_space<vmem>>
        %dma_wait3A_1099 = arith.constant 0 : i32
        %dma_wait3A_1100 = arith.constant 0 : i32
        %dma_wait3A_1101 = tpu.memref_slice %arg5[%dma_wait3A_1089, %dma_wait3A_1090, %dma_wait3A_1091, %dma_wait3A_1099, %dma_wait3A_1100] : memref<200x8x32x8x128xf32, #tpu.memory_space<hbm>> -> memref<1x1x1x8x128xf32, #tpu.memory_space<hbm>>
        %dma_wait3A_1102 = tpu.memref_squeeze %dma_wait3A_1101 : memref<1x1x1x8x128xf32, #tpu.memory_space<hbm>> -> memref<8x128xf32, #tpu.memory_space<hbm>>
        %dma_wait3A_1103 = arith.constant 0 : i32
        %dma_wait3A_1104 = arith.constant 0 : i32
        %dma_wait3A_1105 = tpu.memref_slice %arg5[%dma_wait3A_1089, %dma_wait3A_1090, %dma_wait3A_1091, %dma_wait3A_1103, %dma_wait3A_1104] : memref<200x8x32x8x128xf32, #tpu.memory_space<hbm>> -> memref<1x1x1x8x128xf32, #tpu.memory_space<hbm>>
        %dma_wait3A_1106 = tpu.memref_squeeze %dma_wait3A_1105 : memref<1x1x1x8x128xf32, #tpu.memory_space<hbm>> -> memref<8x128xf32, #tpu.memory_space<hbm>>
        %dma_wait3A_1107 = arith.constant 0 : i32
        %dma_wait3A_1108 = arith.constant 0 : i32
        %dma_wait3A_1109 = tpu.memref_slice %arg10[%dma_wait3A_1088, %dma_wait3A_1107, %dma_wait3A_1108] : memref<2x64x129xf32, #tpu.memory_space<vmem>> -> memref<1x64x129xf32, #tpu.memory_space<vmem>>
        %dma_wait3A_1110 = tpu.memref_squeeze %dma_wait3A_1109 : memref<1x64x129xf32, #tpu.memory_space<vmem>> -> memref<64x129xf32, #tpu.memory_space<vmem>>
        %dma_wait3A_1111 = arith.constant 16 : i32
        %dma_wait3A_1112 = arith.constant 0 : i32
        %dma_wait3A_1113 = tpu.memref_slice %dma_wait3A_1110[%dma_wait3A_1111, %dma_wait3A_1112] : memref<64x129xf32, #tpu.memory_space<vmem>> -> memref<8x128xf32, #tpu.memory_space<vmem>>
        tpu.wait_dma2 semaphore(%arg14 : memref<!tpu.dma_semaphore, #tpu.memory_space<semaphore_mem>>) src(%dma_wait3A_1113 : memref<8x128xf32, #tpu.memory_space<vmem>>) dst(%dma_wait3A_1106 : memref<8x128xf32, #tpu.memory_space<hbm>>)
        %dma_wait3A_1114 = arith.constant 1 : i32
        %dma_wait3A_1115 = arith.constant 0 : i32
        %dma_wait3A_1116 = arith.constant 3 : i32
        %dma_wait3A_1117 = arith.constant 0 : i32
        %dma_wait3A_1118 = arith.constant 0 : i32
        %dma_wait3A_1119 = arith.constant 0 : i32
        %dma_wait3A_1120 = tpu.memref_slice %arg10[%dma_wait3A_1114, %dma_wait3A_1118, %dma_wait3A_1119] : memref<2x64x129xf32, #tpu.memory_space<vmem>> -> memref<1x64x129xf32, #tpu.memory_space<vmem>>
        %dma_wait3A_1121 = tpu.memref_squeeze %dma_wait3A_1120 : memref<1x64x129xf32, #tpu.memory_space<vmem>> -> memref<64x129xf32, #tpu.memory_space<vmem>>
        %dma_wait3A_1122 = arith.constant 24 : i32
        %dma_wait3A_1123 = arith.constant 0 : i32
        %dma_wait3A_1124 = tpu.memref_slice %dma_wait3A_1121[%dma_wait3A_1122, %dma_wait3A_1123] : memref<64x129xf32, #tpu.memory_space<vmem>> -> memref<8x128xf32, #tpu.memory_space<vmem>>
        %dma_wait3A_1125 = arith.constant 0 : i32
        %dma_wait3A_1126 = arith.constant 0 : i32
        %dma_wait3A_1127 = tpu.memref_slice %arg5[%dma_wait3A_1115, %dma_wait3A_1116, %dma_wait3A_1117, %dma_wait3A_1125, %dma_wait3A_1126] : memref<200x8x32x8x128xf32, #tpu.memory_space<hbm>> -> memref<1x1x1x8x128xf32, #tpu.memory_space<hbm>>
        %dma_wait3A_1128 = tpu.memref_squeeze %dma_wait3A_1127 : memref<1x1x1x8x128xf32, #tpu.memory_space<hbm>> -> memref<8x128xf32, #tpu.memory_space<hbm>>
        %dma_wait3A_1129 = arith.constant 0 : i32
        %dma_wait3A_1130 = arith.constant 0 : i32
        %dma_wait3A_1131 = tpu.memref_slice %arg5[%dma_wait3A_1115, %dma_wait3A_1116, %dma_wait3A_1117, %dma_wait3A_1129, %dma_wait3A_1130] : memref<200x8x32x8x128xf32, #tpu.memory_space<hbm>> -> memref<1x1x1x8x128xf32, #tpu.memory_space<hbm>>
        %dma_wait3A_1132 = tpu.memref_squeeze %dma_wait3A_1131 : memref<1x1x1x8x128xf32, #tpu.memory_space<hbm>> -> memref<8x128xf32, #tpu.memory_space<hbm>>
        %dma_wait3A_1133 = arith.constant 0 : i32
        %dma_wait3A_1134 = arith.constant 0 : i32
        %dma_wait3A_1135 = tpu.memref_slice %arg10[%dma_wait3A_1114, %dma_wait3A_1133, %dma_wait3A_1134] : memref<2x64x129xf32, #tpu.memory_space<vmem>> -> memref<1x64x129xf32, #tpu.memory_space<vmem>>
        %dma_wait3A_1136 = tpu.memref_squeeze %dma_wait3A_1135 : memref<1x64x129xf32, #tpu.memory_space<vmem>> -> memref<64x129xf32, #tpu.memory_space<vmem>>
        %dma_wait3A_1137 = arith.constant 24 : i32
        %dma_wait3A_1138 = arith.constant 0 : i32
        %dma_wait3A_1139 = tpu.memref_slice %dma_wait3A_1136[%dma_wait3A_1137, %dma_wait3A_1138] : memref<64x129xf32, #tpu.memory_space<vmem>> -> memref<8x128xf32, #tpu.memory_space<vmem>>
        tpu.wait_dma2 semaphore(%arg14 : memref<!tpu.dma_semaphore, #tpu.memory_space<semaphore_mem>>) src(%dma_wait3A_1139 : memref<8x128xf32, #tpu.memory_space<vmem>>) dst(%dma_wait3A_1132 : memref<8x128xf32, #tpu.memory_space<hbm>>)
        %dma_wait3A_1140 = arith.constant 1 : i32
        %dma_wait3A_1141 = arith.constant 0 : i32
        %dma_wait3A_1142 = arith.constant 4 : i32
        %dma_wait3A_1143 = arith.constant 0 : i32
        %dma_wait3A_1144 = arith.constant 0 : i32
        %dma_wait3A_1145 = arith.constant 0 : i32
        %dma_wait3A_1146 = tpu.memref_slice %arg10[%dma_wait3A_1140, %dma_wait3A_1144, %dma_wait3A_1145] : memref<2x64x129xf32, #tpu.memory_space<vmem>> -> memref<1x64x129xf32, #tpu.memory_space<vmem>>
        %dma_wait3A_1147 = tpu.memref_squeeze %dma_wait3A_1146 : memref<1x64x129xf32, #tpu.memory_space<vmem>> -> memref<64x129xf32, #tpu.memory_space<vmem>>
        %dma_wait3A_1148 = arith.constant 32 : i32
        %dma_wait3A_1149 = arith.constant 0 : i32
        %dma_wait3A_1150 = tpu.memref_slice %dma_wait3A_1147[%dma_wait3A_1148, %dma_wait3A_1149] : memref<64x129xf32, #tpu.memory_space<vmem>> -> memref<8x128xf32, #tpu.memory_space<vmem>>
        %dma_wait3A_1151 = arith.constant 0 : i32
        %dma_wait3A_1152 = arith.constant 0 : i32
        %dma_wait3A_1153 = tpu.memref_slice %arg5[%dma_wait3A_1141, %dma_wait3A_1142, %dma_wait3A_1143, %dma_wait3A_1151, %dma_wait3A_1152] : memref<200x8x32x8x128xf32, #tpu.memory_space<hbm>> -> memref<1x1x1x8x128xf32, #tpu.memory_space<hbm>>
        %dma_wait3A_1154 = tpu.memref_squeeze %dma_wait3A_1153 : memref<1x1x1x8x128xf32, #tpu.memory_space<hbm>> -> memref<8x128xf32, #tpu.memory_space<hbm>>
        %dma_wait3A_1155 = arith.constant 0 : i32
        %dma_wait3A_1156 = arith.constant 0 : i32
        %dma_wait3A_1157 = tpu.memref_slice %arg5[%dma_wait3A_1141, %dma_wait3A_1142, %dma_wait3A_1143, %dma_wait3A_1155, %dma_wait3A_1156] : memref<200x8x32x8x128xf32, #tpu.memory_space<hbm>> -> memref<1x1x1x8x128xf32, #tpu.memory_space<hbm>>
        %dma_wait3A_1158 = tpu.memref_squeeze %dma_wait3A_1157 : memref<1x1x1x8x128xf32, #tpu.memory_space<hbm>> -> memref<8x128xf32, #tpu.memory_space<hbm>>
        %dma_wait3A_1159 = arith.constant 0 : i32
        %dma_wait3A_1160 = arith.constant 0 : i32
        %dma_wait3A_1161 = tpu.memref_slice %arg10[%dma_wait3A_1140, %dma_wait3A_1159, %dma_wait3A_1160] : memref<2x64x129xf32, #tpu.memory_space<vmem>> -> memref<1x64x129xf32, #tpu.memory_space<vmem>>
        %dma_wait3A_1162 = tpu.memref_squeeze %dma_wait3A_1161 : memref<1x64x129xf32, #tpu.memory_space<vmem>> -> memref<64x129xf32, #tpu.memory_space<vmem>>
        %dma_wait3A_1163 = arith.constant 32 : i32
        %dma_wait3A_1164 = arith.constant 0 : i32
        %dma_wait3A_1165 = tpu.memref_slice %dma_wait3A_1162[%dma_wait3A_1163, %dma_wait3A_1164] : memref<64x129xf32, #tpu.memory_space<vmem>> -> memref<8x128xf32, #tpu.memory_space<vmem>>
        tpu.wait_dma2 semaphore(%arg14 : memref<!tpu.dma_semaphore, #tpu.memory_space<semaphore_mem>>) src(%dma_wait3A_1165 : memref<8x128xf32, #tpu.memory_space<vmem>>) dst(%dma_wait3A_1158 : memref<8x128xf32, #tpu.memory_space<hbm>>)
        %dma_wait3A_1166 = arith.constant 1 : i32
        %dma_wait3A_1167 = arith.constant 0 : i32
        %dma_wait3A_1168 = arith.constant 5 : i32
        %dma_wait3A_1169 = arith.constant 0 : i32
        %dma_wait3A_1170 = arith.constant 0 : i32
        %dma_wait3A_1171 = arith.constant 0 : i32
        %dma_wait3A_1172 = tpu.memref_slice %arg10[%dma_wait3A_1166, %dma_wait3A_1170, %dma_wait3A_1171] : memref<2x64x129xf32, #tpu.memory_space<vmem>> -> memref<1x64x129xf32, #tpu.memory_space<vmem>>
        %dma_wait3A_1173 = tpu.memref_squeeze %dma_wait3A_1172 : memref<1x64x129xf32, #tpu.memory_space<vmem>> -> memref<64x129xf32, #tpu.memory_space<vmem>>
        %dma_wait3A_1174 = arith.constant 40 : i32
        %dma_wait3A_1175 = arith.constant 0 : i32
        %dma_wait3A_1176 = tpu.memref_slice %dma_wait3A_1173[%dma_wait3A_1174, %dma_wait3A_1175] : memref<64x129xf32, #tpu.memory_space<vmem>> -> memref<8x128xf32, #tpu.memory_space<vmem>>
        %dma_wait3A_1177 = arith.constant 0 : i32
        %dma_wait3A_1178 = arith.constant 0 : i32
        %dma_wait3A_1179 = tpu.memref_slice %arg5[%dma_wait3A_1167, %dma_wait3A_1168, %dma_wait3A_1169, %dma_wait3A_1177, %dma_wait3A_1178] : memref<200x8x32x8x128xf32, #tpu.memory_space<hbm>> -> memref<1x1x1x8x128xf32, #tpu.memory_space<hbm>>
        %dma_wait3A_1180 = tpu.memref_squeeze %dma_wait3A_1179 : memref<1x1x1x8x128xf32, #tpu.memory_space<hbm>> -> memref<8x128xf32, #tpu.memory_space<hbm>>
        %dma_wait3A_1181 = arith.constant 0 : i32
        %dma_wait3A_1182 = arith.constant 0 : i32
        %dma_wait3A_1183 = tpu.memref_slice %arg5[%dma_wait3A_1167, %dma_wait3A_1168, %dma_wait3A_1169, %dma_wait3A_1181, %dma_wait3A_1182] : memref<200x8x32x8x128xf32, #tpu.memory_space<hbm>> -> memref<1x1x1x8x128xf32, #tpu.memory_space<hbm>>
        %dma_wait3A_1184 = tpu.memref_squeeze %dma_wait3A_1183 : memref<1x1x1x8x128xf32, #tpu.memory_space<hbm>> -> memref<8x128xf32, #tpu.memory_space<hbm>>
        %dma_wait3A_1185 = arith.constant 0 : i32
        %dma_wait3A_1186 = arith.constant 0 : i32
        %dma_wait3A_1187 = tpu.memref_slice %arg10[%dma_wait3A_1166, %dma_wait3A_1185, %dma_wait3A_1186] : memref<2x64x129xf32, #tpu.memory_space<vmem>> -> memref<1x64x129xf32, #tpu.memory_space<vmem>>
        %dma_wait3A_1188 = tpu.memref_squeeze %dma_wait3A_1187 : memref<1x64x129xf32, #tpu.memory_space<vmem>> -> memref<64x129xf32, #tpu.memory_space<vmem>>
        %dma_wait3A_1189 = arith.constant 40 : i32
        %dma_wait3A_1190 = arith.constant 0 : i32
        %dma_wait3A_1191 = tpu.memref_slice %dma_wait3A_1188[%dma_wait3A_1189, %dma_wait3A_1190] : memref<64x129xf32, #tpu.memory_space<vmem>> -> memref<8x128xf32, #tpu.memory_space<vmem>>
        tpu.wait_dma2 semaphore(%arg14 : memref<!tpu.dma_semaphore, #tpu.memory_space<semaphore_mem>>) src(%dma_wait3A_1191 : memref<8x128xf32, #tpu.memory_space<vmem>>) dst(%dma_wait3A_1184 : memref<8x128xf32, #tpu.memory_space<hbm>>)
        %dma_wait3A_1192 = arith.constant 1 : i32
        %dma_wait3A_1193 = arith.constant 0 : i32
        %dma_wait3A_1194 = arith.constant 6 : i32
        %dma_wait3A_1195 = arith.constant 0 : i32
        %dma_wait3A_1196 = arith.constant 0 : i32
        %dma_wait3A_1197 = arith.constant 0 : i32
        %dma_wait3A_1198 = tpu.memref_slice %arg10[%dma_wait3A_1192, %dma_wait3A_1196, %dma_wait3A_1197] : memref<2x64x129xf32, #tpu.memory_space<vmem>> -> memref<1x64x129xf32, #tpu.memory_space<vmem>>
        %dma_wait3A_1199 = tpu.memref_squeeze %dma_wait3A_1198 : memref<1x64x129xf32, #tpu.memory_space<vmem>> -> memref<64x129xf32, #tpu.memory_space<vmem>>
        %dma_wait3A_1200 = arith.constant 48 : i32
        %dma_wait3A_1201 = arith.constant 0 : i32
        %dma_wait3A_1202 = tpu.memref_slice %dma_wait3A_1199[%dma_wait3A_1200, %dma_wait3A_1201] : memref<64x129xf32, #tpu.memory_space<vmem>> -> memref<8x128xf32, #tpu.memory_space<vmem>>
        %dma_wait3A_1203 = arith.constant 0 : i32
        %dma_wait3A_1204 = arith.constant 0 : i32
        %dma_wait3A_1205 = tpu.memref_slice %arg5[%dma_wait3A_1193, %dma_wait3A_1194, %dma_wait3A_1195, %dma_wait3A_1203, %dma_wait3A_1204] : memref<200x8x32x8x128xf32, #tpu.memory_space<hbm>> -> memref<1x1x1x8x128xf32, #tpu.memory_space<hbm>>
        %dma_wait3A_1206 = tpu.memref_squeeze %dma_wait3A_1205 : memref<1x1x1x8x128xf32, #tpu.memory_space<hbm>> -> memref<8x128xf32, #tpu.memory_space<hbm>>
        %dma_wait3A_1207 = arith.constant 0 : i32
        %dma_wait3A_1208 = arith.constant 0 : i32
        %dma_wait3A_1209 = tpu.memref_slice %arg5[%dma_wait3A_1193, %dma_wait3A_1194, %dma_wait3A_1195, %dma_wait3A_1207, %dma_wait3A_1208] : memref<200x8x32x8x128xf32, #tpu.memory_space<hbm>> -> memref<1x1x1x8x128xf32, #tpu.memory_space<hbm>>
        %dma_wait3A_1210 = tpu.memref_squeeze %dma_wait3A_1209 : memref<1x1x1x8x128xf32, #tpu.memory_space<hbm>> -> memref<8x128xf32, #tpu.memory_space<hbm>>
        %dma_wait3A_1211 = arith.constant 0 : i32
        %dma_wait3A_1212 = arith.constant 0 : i32
        %dma_wait3A_1213 = tpu.memref_slice %arg10[%dma_wait3A_1192, %dma_wait3A_1211, %dma_wait3A_1212] : memref<2x64x129xf32, #tpu.memory_space<vmem>> -> memref<1x64x129xf32, #tpu.memory_space<vmem>>
        %dma_wait3A_1214 = tpu.memref_squeeze %dma_wait3A_1213 : memref<1x64x129xf32, #tpu.memory_space<vmem>> -> memref<64x129xf32, #tpu.memory_space<vmem>>
        %dma_wait3A_1215 = arith.constant 48 : i32
        %dma_wait3A_1216 = arith.constant 0 : i32
        %dma_wait3A_1217 = tpu.memref_slice %dma_wait3A_1214[%dma_wait3A_1215, %dma_wait3A_1216] : memref<64x129xf32, #tpu.memory_space<vmem>> -> memref<8x128xf32, #tpu.memory_space<vmem>>
        tpu.wait_dma2 semaphore(%arg14 : memref<!tpu.dma_semaphore, #tpu.memory_space<semaphore_mem>>) src(%dma_wait3A_1217 : memref<8x128xf32, #tpu.memory_space<vmem>>) dst(%dma_wait3A_1210 : memref<8x128xf32, #tpu.memory_space<hbm>>)
        %dma_wait3A_1218 = arith.constant 1 : i32
        %dma_wait3A_1219 = arith.constant 0 : i32
        %dma_wait3A_1220 = arith.constant 7 : i32
        %dma_wait3A_1221 = arith.constant 0 : i32
        %dma_wait3A_1222 = arith.constant 0 : i32
        %dma_wait3A_1223 = arith.constant 0 : i32
        %dma_wait3A_1224 = tpu.memref_slice %arg10[%dma_wait3A_1218, %dma_wait3A_1222, %dma_wait3A_1223] : memref<2x64x129xf32, #tpu.memory_space<vmem>> -> memref<1x64x129xf32, #tpu.memory_space<vmem>>
        %dma_wait3A_1225 = tpu.memref_squeeze %dma_wait3A_1224 : memref<1x64x129xf32, #tpu.memory_space<vmem>> -> memref<64x129xf32, #tpu.memory_space<vmem>>
        %dma_wait3A_1226 = arith.constant 56 : i32
        %dma_wait3A_1227 = arith.constant 0 : i32
        %dma_wait3A_1228 = tpu.memref_slice %dma_wait3A_1225[%dma_wait3A_1226, %dma_wait3A_1227] : memref<64x129xf32, #tpu.memory_space<vmem>> -> memref<8x128xf32, #tpu.memory_space<vmem>>
        %dma_wait3A_1229 = arith.constant 0 : i32
        %dma_wait3A_1230 = arith.constant 0 : i32
        %dma_wait3A_1231 = tpu.memref_slice %arg5[%dma_wait3A_1219, %dma_wait3A_1220, %dma_wait3A_1221, %dma_wait3A_1229, %dma_wait3A_1230] : memref<200x8x32x8x128xf32, #tpu.memory_space<hbm>> -> memref<1x1x1x8x128xf32, #tpu.memory_space<hbm>>
        %dma_wait3A_1232 = tpu.memref_squeeze %dma_wait3A_1231 : memref<1x1x1x8x128xf32, #tpu.memory_space<hbm>> -> memref<8x128xf32, #tpu.memory_space<hbm>>
        %dma_wait3A_1233 = arith.constant 0 : i32
        %dma_wait3A_1234 = arith.constant 0 : i32
        %dma_wait3A_1235 = tpu.memref_slice %arg5[%dma_wait3A_1219, %dma_wait3A_1220, %dma_wait3A_1221, %dma_wait3A_1233, %dma_wait3A_1234] : memref<200x8x32x8x128xf32, #tpu.memory_space<hbm>> -> memref<1x1x1x8x128xf32, #tpu.memory_space<hbm>>
        %dma_wait3A_1236 = tpu.memref_squeeze %dma_wait3A_1235 : memref<1x1x1x8x128xf32, #tpu.memory_space<hbm>> -> memref<8x128xf32, #tpu.memory_space<hbm>>
        %dma_wait3A_1237 = arith.constant 0 : i32
        %dma_wait3A_1238 = arith.constant 0 : i32
        %dma_wait3A_1239 = tpu.memref_slice %arg10[%dma_wait3A_1218, %dma_wait3A_1237, %dma_wait3A_1238] : memref<2x64x129xf32, #tpu.memory_space<vmem>> -> memref<1x64x129xf32, #tpu.memory_space<vmem>>
        %dma_wait3A_1240 = tpu.memref_squeeze %dma_wait3A_1239 : memref<1x64x129xf32, #tpu.memory_space<vmem>> -> memref<64x129xf32, #tpu.memory_space<vmem>>
        %dma_wait3A_1241 = arith.constant 56 : i32
        %dma_wait3A_1242 = arith.constant 0 : i32
        %dma_wait3A_1243 = tpu.memref_slice %dma_wait3A_1240[%dma_wait3A_1241, %dma_wait3A_1242] : memref<64x129xf32, #tpu.memory_space<vmem>> -> memref<8x128xf32, #tpu.memory_space<vmem>>
        tpu.wait_dma2 semaphore(%arg14 : memref<!tpu.dma_semaphore, #tpu.memory_space<semaphore_mem>>) src(%dma_wait3A_1243 : memref<8x128xf32, #tpu.memory_space<vmem>>) dst(%dma_wait3A_1236 : memref<8x128xf32, #tpu.memory_space<hbm>>)
      } else {
      }
      %add3A_827 = arith.constant 2 : i32
      %add3A_828 = arith.addi %add3A_807, %add3A_827 : i32
      %min3A_829 = arith.constant 199 : i32
      %min3A_830 = arith.minsi %add3A_828, %min3A_829 : i32
      %dma_start3A_831 = arith.constant 1 : i32
      %dma_start3A_832 = arith.constant 0 : i32
      %dma_start3A_833 = arith.constant 0 : i32
      %dma_start3A_834 = tpu.memref_slice %arg9[%dma_start3A_831, %dma_start3A_832, %dma_start3A_833] : memref<2x128x64xf32, #tpu.memory_space<vmem>> -> memref<1x128x64xf32, #tpu.memory_space<vmem>>
      %dma_start3A_835 = tpu.memref_squeeze %dma_start3A_834 : memref<1x128x64xf32, #tpu.memory_space<vmem>> -> memref<128x64xf32, #tpu.memory_space<vmem>>
      %dma_start3A_836 = arith.constant 0 : i32
      %dma_start3A_837 = tpu.memref_slice %arg8[%min3A_830, %dma_start3A_836] : memref<208x129xi32, #tpu.memory_space<vmem>> -> memref<1x129xi32, #tpu.memory_space<vmem>>
      %dma_start3A_838 = tpu.memref_squeeze %dma_start3A_837 : memref<1x129xi32, #tpu.memory_space<vmem>> -> memref<129xi32, #tpu.memory_space<vmem>>
      %dma_start3A_839 = arith.constant 0 : i32
      %dma_start3A_840 = tpu.memref_slice %dma_start3A_838[%dma_start3A_839] : memref<129xi32, #tpu.memory_space<vmem>> -> memref<128xi32, #tpu.memory_space<vmem>>
      %dma_start3A_841 = arith.constant 0 : i32
      %dma_start3A_842 = arith.constant 0 : i32
      %dma_start3A_843 = tpu.memref_slice %arg2[%dma_start3A_841, %dma_start3A_842] : memref<1000000x64xf32, #tpu.memory_space<hbm>> -> memref<1000000x64xf32, #tpu.memory_space<hbm>>
      tpu.enqueue_indirect_dma source(%dma_start3A_843 : memref<1000000x64xf32, #tpu.memory_space<hbm>>) target(%dma_start3A_835 : memref<128x64xf32, #tpu.memory_space<vmem>>) offsets(%dma_start3A_840 : memref<128xi32, #tpu.memory_space<vmem>>) semaphore(%arg12 : memref<!tpu.dma_semaphore, #tpu.memory_space<semaphore_mem>>)
      %dma_start3A_844 = arith.constant 1 : i32
      %dma_start3A_845 = arith.constant 0 : i32
      %dma_start3A_846 = arith.constant 0 : i32
      %dma_start3A_847 = arith.constant 0 : i32
      %dma_start3A_848 = tpu.memref_slice %arg10[%dma_start3A_844, %dma_start3A_846, %dma_start3A_847] : memref<2x64x129xf32, #tpu.memory_space<vmem>> -> memref<1x64x129xf32, #tpu.memory_space<vmem>>
      %dma_start3A_849 = tpu.memref_squeeze %dma_start3A_848 : memref<1x64x129xf32, #tpu.memory_space<vmem>> -> memref<64x129xf32, #tpu.memory_space<vmem>>
      %dma_start3A_850 = arith.constant 0 : i32
      %dma_start3A_851 = arith.constant 0 : i32
      %dma_start3A_852 = tpu.memref_slice %dma_start3A_849[%dma_start3A_850, %dma_start3A_851] : memref<64x129xf32, #tpu.memory_space<vmem>> -> memref<8x128xf32, #tpu.memory_space<vmem>>
      %dma_start3A_853 = arith.constant 0 : i32
      %dma_start3A_854 = arith.constant 0 : i32
      %dma_start3A_855 = tpu.memref_slice %arg5[%add3A_807, %dma_start3A_845, %add3A, %dma_start3A_853, %dma_start3A_854] : memref<200x8x32x8x128xf32, #tpu.memory_space<hbm>> -> memref<1x1x1x8x128xf32, #tpu.memory_space<hbm>>
      %dma_start3A_856 = tpu.memref_squeeze %dma_start3A_855 : memref<1x1x1x8x128xf32, #tpu.memory_space<hbm>> -> memref<8x128xf32, #tpu.memory_space<hbm>>
      %dma_start3A_857 = arith.constant 0 : i32
      %dma_start3A_858 = arith.constant 0 : i32
      %dma_start3A_859 = tpu.memref_slice %arg5[%add3A_807, %dma_start3A_845, %add3A, %dma_start3A_857, %dma_start3A_858] : memref<200x8x32x8x128xf32, #tpu.memory_space<hbm>> -> memref<1x1x1x8x128xf32, #tpu.memory_space<hbm>>
      %dma_start3A_860 = tpu.memref_squeeze %dma_start3A_859 : memref<1x1x1x8x128xf32, #tpu.memory_space<hbm>> -> memref<8x128xf32, #tpu.memory_space<hbm>>
      %dma_start3A_861 = arith.constant 0 : i32
      %dma_start3A_862 = arith.constant 0 : i32
      %dma_start3A_863 = tpu.memref_slice %arg10[%dma_start3A_844, %dma_start3A_861, %dma_start3A_862] : memref<2x64x129xf32, #tpu.memory_space<vmem>> -> memref<1x64x129xf32, #tpu.memory_space<vmem>>
      %dma_start3A_864 = tpu.memref_squeeze %dma_start3A_863 : memref<1x64x129xf32, #tpu.memory_space<vmem>> -> memref<64x129xf32, #tpu.memory_space<vmem>>
      %dma_start3A_865 = arith.constant 0 : i32
      %dma_start3A_866 = arith.constant 0 : i32
      %dma_start3A_867 = tpu.memref_slice %dma_start3A_864[%dma_start3A_865, %dma_start3A_866] : memref<64x129xf32, #tpu.memory_space<vmem>> -> memref<8x128xf32, #tpu.memory_space<vmem>>
      tpu.enqueue_dma source(%dma_start3A_867 : memref<8x128xf32, #tpu.memory_space<vmem>>) target(%dma_start3A_860 : memref<8x128xf32, #tpu.memory_space<hbm>>) target_semaphore(%arg14 : memref<!tpu.dma_semaphore, #tpu.memory_space<semaphore_mem>>)
      %dma_start3A_868 = arith.constant 1 : i32
      %dma_start3A_869 = arith.constant 1 : i32
      %dma_start3A_870 = arith.constant 0 : i32
      %dma_start3A_871 = arith.constant 0 : i32
      %dma_start3A_872 = tpu.memref_slice %arg10[%dma_start3A_868, %dma_start3A_870, %dma_start3A_871] : memref<2x64x129xf32, #tpu.memory_space<vmem>> -> memref<1x64x129xf32, #tpu.memory_space<vmem>>
      %dma_start3A_873 = tpu.memref_squeeze %dma_start3A_872 : memref<1x64x129xf32, #tpu.memory_space<vmem>> -> memref<64x129xf32, #tpu.memory_space<vmem>>
      %dma_start3A_874 = arith.constant 8 : i32
      %dma_start3A_875 = arith.constant 0 : i32
      %dma_start3A_876 = tpu.memref_slice %dma_start3A_873[%dma_start3A_874, %dma_start3A_875] : memref<64x129xf32, #tpu.memory_space<vmem>> -> memref<8x128xf32, #tpu.memory_space<vmem>>
      %dma_start3A_877 = arith.constant 0 : i32
      %dma_start3A_878 = arith.constant 0 : i32
      %dma_start3A_879 = tpu.memref_slice %arg5[%add3A_807, %dma_start3A_869, %add3A, %dma_start3A_877, %dma_start3A_878] : memref<200x8x32x8x128xf32, #tpu.memory_space<hbm>> -> memref<1x1x1x8x128xf32, #tpu.memory_space<hbm>>
      %dma_start3A_880 = tpu.memref_squeeze %dma_start3A_879 : memref<1x1x1x8x128xf32, #tpu.memory_space<hbm>> -> memref<8x128xf32, #tpu.memory_space<hbm>>
      %dma_start3A_881 = arith.constant 0 : i32
      %dma_start3A_882 = arith.constant 0 : i32
      %dma_start3A_883 = tpu.memref_slice %arg5[%add3A_807, %dma_start3A_869, %add3A, %dma_start3A_881, %dma_start3A_882] : memref<200x8x32x8x128xf32, #tpu.memory_space<hbm>> -> memref<1x1x1x8x128xf32, #tpu.memory_space<hbm>>
      %dma_start3A_884 = tpu.memref_squeeze %dma_start3A_883 : memref<1x1x1x8x128xf32, #tpu.memory_space<hbm>> -> memref<8x128xf32, #tpu.memory_space<hbm>>
      %dma_start3A_885 = arith.constant 0 : i32
      %dma_start3A_886 = arith.constant 0 : i32
      %dma_start3A_887 = tpu.memref_slice %arg10[%dma_start3A_868, %dma_start3A_885, %dma_start3A_886] : memref<2x64x129xf32, #tpu.memory_space<vmem>> -> memref<1x64x129xf32, #tpu.memory_space<vmem>>
      %dma_start3A_888 = tpu.memref_squeeze %dma_start3A_887 : memref<1x64x129xf32, #tpu.memory_space<vmem>> -> memref<64x129xf32, #tpu.memory_space<vmem>>
      %dma_start3A_889 = arith.constant 8 : i32
      %dma_start3A_890 = arith.constant 0 : i32
      %dma_start3A_891 = tpu.memref_slice %dma_start3A_888[%dma_start3A_889, %dma_start3A_890] : memref<64x129xf32, #tpu.memory_space<vmem>> -> memref<8x128xf32, #tpu.memory_space<vmem>>
      tpu.enqueue_dma source(%dma_start3A_891 : memref<8x128xf32, #tpu.memory_space<vmem>>) target(%dma_start3A_884 : memref<8x128xf32, #tpu.memory_space<hbm>>) target_semaphore(%arg14 : memref<!tpu.dma_semaphore, #tpu.memory_space<semaphore_mem>>)
      %dma_start3A_892 = arith.constant 1 : i32
      %dma_start3A_893 = arith.constant 2 : i32
      %dma_start3A_894 = arith.constant 0 : i32
      %dma_start3A_895 = arith.constant 0 : i32
      %dma_start3A_896 = tpu.memref_slice %arg10[%dma_start3A_892, %dma_start3A_894, %dma_start3A_895] : memref<2x64x129xf32, #tpu.memory_space<vmem>> -> memref<1x64x129xf32, #tpu.memory_space<vmem>>
      %dma_start3A_897 = tpu.memref_squeeze %dma_start3A_896 : memref<1x64x129xf32, #tpu.memory_space<vmem>> -> memref<64x129xf32, #tpu.memory_space<vmem>>
      %dma_start3A_898 = arith.constant 16 : i32
      %dma_start3A_899 = arith.constant 0 : i32
      %dma_start3A_900 = tpu.memref_slice %dma_start3A_897[%dma_start3A_898, %dma_start3A_899] : memref<64x129xf32, #tpu.memory_space<vmem>> -> memref<8x128xf32, #tpu.memory_space<vmem>>
      %dma_start3A_901 = arith.constant 0 : i32
      %dma_start3A_902 = arith.constant 0 : i32
      %dma_start3A_903 = tpu.memref_slice %arg5[%add3A_807, %dma_start3A_893, %add3A, %dma_start3A_901, %dma_start3A_902] : memref<200x8x32x8x128xf32, #tpu.memory_space<hbm>> -> memref<1x1x1x8x128xf32, #tpu.memory_space<hbm>>
      %dma_start3A_904 = tpu.memref_squeeze %dma_start3A_903 : memref<1x1x1x8x128xf32, #tpu.memory_space<hbm>> -> memref<8x128xf32, #tpu.memory_space<hbm>>
      %dma_start3A_905 = arith.constant 0 : i32
      %dma_start3A_906 = arith.constant 0 : i32
      %dma_start3A_907 = tpu.memref_slice %arg5[%add3A_807, %dma_start3A_893, %add3A, %dma_start3A_905, %dma_start3A_906] : memref<200x8x32x8x128xf32, #tpu.memory_space<hbm>> -> memref<1x1x1x8x128xf32, #tpu.memory_space<hbm>>
      %dma_start3A_908 = tpu.memref_squeeze %dma_start3A_907 : memref<1x1x1x8x128xf32, #tpu.memory_space<hbm>> -> memref<8x128xf32, #tpu.memory_space<hbm>>
      %dma_start3A_909 = arith.constant 0 : i32
      %dma_start3A_910 = arith.constant 0 : i32
      %dma_start3A_911 = tpu.memref_slice %arg10[%dma_start3A_892, %dma_start3A_909, %dma_start3A_910] : memref<2x64x129xf32, #tpu.memory_space<vmem>> -> memref<1x64x129xf32, #tpu.memory_space<vmem>>
      %dma_start3A_912 = tpu.memref_squeeze %dma_start3A_911 : memref<1x64x129xf32, #tpu.memory_space<vmem>> -> memref<64x129xf32, #tpu.memory_space<vmem>>
      %dma_start3A_913 = arith.constant 16 : i32
      %dma_start3A_914 = arith.constant 0 : i32
      %dma_start3A_915 = tpu.memref_slice %dma_start3A_912[%dma_start3A_913, %dma_start3A_914] : memref<64x129xf32, #tpu.memory_space<vmem>> -> memref<8x128xf32, #tpu.memory_space<vmem>>
      tpu.enqueue_dma source(%dma_start3A_915 : memref<8x128xf32, #tpu.memory_space<vmem>>) target(%dma_start3A_908 : memref<8x128xf32, #tpu.memory_space<hbm>>) target_semaphore(%arg14 : memref<!tpu.dma_semaphore, #tpu.memory_space<semaphore_mem>>)
      %dma_start3A_916 = arith.constant 1 : i32
      %dma_start3A_917 = arith.constant 3 : i32
      %dma_start3A_918 = arith.constant 0 : i32
      %dma_start3A_919 = arith.constant 0 : i32
      %dma_start3A_920 = tpu.memref_slice %arg10[%dma_start3A_916, %dma_start3A_918, %dma_start3A_919] : memref<2x64x129xf32, #tpu.memory_space<vmem>> -> memref<1x64x129xf32, #tpu.memory_space<vmem>>
      %dma_start3A_921 = tpu.memref_squeeze %dma_start3A_920 : memref<1x64x129xf32, #tpu.memory_space<vmem>> -> memref<64x129xf32, #tpu.memory_space<vmem>>
      %dma_start3A_922 = arith.constant 24 : i32
      %dma_start3A_923 = arith.constant 0 : i32
      %dma_start3A_924 = tpu.memref_slice %dma_start3A_921[%dma_start3A_922, %dma_start3A_923] : memref<64x129xf32, #tpu.memory_space<vmem>> -> memref<8x128xf32, #tpu.memory_space<vmem>>
      %dma_start3A_925 = arith.constant 0 : i32
      %dma_start3A_926 = arith.constant 0 : i32
      %dma_start3A_927 = tpu.memref_slice %arg5[%add3A_807, %dma_start3A_917, %add3A, %dma_start3A_925, %dma_start3A_926] : memref<200x8x32x8x128xf32, #tpu.memory_space<hbm>> -> memref<1x1x1x8x128xf32, #tpu.memory_space<hbm>>
      %dma_start3A_928 = tpu.memref_squeeze %dma_start3A_927 : memref<1x1x1x8x128xf32, #tpu.memory_space<hbm>> -> memref<8x128xf32, #tpu.memory_space<hbm>>
      %dma_start3A_929 = arith.constant 0 : i32
      %dma_start3A_930 = arith.constant 0 : i32
      %dma_start3A_931 = tpu.memref_slice %arg5[%add3A_807, %dma_start3A_917, %add3A, %dma_start3A_929, %dma_start3A_930] : memref<200x8x32x8x128xf32, #tpu.memory_space<hbm>> -> memref<1x1x1x8x128xf32, #tpu.memory_space<hbm>>
      %dma_start3A_932 = tpu.memref_squeeze %dma_start3A_931 : memref<1x1x1x8x128xf32, #tpu.memory_space<hbm>> -> memref<8x128xf32, #tpu.memory_space<hbm>>
      %dma_start3A_933 = arith.constant 0 : i32
      %dma_start3A_934 = arith.constant 0 : i32
      %dma_start3A_935 = tpu.memref_slice %arg10[%dma_start3A_916, %dma_start3A_933, %dma_start3A_934] : memref<2x64x129xf32, #tpu.memory_space<vmem>> -> memref<1x64x129xf32, #tpu.memory_space<vmem>>
      %dma_start3A_936 = tpu.memref_squeeze %dma_start3A_935 : memref<1x64x129xf32, #tpu.memory_space<vmem>> -> memref<64x129xf32, #tpu.memory_space<vmem>>
      %dma_start3A_937 = arith.constant 24 : i32
      %dma_start3A_938 = arith.constant 0 : i32
      %dma_start3A_939 = tpu.memref_slice %dma_start3A_936[%dma_start3A_937, %dma_start3A_938] : memref<64x129xf32, #tpu.memory_space<vmem>> -> memref<8x128xf32, #tpu.memory_space<vmem>>
      tpu.enqueue_dma source(%dma_start3A_939 : memref<8x128xf32, #tpu.memory_space<vmem>>) target(%dma_start3A_932 : memref<8x128xf32, #tpu.memory_space<hbm>>) target_semaphore(%arg14 : memref<!tpu.dma_semaphore, #tpu.memory_space<semaphore_mem>>)
      %dma_start3A_940 = arith.constant 1 : i32
      %dma_start3A_941 = arith.constant 4 : i32
      %dma_start3A_942 = arith.constant 0 : i32
      %dma_start3A_943 = arith.constant 0 : i32
      %dma_start3A_944 = tpu.memref_slice %arg10[%dma_start3A_940, %dma_start3A_942, %dma_start3A_943] : memref<2x64x129xf32, #tpu.memory_space<vmem>> -> memref<1x64x129xf32, #tpu.memory_space<vmem>>
      %dma_start3A_945 = tpu.memref_squeeze %dma_start3A_944 : memref<1x64x129xf32, #tpu.memory_space<vmem>> -> memref<64x129xf32, #tpu.memory_space<vmem>>
      %dma_start3A_946 = arith.constant 32 : i32
      %dma_start3A_947 = arith.constant 0 : i32
      %dma_start3A_948 = tpu.memref_slice %dma_start3A_945[%dma_start3A_946, %dma_start3A_947] : memref<64x129xf32, #tpu.memory_space<vmem>> -> memref<8x128xf32, #tpu.memory_space<vmem>>
      %dma_start3A_949 = arith.constant 0 : i32
      %dma_start3A_950 = arith.constant 0 : i32
      %dma_start3A_951 = tpu.memref_slice %arg5[%add3A_807, %dma_start3A_941, %add3A, %dma_start3A_949, %dma_start3A_950] : memref<200x8x32x8x128xf32, #tpu.memory_space<hbm>> -> memref<1x1x1x8x128xf32, #tpu.memory_space<hbm>>
      %dma_start3A_952 = tpu.memref_squeeze %dma_start3A_951 : memref<1x1x1x8x128xf32, #tpu.memory_space<hbm>> -> memref<8x128xf32, #tpu.memory_space<hbm>>
      %dma_start3A_953 = arith.constant 0 : i32
      %dma_start3A_954 = arith.constant 0 : i32
      %dma_start3A_955 = tpu.memref_slice %arg5[%add3A_807, %dma_start3A_941, %add3A, %dma_start3A_953, %dma_start3A_954] : memref<200x8x32x8x128xf32, #tpu.memory_space<hbm>> -> memref<1x1x1x8x128xf32, #tpu.memory_space<hbm>>
      %dma_start3A_956 = tpu.memref_squeeze %dma_start3A_955 : memref<1x1x1x8x128xf32, #tpu.memory_space<hbm>> -> memref<8x128xf32, #tpu.memory_space<hbm>>
      %dma_start3A_957 = arith.constant 0 : i32
      %dma_start3A_958 = arith.constant 0 : i32
      %dma_start3A_959 = tpu.memref_slice %arg10[%dma_start3A_940, %dma_start3A_957, %dma_start3A_958] : memref<2x64x129xf32, #tpu.memory_space<vmem>> -> memref<1x64x129xf32, #tpu.memory_space<vmem>>
      %dma_start3A_960 = tpu.memref_squeeze %dma_start3A_959 : memref<1x64x129xf32, #tpu.memory_space<vmem>> -> memref<64x129xf32, #tpu.memory_space<vmem>>
      %dma_start3A_961 = arith.constant 32 : i32
      %dma_start3A_962 = arith.constant 0 : i32
      %dma_start3A_963 = tpu.memref_slice %dma_start3A_960[%dma_start3A_961, %dma_start3A_962] : memref<64x129xf32, #tpu.memory_space<vmem>> -> memref<8x128xf32, #tpu.memory_space<vmem>>
      tpu.enqueue_dma source(%dma_start3A_963 : memref<8x128xf32, #tpu.memory_space<vmem>>) target(%dma_start3A_956 : memref<8x128xf32, #tpu.memory_space<hbm>>) target_semaphore(%arg14 : memref<!tpu.dma_semaphore, #tpu.memory_space<semaphore_mem>>)
      %dma_start3A_964 = arith.constant 1 : i32
      %dma_start3A_965 = arith.constant 5 : i32
      %dma_start3A_966 = arith.constant 0 : i32
      %dma_start3A_967 = arith.constant 0 : i32
      %dma_start3A_968 = tpu.memref_slice %arg10[%dma_start3A_964, %dma_start3A_966, %dma_start3A_967] : memref<2x64x129xf32, #tpu.memory_space<vmem>> -> memref<1x64x129xf32, #tpu.memory_space<vmem>>
      %dma_start3A_969 = tpu.memref_squeeze %dma_start3A_968 : memref<1x64x129xf32, #tpu.memory_space<vmem>> -> memref<64x129xf32, #tpu.memory_space<vmem>>
      %dma_start3A_970 = arith.constant 40 : i32
      %dma_start3A_971 = arith.constant 0 : i32
      %dma_start3A_972 = tpu.memref_slice %dma_start3A_969[%dma_start3A_970, %dma_start3A_971] : memref<64x129xf32, #tpu.memory_space<vmem>> -> memref<8x128xf32, #tpu.memory_space<vmem>>
      %dma_start3A_973 = arith.constant 0 : i32
      %dma_start3A_974 = arith.constant 0 : i32
      %dma_start3A_975 = tpu.memref_slice %arg5[%add3A_807, %dma_start3A_965, %add3A, %dma_start3A_973, %dma_start3A_974] : memref<200x8x32x8x128xf32, #tpu.memory_space<hbm>> -> memref<1x1x1x8x128xf32, #tpu.memory_space<hbm>>
      %dma_start3A_976 = tpu.memref_squeeze %dma_start3A_975 : memref<1x1x1x8x128xf32, #tpu.memory_space<hbm>> -> memref<8x128xf32, #tpu.memory_space<hbm>>
      %dma_start3A_977 = arith.constant 0 : i32
      %dma_start3A_978 = arith.constant 0 : i32
      %dma_start3A_979 = tpu.memref_slice %arg5[%add3A_807, %dma_start3A_965, %add3A, %dma_start3A_977, %dma_start3A_978] : memref<200x8x32x8x128xf32, #tpu.memory_space<hbm>> -> memref<1x1x1x8x128xf32, #tpu.memory_space<hbm>>
      %dma_start3A_980 = tpu.memref_squeeze %dma_start3A_979 : memref<1x1x1x8x128xf32, #tpu.memory_space<hbm>> -> memref<8x128xf32, #tpu.memory_space<hbm>>
      %dma_start3A_981 = arith.constant 0 : i32
      %dma_start3A_982 = arith.constant 0 : i32
      %dma_start3A_983 = tpu.memref_slice %arg10[%dma_start3A_964, %dma_start3A_981, %dma_start3A_982] : memref<2x64x129xf32, #tpu.memory_space<vmem>> -> memref<1x64x129xf32, #tpu.memory_space<vmem>>
      %dma_start3A_984 = tpu.memref_squeeze %dma_start3A_983 : memref<1x64x129xf32, #tpu.memory_space<vmem>> -> memref<64x129xf32, #tpu.memory_space<vmem>>
      %dma_start3A_985 = arith.constant 40 : i32
      %dma_start3A_986 = arith.constant 0 : i32
      %dma_start3A_987 = tpu.memref_slice %dma_start3A_984[%dma_start3A_985, %dma_start3A_986] : memref<64x129xf32, #tpu.memory_space<vmem>> -> memref<8x128xf32, #tpu.memory_space<vmem>>
      tpu.enqueue_dma source(%dma_start3A_987 : memref<8x128xf32, #tpu.memory_space<vmem>>) target(%dma_start3A_980 : memref<8x128xf32, #tpu.memory_space<hbm>>) target_semaphore(%arg14 : memref<!tpu.dma_semaphore, #tpu.memory_space<semaphore_mem>>)
      %dma_start3A_988 = arith.constant 1 : i32
      %dma_start3A_989 = arith.constant 6 : i32
      %dma_start3A_990 = arith.constant 0 : i32
      %dma_start3A_991 = arith.constant 0 : i32
      %dma_start3A_992 = tpu.memref_slice %arg10[%dma_start3A_988, %dma_start3A_990, %dma_start3A_991] : memref<2x64x129xf32, #tpu.memory_space<vmem>> -> memref<1x64x129xf32, #tpu.memory_space<vmem>>
      %dma_start3A_993 = tpu.memref_squeeze %dma_start3A_992 : memref<1x64x129xf32, #tpu.memory_space<vmem>> -> memref<64x129xf32, #tpu.memory_space<vmem>>
      %dma_start3A_994 = arith.constant 48 : i32
      %dma_start3A_995 = arith.constant 0 : i32
      %dma_start3A_996 = tpu.memref_slice %dma_start3A_993[%dma_start3A_994, %dma_start3A_995] : memref<64x129xf32, #tpu.memory_space<vmem>> -> memref<8x128xf32, #tpu.memory_space<vmem>>
      %dma_start3A_997 = arith.constant 0 : i32
      %dma_start3A_998 = arith.constant 0 : i32
      %dma_start3A_999 = tpu.memref_slice %arg5[%add3A_807, %dma_start3A_989, %add3A, %dma_start3A_997, %dma_start3A_998] : memref<200x8x32x8x128xf32, #tpu.memory_space<hbm>> -> memref<1x1x1x8x128xf32, #tpu.memory_space<hbm>>
      %dma_start3A_1000 = tpu.memref_squeeze %dma_start3A_999 : memref<1x1x1x8x128xf32, #tpu.memory_space<hbm>> -> memref<8x128xf32, #tpu.memory_space<hbm>>
      %dma_start3A_1001 = arith.constant 0 : i32
      %dma_start3A_1002 = arith.constant 0 : i32
      %dma_start3A_1003 = tpu.memref_slice %arg5[%add3A_807, %dma_start3A_989, %add3A, %dma_start3A_1001, %dma_start3A_1002] : memref<200x8x32x8x128xf32, #tpu.memory_space<hbm>> -> memref<1x1x1x8x128xf32, #tpu.memory_space<hbm>>
      %dma_start3A_1004 = tpu.memref_squeeze %dma_start3A_1003 : memref<1x1x1x8x128xf32, #tpu.memory_space<hbm>> -> memref<8x128xf32, #tpu.memory_space<hbm>>
      %dma_start3A_1005 = arith.constant 0 : i32
      %dma_start3A_1006 = arith.constant 0 : i32
      %dma_start3A_1007 = tpu.memref_slice %arg10[%dma_start3A_988, %dma_start3A_1005, %dma_start3A_1006] : memref<2x64x129xf32, #tpu.memory_space<vmem>> -> memref<1x64x129xf32, #tpu.memory_space<vmem>>
      %dma_start3A_1008 = tpu.memref_squeeze %dma_start3A_1007 : memref<1x64x129xf32, #tpu.memory_space<vmem>> -> memref<64x129xf32, #tpu.memory_space<vmem>>
      %dma_start3A_1009 = arith.constant 48 : i32
      %dma_start3A_1010 = arith.constant 0 : i32
      %dma_start3A_1011 = tpu.memref_slice %dma_start3A_1008[%dma_start3A_1009, %dma_start3A_1010] : memref<64x129xf32, #tpu.memory_space<vmem>> -> memref<8x128xf32, #tpu.memory_space<vmem>>
      tpu.enqueue_dma source(%dma_start3A_1011 : memref<8x128xf32, #tpu.memory_space<vmem>>) target(%dma_start3A_1004 : memref<8x128xf32, #tpu.memory_space<hbm>>) target_semaphore(%arg14 : memref<!tpu.dma_semaphore, #tpu.memory_space<semaphore_mem>>)
      %dma_start3A_1012 = arith.constant 1 : i32
      %dma_start3A_1013 = arith.constant 7 : i32
      %dma_start3A_1014 = arith.constant 0 : i32
      %dma_start3A_1015 = arith.constant 0 : i32
      %dma_start3A_1016 = tpu.memref_slice %arg10[%dma_start3A_1012, %dma_start3A_1014, %dma_start3A_1015] : memref<2x64x129xf32, #tpu.memory_space<vmem>> -> memref<1x64x129xf32, #tpu.memory_space<vmem>>
      %dma_start3A_1017 = tpu.memref_squeeze %dma_start3A_1016 : memref<1x64x129xf32, #tpu.memory_space<vmem>> -> memref<64x129xf32, #tpu.memory_space<vmem>>
      %dma_start3A_1018 = arith.constant 56 : i32
      %dma_start3A_1019 = arith.constant 0 : i32
      %dma_start3A_1020 = tpu.memref_slice %dma_start3A_1017[%dma_start3A_1018, %dma_start3A_1019] : memref<64x129xf32, #tpu.memory_space<vmem>> -> memref<8x128xf32, #tpu.memory_space<vmem>>
      %dma_start3A_1021 = arith.constant 0 : i32
      %dma_start3A_1022 = arith.constant 0 : i32
      %dma_start3A_1023 = tpu.memref_slice %arg5[%add3A_807, %dma_start3A_1013, %add3A, %dma_start3A_1021, %dma_start3A_1022] : memref<200x8x32x8x128xf32, #tpu.memory_space<hbm>> -> memref<1x1x1x8x128xf32, #tpu.memory_space<hbm>>
      %dma_start3A_1024 = tpu.memref_squeeze %dma_start3A_1023 : memref<1x1x1x8x128xf32, #tpu.memory_space<hbm>> -> memref<8x128xf32, #tpu.memory_space<hbm>>
      %dma_start3A_1025 = arith.constant 0 : i32
      %dma_start3A_1026 = arith.constant 0 : i32
      %dma_start3A_1027 = tpu.memref_slice %arg5[%add3A_807, %dma_start3A_1013, %add3A, %dma_start3A_1025, %dma_start3A_1026] : memref<200x8x32x8x128xf32, #tpu.memory_space<hbm>> -> memref<1x1x1x8x128xf32, #tpu.memory_space<hbm>>
      %dma_start3A_1028 = tpu.memref_squeeze %dma_start3A_1027 : memref<1x1x1x8x128xf32, #tpu.memory_space<hbm>> -> memref<8x128xf32, #tpu.memory_space<hbm>>
      %dma_start3A_1029 = arith.constant 0 : i32
      %dma_start3A_1030 = arith.constant 0 : i32
      %dma_start3A_1031 = tpu.memref_slice %arg10[%dma_start3A_1012, %dma_start3A_1029, %dma_start3A_1030] : memref<2x64x129xf32, #tpu.memory_space<vmem>> -> memref<1x64x129xf32, #tpu.memory_space<vmem>>
      %dma_start3A_1032 = tpu.memref_squeeze %dma_start3A_1031 : memref<1x64x129xf32, #tpu.memory_space<vmem>> -> memref<64x129xf32, #tpu.memory_space<vmem>>
      %dma_start3A_1033 = arith.constant 56 : i32
      %dma_start3A_1034 = arith.constant 0 : i32
      %dma_start3A_1035 = tpu.memref_slice %dma_start3A_1032[%dma_start3A_1033, %dma_start3A_1034] : memref<64x129xf32, #tpu.memory_space<vmem>> -> memref<8x128xf32, #tpu.memory_space<vmem>>
      tpu.enqueue_dma source(%dma_start3A_1035 : memref<8x128xf32, #tpu.memory_space<vmem>>) target(%dma_start3A_1028 : memref<8x128xf32, #tpu.memory_space<hbm>>) target_semaphore(%arg14 : memref<!tpu.dma_semaphore, #tpu.memory_space<semaphore_mem>>)
    }
    %scan3A_133 = arith.constant 100 : i32
    %dma_wait3A = arith.constant 0 : i32
    %dma_wait3A_134 = arith.constant 0 : i32
    %dma_wait3A_135 = arith.constant 0 : i32
    %dma_wait3A_136 = arith.constant 0 : i32
    %dma_wait3A_137 = tpu.memref_slice %arg9[%dma_wait3A_134, %dma_wait3A_135, %dma_wait3A_136] : memref<2x128x64xf32, #tpu.memory_space<vmem>> -> memref<1x128x64xf32, #tpu.memory_space<vmem>>
    %dma_wait3A_138 = tpu.memref_squeeze %dma_wait3A_137 : memref<1x128x64xf32, #tpu.memory_space<vmem>> -> memref<128x64xf32, #tpu.memory_space<vmem>>
    %dma_wait3A_139 = arith.constant 0 : i32
    %dma_wait3A_140 = tpu.memref_slice %arg8[%dma_wait3A, %dma_wait3A_139] : memref<208x129xi32, #tpu.memory_space<vmem>> -> memref<1x129xi32, #tpu.memory_space<vmem>>
    %dma_wait3A_141 = tpu.memref_squeeze %dma_wait3A_140 : memref<1x129xi32, #tpu.memory_space<vmem>> -> memref<129xi32, #tpu.memory_space<vmem>>
    %dma_wait3A_142 = arith.constant 0 : i32
    %dma_wait3A_143 = tpu.memref_slice %dma_wait3A_141[%dma_wait3A_142] : memref<129xi32, #tpu.memory_space<vmem>> -> memref<128xi32, #tpu.memory_space<vmem>>
    %dma_wait3A_144 = arith.constant 0 : i32
    %dma_wait3A_145 = arith.constant 0 : i32
    %dma_wait3A_146 = tpu.memref_slice %arg2[%dma_wait3A_144, %dma_wait3A_145] : memref<1000000x64xf32, #tpu.memory_space<hbm>> -> memref<1000000x64xf32, #tpu.memory_space<hbm>>
    tpu.wait_indirect_dma semaphore(%arg11 : memref<!tpu.dma_semaphore, #tpu.memory_space<semaphore_mem>>) src(%dma_wait3A_146 : memref<1000000x64xf32, #tpu.memory_space<hbm>>) dst(%dma_wait3A_138 : memref<128x64xf32, #tpu.memory_space<vmem>>)
    %dma_wait3A_147 = arith.constant 0 : i32
    %dma_wait3A_148 = arith.constant 0 : i32
    %dma_wait3A_149 = arith.constant 0 : i32
    %dma_wait3A_150 = arith.constant 0 : i32
    %dma_wait3A_151 = arith.constant 0 : i32
    %dma_wait3A_152 = arith.constant 0 : i32
    %dma_wait3A_153 = tpu.memref_slice %arg10[%dma_wait3A_147, %dma_wait3A_151, %dma_wait3A_152] : memref<2x64x129xf32, #tpu.memory_space<vmem>> -> memref<1x64x129xf32, #tpu.memory_space<vmem>>
    %dma_wait3A_154 = tpu.memref_squeeze %dma_wait3A_153 : memref<1x64x129xf32, #tpu.memory_space<vmem>> -> memref<64x129xf32, #tpu.memory_space<vmem>>
    %dma_wait3A_155 = arith.constant 0 : i32
    %dma_wait3A_156 = arith.constant 0 : i32
    %dma_wait3A_157 = tpu.memref_slice %dma_wait3A_154[%dma_wait3A_155, %dma_wait3A_156] : memref<64x129xf32, #tpu.memory_space<vmem>> -> memref<8x128xf32, #tpu.memory_space<vmem>>
    %dma_wait3A_158 = arith.constant 0 : i32
    %dma_wait3A_159 = arith.constant 0 : i32
    %dma_wait3A_160 = tpu.memref_slice %arg5[%dma_wait3A_148, %dma_wait3A_149, %dma_wait3A_150, %dma_wait3A_158, %dma_wait3A_159] : memref<200x8x32x8x128xf32, #tpu.memory_space<hbm>> -> memref<1x1x1x8x128xf32, #tpu.memory_space<hbm>>
    %dma_wait3A_161 = tpu.memref_squeeze %dma_wait3A_160 : memref<1x1x1x8x128xf32, #tpu.memory_space<hbm>> -> memref<8x128xf32, #tpu.memory_space<hbm>>
    %dma_wait3A_162 = arith.constant 0 : i32
    %dma_wait3A_163 = arith.constant 0 : i32
    %dma_wait3A_164 = tpu.memref_slice %arg5[%dma_wait3A_148, %dma_wait3A_149, %dma_wait3A_150, %dma_wait3A_162, %dma_wait3A_163] : memref<200x8x32x8x128xf32, #tpu.memory_space<hbm>> -> memref<1x1x1x8x128xf32, #tpu.memory_space<hbm>>
    %dma_wait3A_165 = tpu.memref_squeeze %dma_wait3A_164 : memref<1x1x1x8x128xf32, #tpu.memory_space<hbm>> -> memref<8x128xf32, #tpu.memory_space<hbm>>
    %dma_wait3A_166 = arith.constant 0 : i32
    %dma_wait3A_167 = arith.constant 0 : i32
    %dma_wait3A_168 = tpu.memref_slice %arg10[%dma_wait3A_147, %dma_wait3A_166, %dma_wait3A_167] : memref<2x64x129xf32, #tpu.memory_space<vmem>> -> memref<1x64x129xf32, #tpu.memory_space<vmem>>
    %dma_wait3A_169 = tpu.memref_squeeze %dma_wait3A_168 : memref<1x64x129xf32, #tpu.memory_space<vmem>> -> memref<64x129xf32, #tpu.memory_space<vmem>>
    %dma_wait3A_170 = arith.constant 0 : i32
    %dma_wait3A_171 = arith.constant 0 : i32
    %dma_wait3A_172 = tpu.memref_slice %dma_wait3A_169[%dma_wait3A_170, %dma_wait3A_171] : memref<64x129xf32, #tpu.memory_space<vmem>> -> memref<8x128xf32, #tpu.memory_space<vmem>>
    tpu.wait_dma2 semaphore(%arg13 : memref<!tpu.dma_semaphore, #tpu.memory_space<semaphore_mem>>) src(%dma_wait3A_172 : memref<8x128xf32, #tpu.memory_space<vmem>>) dst(%dma_wait3A_165 : memref<8x128xf32, #tpu.memory_space<hbm>>)
    %dma_wait3A_173 = arith.constant 0 : i32
    %dma_wait3A_174 = arith.constant 0 : i32
    %dma_wait3A_175 = arith.constant 1 : i32
    %dma_wait3A_176 = arith.constant 0 : i32
    %dma_wait3A_177 = arith.constant 0 : i32
    %dma_wait3A_178 = arith.constant 0 : i32
    %dma_wait3A_179 = tpu.memref_slice %arg10[%dma_wait3A_173, %dma_wait3A_177, %dma_wait3A_178] : memref<2x64x129xf32, #tpu.memory_space<vmem>> -> memref<1x64x129xf32, #tpu.memory_space<vmem>>
    %dma_wait3A_180 = tpu.memref_squeeze %dma_wait3A_179 : memref<1x64x129xf32, #tpu.memory_space<vmem>> -> memref<64x129xf32, #tpu.memory_space<vmem>>
    %dma_wait3A_181 = arith.constant 8 : i32
    %dma_wait3A_182 = arith.constant 0 : i32
    %dma_wait3A_183 = tpu.memref_slice %dma_wait3A_180[%dma_wait3A_181, %dma_wait3A_182] : memref<64x129xf32, #tpu.memory_space<vmem>> -> memref<8x128xf32, #tpu.memory_space<vmem>>
    %dma_wait3A_184 = arith.constant 0 : i32
    %dma_wait3A_185 = arith.constant 0 : i32
    %dma_wait3A_186 = tpu.memref_slice %arg5[%dma_wait3A_174, %dma_wait3A_175, %dma_wait3A_176, %dma_wait3A_184, %dma_wait3A_185] : memref<200x8x32x8x128xf32, #tpu.memory_space<hbm>> -> memref<1x1x1x8x128xf32, #tpu.memory_space<hbm>>
    %dma_wait3A_187 = tpu.memref_squeeze %dma_wait3A_186 : memref<1x1x1x8x128xf32, #tpu.memory_space<hbm>> -> memref<8x128xf32, #tpu.memory_space<hbm>>
    %dma_wait3A_188 = arith.constant 0 : i32
    %dma_wait3A_189 = arith.constant 0 : i32
    %dma_wait3A_190 = tpu.memref_slice %arg5[%dma_wait3A_174, %dma_wait3A_175, %dma_wait3A_176, %dma_wait3A_188, %dma_wait3A_189] : memref<200x8x32x8x128xf32, #tpu.memory_space<hbm>> -> memref<1x1x1x8x128xf32, #tpu.memory_space<hbm>>
    %dma_wait3A_191 = tpu.memref_squeeze %dma_wait3A_190 : memref<1x1x1x8x128xf32, #tpu.memory_space<hbm>> -> memref<8x128xf32, #tpu.memory_space<hbm>>
    %dma_wait3A_192 = arith.constant 0 : i32
    %dma_wait3A_193 = arith.constant 0 : i32
    %dma_wait3A_194 = tpu.memref_slice %arg10[%dma_wait3A_173, %dma_wait3A_192, %dma_wait3A_193] : memref<2x64x129xf32, #tpu.memory_space<vmem>> -> memref<1x64x129xf32, #tpu.memory_space<vmem>>
    %dma_wait3A_195 = tpu.memref_squeeze %dma_wait3A_194 : memref<1x64x129xf32, #tpu.memory_space<vmem>> -> memref<64x129xf32, #tpu.memory_space<vmem>>
    %dma_wait3A_196 = arith.constant 8 : i32
    %dma_wait3A_197 = arith.constant 0 : i32
    %dma_wait3A_198 = tpu.memref_slice %dma_wait3A_195[%dma_wait3A_196, %dma_wait3A_197] : memref<64x129xf32, #tpu.memory_space<vmem>> -> memref<8x128xf32, #tpu.memory_space<vmem>>
    tpu.wait_dma2 semaphore(%arg13 : memref<!tpu.dma_semaphore, #tpu.memory_space<semaphore_mem>>) src(%dma_wait3A_198 : memref<8x128xf32, #tpu.memory_space<vmem>>) dst(%dma_wait3A_191 : memref<8x128xf32, #tpu.memory_space<hbm>>)
    %dma_wait3A_199 = arith.constant 0 : i32
    %dma_wait3A_200 = arith.constant 0 : i32
    %dma_wait3A_201 = arith.constant 2 : i32
    %dma_wait3A_202 = arith.constant 0 : i32
    %dma_wait3A_203 = arith.constant 0 : i32
    %dma_wait3A_204 = arith.constant 0 : i32
    %dma_wait3A_205 = tpu.memref_slice %arg10[%dma_wait3A_199, %dma_wait3A_203, %dma_wait3A_204] : memref<2x64x129xf32, #tpu.memory_space<vmem>> -> memref<1x64x129xf32, #tpu.memory_space<vmem>>
    %dma_wait3A_206 = tpu.memref_squeeze %dma_wait3A_205 : memref<1x64x129xf32, #tpu.memory_space<vmem>> -> memref<64x129xf32, #tpu.memory_space<vmem>>
    %dma_wait3A_207 = arith.constant 16 : i32
    %dma_wait3A_208 = arith.constant 0 : i32
    %dma_wait3A_209 = tpu.memref_slice %dma_wait3A_206[%dma_wait3A_207, %dma_wait3A_208] : memref<64x129xf32, #tpu.memory_space<vmem>> -> memref<8x128xf32, #tpu.memory_space<vmem>>
    %dma_wait3A_210 = arith.constant 0 : i32
    %dma_wait3A_211 = arith.constant 0 : i32
    %dma_wait3A_212 = tpu.memref_slice %arg5[%dma_wait3A_200, %dma_wait3A_201, %dma_wait3A_202, %dma_wait3A_210, %dma_wait3A_211] : memref<200x8x32x8x128xf32, #tpu.memory_space<hbm>> -> memref<1x1x1x8x128xf32, #tpu.memory_space<hbm>>
    %dma_wait3A_213 = tpu.memref_squeeze %dma_wait3A_212 : memref<1x1x1x8x128xf32, #tpu.memory_space<hbm>> -> memref<8x128xf32, #tpu.memory_space<hbm>>
    %dma_wait3A_214 = arith.constant 0 : i32
    %dma_wait3A_215 = arith.constant 0 : i32
    %dma_wait3A_216 = tpu.memref_slice %arg5[%dma_wait3A_200, %dma_wait3A_201, %dma_wait3A_202, %dma_wait3A_214, %dma_wait3A_215] : memref<200x8x32x8x128xf32, #tpu.memory_space<hbm>> -> memref<1x1x1x8x128xf32, #tpu.memory_space<hbm>>
    %dma_wait3A_217 = tpu.memref_squeeze %dma_wait3A_216 : memref<1x1x1x8x128xf32, #tpu.memory_space<hbm>> -> memref<8x128xf32, #tpu.memory_space<hbm>>
    %dma_wait3A_218 = arith.constant 0 : i32
    %dma_wait3A_219 = arith.constant 0 : i32
    %dma_wait3A_220 = tpu.memref_slice %arg10[%dma_wait3A_199, %dma_wait3A_218, %dma_wait3A_219] : memref<2x64x129xf32, #tpu.memory_space<vmem>> -> memref<1x64x129xf32, #tpu.memory_space<vmem>>
    %dma_wait3A_221 = tpu.memref_squeeze %dma_wait3A_220 : memref<1x64x129xf32, #tpu.memory_space<vmem>> -> memref<64x129xf32, #tpu.memory_space<vmem>>
    %dma_wait3A_222 = arith.constant 16 : i32
    %dma_wait3A_223 = arith.constant 0 : i32
    %dma_wait3A_224 = tpu.memref_slice %dma_wait3A_221[%dma_wait3A_222, %dma_wait3A_223] : memref<64x129xf32, #tpu.memory_space<vmem>> -> memref<8x128xf32, #tpu.memory_space<vmem>>
    tpu.wait_dma2 semaphore(%arg13 : memref<!tpu.dma_semaphore, #tpu.memory_space<semaphore_mem>>) src(%dma_wait3A_224 : memref<8x128xf32, #tpu.memory_space<vmem>>) dst(%dma_wait3A_217 : memref<8x128xf32, #tpu.memory_space<hbm>>)
    %dma_wait3A_225 = arith.constant 0 : i32
    %dma_wait3A_226 = arith.constant 0 : i32
    %dma_wait3A_227 = arith.constant 3 : i32
    %dma_wait3A_228 = arith.constant 0 : i32
    %dma_wait3A_229 = arith.constant 0 : i32
    %dma_wait3A_230 = arith.constant 0 : i32
    %dma_wait3A_231 = tpu.memref_slice %arg10[%dma_wait3A_225, %dma_wait3A_229, %dma_wait3A_230] : memref<2x64x129xf32, #tpu.memory_space<vmem>> -> memref<1x64x129xf32, #tpu.memory_space<vmem>>
    %dma_wait3A_232 = tpu.memref_squeeze %dma_wait3A_231 : memref<1x64x129xf32, #tpu.memory_space<vmem>> -> memref<64x129xf32, #tpu.memory_space<vmem>>
    %dma_wait3A_233 = arith.constant 24 : i32
    %dma_wait3A_234 = arith.constant 0 : i32
    %dma_wait3A_235 = tpu.memref_slice %dma_wait3A_232[%dma_wait3A_233, %dma_wait3A_234] : memref<64x129xf32, #tpu.memory_space<vmem>> -> memref<8x128xf32, #tpu.memory_space<vmem>>
    %dma_wait3A_236 = arith.constant 0 : i32
    %dma_wait3A_237 = arith.constant 0 : i32
    %dma_wait3A_238 = tpu.memref_slice %arg5[%dma_wait3A_226, %dma_wait3A_227, %dma_wait3A_228, %dma_wait3A_236, %dma_wait3A_237] : memref<200x8x32x8x128xf32, #tpu.memory_space<hbm>> -> memref<1x1x1x8x128xf32, #tpu.memory_space<hbm>>
    %dma_wait3A_239 = tpu.memref_squeeze %dma_wait3A_238 : memref<1x1x1x8x128xf32, #tpu.memory_space<hbm>> -> memref<8x128xf32, #tpu.memory_space<hbm>>
    %dma_wait3A_240 = arith.constant 0 : i32
    %dma_wait3A_241 = arith.constant 0 : i32
    %dma_wait3A_242 = tpu.memref_slice %arg5[%dma_wait3A_226, %dma_wait3A_227, %dma_wait3A_228, %dma_wait3A_240, %dma_wait3A_241] : memref<200x8x32x8x128xf32, #tpu.memory_space<hbm>> -> memref<1x1x1x8x128xf32, #tpu.memory_space<hbm>>
    %dma_wait3A_243 = tpu.memref_squeeze %dma_wait3A_242 : memref<1x1x1x8x128xf32, #tpu.memory_space<hbm>> -> memref<8x128xf32, #tpu.memory_space<hbm>>
    %dma_wait3A_244 = arith.constant 0 : i32
    %dma_wait3A_245 = arith.constant 0 : i32
    %dma_wait3A_246 = tpu.memref_slice %arg10[%dma_wait3A_225, %dma_wait3A_244, %dma_wait3A_245] : memref<2x64x129xf32, #tpu.memory_space<vmem>> -> memref<1x64x129xf32, #tpu.memory_space<vmem>>
    %dma_wait3A_247 = tpu.memref_squeeze %dma_wait3A_246 : memref<1x64x129xf32, #tpu.memory_space<vmem>> -> memref<64x129xf32, #tpu.memory_space<vmem>>
    %dma_wait3A_248 = arith.constant 24 : i32
    %dma_wait3A_249 = arith.constant 0 : i32
    %dma_wait3A_250 = tpu.memref_slice %dma_wait3A_247[%dma_wait3A_248, %dma_wait3A_249] : memref<64x129xf32, #tpu.memory_space<vmem>> -> memref<8x128xf32, #tpu.memory_space<vmem>>
    tpu.wait_dma2 semaphore(%arg13 : memref<!tpu.dma_semaphore, #tpu.memory_space<semaphore_mem>>) src(%dma_wait3A_250 : memref<8x128xf32, #tpu.memory_space<vmem>>) dst(%dma_wait3A_243 : memref<8x128xf32, #tpu.memory_space<hbm>>)
    %dma_wait3A_251 = arith.constant 0 : i32
    %dma_wait3A_252 = arith.constant 0 : i32
    %dma_wait3A_253 = arith.constant 4 : i32
    %dma_wait3A_254 = arith.constant 0 : i32
    %dma_wait3A_255 = arith.constant 0 : i32
    %dma_wait3A_256 = arith.constant 0 : i32
    %dma_wait3A_257 = tpu.memref_slice %arg10[%dma_wait3A_251, %dma_wait3A_255, %dma_wait3A_256] : memref<2x64x129xf32, #tpu.memory_space<vmem>> -> memref<1x64x129xf32, #tpu.memory_space<vmem>>
    %dma_wait3A_258 = tpu.memref_squeeze %dma_wait3A_257 : memref<1x64x129xf32, #tpu.memory_space<vmem>> -> memref<64x129xf32, #tpu.memory_space<vmem>>
    %dma_wait3A_259 = arith.constant 32 : i32
    %dma_wait3A_260 = arith.constant 0 : i32
    %dma_wait3A_261 = tpu.memref_slice %dma_wait3A_258[%dma_wait3A_259, %dma_wait3A_260] : memref<64x129xf32, #tpu.memory_space<vmem>> -> memref<8x128xf32, #tpu.memory_space<vmem>>
    %dma_wait3A_262 = arith.constant 0 : i32
    %dma_wait3A_263 = arith.constant 0 : i32
    %dma_wait3A_264 = tpu.memref_slice %arg5[%dma_wait3A_252, %dma_wait3A_253, %dma_wait3A_254, %dma_wait3A_262, %dma_wait3A_263] : memref<200x8x32x8x128xf32, #tpu.memory_space<hbm>> -> memref<1x1x1x8x128xf32, #tpu.memory_space<hbm>>
    %dma_wait3A_265 = tpu.memref_squeeze %dma_wait3A_264 : memref<1x1x1x8x128xf32, #tpu.memory_space<hbm>> -> memref<8x128xf32, #tpu.memory_space<hbm>>
    %dma_wait3A_266 = arith.constant 0 : i32
    %dma_wait3A_267 = arith.constant 0 : i32
    %dma_wait3A_268 = tpu.memref_slice %arg5[%dma_wait3A_252, %dma_wait3A_253, %dma_wait3A_254, %dma_wait3A_266, %dma_wait3A_267] : memref<200x8x32x8x128xf32, #tpu.memory_space<hbm>> -> memref<1x1x1x8x128xf32, #tpu.memory_space<hbm>>
    %dma_wait3A_269 = tpu.memref_squeeze %dma_wait3A_268 : memref<1x1x1x8x128xf32, #tpu.memory_space<hbm>> -> memref<8x128xf32, #tpu.memory_space<hbm>>
    %dma_wait3A_270 = arith.constant 0 : i32
    %dma_wait3A_271 = arith.constant 0 : i32
    %dma_wait3A_272 = tpu.memref_slice %arg10[%dma_wait3A_251, %dma_wait3A_270, %dma_wait3A_271] : memref<2x64x129xf32, #tpu.memory_space<vmem>> -> memref<1x64x129xf32, #tpu.memory_space<vmem>>
    %dma_wait3A_273 = tpu.memref_squeeze %dma_wait3A_272 : memref<1x64x129xf32, #tpu.memory_space<vmem>> -> memref<64x129xf32, #tpu.memory_space<vmem>>
    %dma_wait3A_274 = arith.constant 32 : i32
    %dma_wait3A_275 = arith.constant 0 : i32
    %dma_wait3A_276 = tpu.memref_slice %dma_wait3A_273[%dma_wait3A_274, %dma_wait3A_275] : memref<64x129xf32, #tpu.memory_space<vmem>> -> memref<8x128xf32, #tpu.memory_space<vmem>>
    tpu.wait_dma2 semaphore(%arg13 : memref<!tpu.dma_semaphore, #tpu.memory_space<semaphore_mem>>) src(%dma_wait3A_276 : memref<8x128xf32, #tpu.memory_space<vmem>>) dst(%dma_wait3A_269 : memref<8x128xf32, #tpu.memory_space<hbm>>)
    %dma_wait3A_277 = arith.constant 0 : i32
    %dma_wait3A_278 = arith.constant 0 : i32
    %dma_wait3A_279 = arith.constant 5 : i32
    %dma_wait3A_280 = arith.constant 0 : i32
    %dma_wait3A_281 = arith.constant 0 : i32
    %dma_wait3A_282 = arith.constant 0 : i32
    %dma_wait3A_283 = tpu.memref_slice %arg10[%dma_wait3A_277, %dma_wait3A_281, %dma_wait3A_282] : memref<2x64x129xf32, #tpu.memory_space<vmem>> -> memref<1x64x129xf32, #tpu.memory_space<vmem>>
    %dma_wait3A_284 = tpu.memref_squeeze %dma_wait3A_283 : memref<1x64x129xf32, #tpu.memory_space<vmem>> -> memref<64x129xf32, #tpu.memory_space<vmem>>
    %dma_wait3A_285 = arith.constant 40 : i32
    %dma_wait3A_286 = arith.constant 0 : i32
    %dma_wait3A_287 = tpu.memref_slice %dma_wait3A_284[%dma_wait3A_285, %dma_wait3A_286] : memref<64x129xf32, #tpu.memory_space<vmem>> -> memref<8x128xf32, #tpu.memory_space<vmem>>
    %dma_wait3A_288 = arith.constant 0 : i32
    %dma_wait3A_289 = arith.constant 0 : i32
    %dma_wait3A_290 = tpu.memref_slice %arg5[%dma_wait3A_278, %dma_wait3A_279, %dma_wait3A_280, %dma_wait3A_288, %dma_wait3A_289] : memref<200x8x32x8x128xf32, #tpu.memory_space<hbm>> -> memref<1x1x1x8x128xf32, #tpu.memory_space<hbm>>
    %dma_wait3A_291 = tpu.memref_squeeze %dma_wait3A_290 : memref<1x1x1x8x128xf32, #tpu.memory_space<hbm>> -> memref<8x128xf32, #tpu.memory_space<hbm>>
    %dma_wait3A_292 = arith.constant 0 : i32
    %dma_wait3A_293 = arith.constant 0 : i32
    %dma_wait3A_294 = tpu.memref_slice %arg5[%dma_wait3A_278, %dma_wait3A_279, %dma_wait3A_280, %dma_wait3A_292, %dma_wait3A_293] : memref<200x8x32x8x128xf32, #tpu.memory_space<hbm>> -> memref<1x1x1x8x128xf32, #tpu.memory_space<hbm>>
    %dma_wait3A_295 = tpu.memref_squeeze %dma_wait3A_294 : memref<1x1x1x8x128xf32, #tpu.memory_space<hbm>> -> memref<8x128xf32, #tpu.memory_space<hbm>>
    %dma_wait3A_296 = arith.constant 0 : i32
    %dma_wait3A_297 = arith.constant 0 : i32
    %dma_wait3A_298 = tpu.memref_slice %arg10[%dma_wait3A_277, %dma_wait3A_296, %dma_wait3A_297] : memref<2x64x129xf32, #tpu.memory_space<vmem>> -> memref<1x64x129xf32, #tpu.memory_space<vmem>>
    %dma_wait3A_299 = tpu.memref_squeeze %dma_wait3A_298 : memref<1x64x129xf32, #tpu.memory_space<vmem>> -> memref<64x129xf32, #tpu.memory_space<vmem>>
    %dma_wait3A_300 = arith.constant 40 : i32
    %dma_wait3A_301 = arith.constant 0 : i32
    %dma_wait3A_302 = tpu.memref_slice %dma_wait3A_299[%dma_wait3A_300, %dma_wait3A_301] : memref<64x129xf32, #tpu.memory_space<vmem>> -> memref<8x128xf32, #tpu.memory_space<vmem>>
    tpu.wait_dma2 semaphore(%arg13 : memref<!tpu.dma_semaphore, #tpu.memory_space<semaphore_mem>>) src(%dma_wait3A_302 : memref<8x128xf32, #tpu.memory_space<vmem>>) dst(%dma_wait3A_295 : memref<8x128xf32, #tpu.memory_space<hbm>>)
    %dma_wait3A_303 = arith.constant 0 : i32
    %dma_wait3A_304 = arith.constant 0 : i32
    %dma_wait3A_305 = arith.constant 6 : i32
    %dma_wait3A_306 = arith.constant 0 : i32
    %dma_wait3A_307 = arith.constant 0 : i32
    %dma_wait3A_308 = arith.constant 0 : i32
    %dma_wait3A_309 = tpu.memref_slice %arg10[%dma_wait3A_303, %dma_wait3A_307, %dma_wait3A_308] : memref<2x64x129xf32, #tpu.memory_space<vmem>> -> memref<1x64x129xf32, #tpu.memory_space<vmem>>
    %dma_wait3A_310 = tpu.memref_squeeze %dma_wait3A_309 : memref<1x64x129xf32, #tpu.memory_space<vmem>> -> memref<64x129xf32, #tpu.memory_space<vmem>>
    %dma_wait3A_311 = arith.constant 48 : i32
    %dma_wait3A_312 = arith.constant 0 : i32
    %dma_wait3A_313 = tpu.memref_slice %dma_wait3A_310[%dma_wait3A_311, %dma_wait3A_312] : memref<64x129xf32, #tpu.memory_space<vmem>> -> memref<8x128xf32, #tpu.memory_space<vmem>>
    %dma_wait3A_314 = arith.constant 0 : i32
    %dma_wait3A_315 = arith.constant 0 : i32
    %dma_wait3A_316 = tpu.memref_slice %arg5[%dma_wait3A_304, %dma_wait3A_305, %dma_wait3A_306, %dma_wait3A_314, %dma_wait3A_315] : memref<200x8x32x8x128xf32, #tpu.memory_space<hbm>> -> memref<1x1x1x8x128xf32, #tpu.memory_space<hbm>>
    %dma_wait3A_317 = tpu.memref_squeeze %dma_wait3A_316 : memref<1x1x1x8x128xf32, #tpu.memory_space<hbm>> -> memref<8x128xf32, #tpu.memory_space<hbm>>
    %dma_wait3A_318 = arith.constant 0 : i32
    %dma_wait3A_319 = arith.constant 0 : i32
    %dma_wait3A_320 = tpu.memref_slice %arg5[%dma_wait3A_304, %dma_wait3A_305, %dma_wait3A_306, %dma_wait3A_318, %dma_wait3A_319] : memref<200x8x32x8x128xf32, #tpu.memory_space<hbm>> -> memref<1x1x1x8x128xf32, #tpu.memory_space<hbm>>
    %dma_wait3A_321 = tpu.memref_squeeze %dma_wait3A_320 : memref<1x1x1x8x128xf32, #tpu.memory_space<hbm>> -> memref<8x128xf32, #tpu.memory_space<hbm>>
    %dma_wait3A_322 = arith.constant 0 : i32
    %dma_wait3A_323 = arith.constant 0 : i32
    %dma_wait3A_324 = tpu.memref_slice %arg10[%dma_wait3A_303, %dma_wait3A_322, %dma_wait3A_323] : memref<2x64x129xf32, #tpu.memory_space<vmem>> -> memref<1x64x129xf32, #tpu.memory_space<vmem>>
    %dma_wait3A_325 = tpu.memref_squeeze %dma_wait3A_324 : memref<1x64x129xf32, #tpu.memory_space<vmem>> -> memref<64x129xf32, #tpu.memory_space<vmem>>
    %dma_wait3A_326 = arith.constant 48 : i32
    %dma_wait3A_327 = arith.constant 0 : i32
    %dma_wait3A_328 = tpu.memref_slice %dma_wait3A_325[%dma_wait3A_326, %dma_wait3A_327] : memref<64x129xf32, #tpu.memory_space<vmem>> -> memref<8x128xf32, #tpu.memory_space<vmem>>
    tpu.wait_dma2 semaphore(%arg13 : memref<!tpu.dma_semaphore, #tpu.memory_space<semaphore_mem>>) src(%dma_wait3A_328 : memref<8x128xf32, #tpu.memory_space<vmem>>) dst(%dma_wait3A_321 : memref<8x128xf32, #tpu.memory_space<hbm>>)
    %dma_wait3A_329 = arith.constant 0 : i32
    %dma_wait3A_330 = arith.constant 0 : i32
    %dma_wait3A_331 = arith.constant 7 : i32
    %dma_wait3A_332 = arith.constant 0 : i32
    %dma_wait3A_333 = arith.constant 0 : i32
    %dma_wait3A_334 = arith.constant 0 : i32
    %dma_wait3A_335 = tpu.memref_slice %arg10[%dma_wait3A_329, %dma_wait3A_333, %dma_wait3A_334] : memref<2x64x129xf32, #tpu.memory_space<vmem>> -> memref<1x64x129xf32, #tpu.memory_space<vmem>>
    %dma_wait3A_336 = tpu.memref_squeeze %dma_wait3A_335 : memref<1x64x129xf32, #tpu.memory_space<vmem>> -> memref<64x129xf32, #tpu.memory_space<vmem>>
    %dma_wait3A_337 = arith.constant 56 : i32
    %dma_wait3A_338 = arith.constant 0 : i32
    %dma_wait3A_339 = tpu.memref_slice %dma_wait3A_336[%dma_wait3A_337, %dma_wait3A_338] : memref<64x129xf32, #tpu.memory_space<vmem>> -> memref<8x128xf32, #tpu.memory_space<vmem>>
    %dma_wait3A_340 = arith.constant 0 : i32
    %dma_wait3A_341 = arith.constant 0 : i32
    %dma_wait3A_342 = tpu.memref_slice %arg5[%dma_wait3A_330, %dma_wait3A_331, %dma_wait3A_332, %dma_wait3A_340, %dma_wait3A_341] : memref<200x8x32x8x128xf32, #tpu.memory_space<hbm>> -> memref<1x1x1x8x128xf32, #tpu.memory_space<hbm>>
    %dma_wait3A_343 = tpu.memref_squeeze %dma_wait3A_342 : memref<1x1x1x8x128xf32, #tpu.memory_space<hbm>> -> memref<8x128xf32, #tpu.memory_space<hbm>>
    %dma_wait3A_344 = arith.constant 0 : i32
    %dma_wait3A_345 = arith.constant 0 : i32
    %dma_wait3A_346 = tpu.memref_slice %arg5[%dma_wait3A_330, %dma_wait3A_331, %dma_wait3A_332, %dma_wait3A_344, %dma_wait3A_345] : memref<200x8x32x8x128xf32, #tpu.memory_space<hbm>> -> memref<1x1x1x8x128xf32, #tpu.memory_space<hbm>>
    %dma_wait3A_347 = tpu.memref_squeeze %dma_wait3A_346 : memref<1x1x1x8x128xf32, #tpu.memory_space<hbm>> -> memref<8x128xf32, #tpu.memory_space<hbm>>
    %dma_wait3A_348 = arith.constant 0 : i32
    %dma_wait3A_349 = arith.constant 0 : i32
    %dma_wait3A_350 = tpu.memref_slice %arg10[%dma_wait3A_329, %dma_wait3A_348, %dma_wait3A_349] : memref<2x64x129xf32, #tpu.memory_space<vmem>> -> memref<1x64x129xf32, #tpu.memory_space<vmem>>
    %dma_wait3A_351 = tpu.memref_squeeze %dma_wait3A_350 : memref<1x64x129xf32, #tpu.memory_space<vmem>> -> memref<64x129xf32, #tpu.memory_space<vmem>>
    %dma_wait3A_352 = arith.constant 56 : i32
    %dma_wait3A_353 = arith.constant 0 : i32
    %dma_wait3A_354 = tpu.memref_slice %dma_wait3A_351[%dma_wait3A_352, %dma_wait3A_353] : memref<64x129xf32, #tpu.memory_space<vmem>> -> memref<8x128xf32, #tpu.memory_space<vmem>>
    tpu.wait_dma2 semaphore(%arg13 : memref<!tpu.dma_semaphore, #tpu.memory_space<semaphore_mem>>) src(%dma_wait3A_354 : memref<8x128xf32, #tpu.memory_space<vmem>>) dst(%dma_wait3A_347 : memref<8x128xf32, #tpu.memory_space<hbm>>)
    %dma_wait3A_355 = arith.constant 0 : i32
    %dma_wait3A_356 = arith.constant 1 : i32
    %dma_wait3A_357 = arith.constant 0 : i32
    %dma_wait3A_358 = arith.constant 0 : i32
    %dma_wait3A_359 = tpu.memref_slice %arg9[%dma_wait3A_356, %dma_wait3A_357, %dma_wait3A_358] : memref<2x128x64xf32, #tpu.memory_space<vmem>> -> memref<1x128x64xf32, #tpu.memory_space<vmem>>
    %dma_wait3A_360 = tpu.memref_squeeze %dma_wait3A_359 : memref<1x128x64xf32, #tpu.memory_space<vmem>> -> memref<128x64xf32, #tpu.memory_space<vmem>>
    %dma_wait3A_361 = arith.constant 0 : i32
    %dma_wait3A_362 = tpu.memref_slice %arg8[%dma_wait3A_355, %dma_wait3A_361] : memref<208x129xi32, #tpu.memory_space<vmem>> -> memref<1x129xi32, #tpu.memory_space<vmem>>
    %dma_wait3A_363 = tpu.memref_squeeze %dma_wait3A_362 : memref<1x129xi32, #tpu.memory_space<vmem>> -> memref<129xi32, #tpu.memory_space<vmem>>
    %dma_wait3A_364 = arith.constant 0 : i32
    %dma_wait3A_365 = tpu.memref_slice %dma_wait3A_363[%dma_wait3A_364] : memref<129xi32, #tpu.memory_space<vmem>> -> memref<128xi32, #tpu.memory_space<vmem>>
    %dma_wait3A_366 = arith.constant 0 : i32
    %dma_wait3A_367 = arith.constant 0 : i32
    %dma_wait3A_368 = tpu.memref_slice %arg2[%dma_wait3A_366, %dma_wait3A_367] : memref<1000000x64xf32, #tpu.memory_space<hbm>> -> memref<1000000x64xf32, #tpu.memory_space<hbm>>
    tpu.wait_indirect_dma semaphore(%arg12 : memref<!tpu.dma_semaphore, #tpu.memory_space<semaphore_mem>>) src(%dma_wait3A_368 : memref<1000000x64xf32, #tpu.memory_space<hbm>>) dst(%dma_wait3A_360 : memref<128x64xf32, #tpu.memory_space<vmem>>)
    %dma_wait3A_369 = arith.constant 1 : i32
    %dma_wait3A_370 = arith.constant 0 : i32
    %dma_wait3A_371 = arith.constant 0 : i32
    %dma_wait3A_372 = arith.constant 0 : i32
    %dma_wait3A_373 = arith.constant 0 : i32
    %dma_wait3A_374 = arith.constant 0 : i32
    %dma_wait3A_375 = tpu.memref_slice %arg10[%dma_wait3A_369, %dma_wait3A_373, %dma_wait3A_374] : memref<2x64x129xf32, #tpu.memory_space<vmem>> -> memref<1x64x129xf32, #tpu.memory_space<vmem>>
    %dma_wait3A_376 = tpu.memref_squeeze %dma_wait3A_375 : memref<1x64x129xf32, #tpu.memory_space<vmem>> -> memref<64x129xf32, #tpu.memory_space<vmem>>
    %dma_wait3A_377 = arith.constant 0 : i32
    %dma_wait3A_378 = arith.constant 0 : i32
    %dma_wait3A_379 = tpu.memref_slice %dma_wait3A_376[%dma_wait3A_377, %dma_wait3A_378] : memref<64x129xf32, #tpu.memory_space<vmem>> -> memref<8x128xf32, #tpu.memory_space<vmem>>
    %dma_wait3A_380 = arith.constant 0 : i32
    %dma_wait3A_381 = arith.constant 0 : i32
    %dma_wait3A_382 = tpu.memref_slice %arg5[%dma_wait3A_370, %dma_wait3A_371, %dma_wait3A_372, %dma_wait3A_380, %dma_wait3A_381] : memref<200x8x32x8x128xf32, #tpu.memory_space<hbm>> -> memref<1x1x1x8x128xf32, #tpu.memory_space<hbm>>
    %dma_wait3A_383 = tpu.memref_squeeze %dma_wait3A_382 : memref<1x1x1x8x128xf32, #tpu.memory_space<hbm>> -> memref<8x128xf32, #tpu.memory_space<hbm>>
    %dma_wait3A_384 = arith.constant 0 : i32
    %dma_wait3A_385 = arith.constant 0 : i32
    %dma_wait3A_386 = tpu.memref_slice %arg5[%dma_wait3A_370, %dma_wait3A_371, %dma_wait3A_372, %dma_wait3A_384, %dma_wait3A_385] : memref<200x8x32x8x128xf32, #tpu.memory_space<hbm>> -> memref<1x1x1x8x128xf32, #tpu.memory_space<hbm>>
    %dma_wait3A_387 = tpu.memref_squeeze %dma_wait3A_386 : memref<1x1x1x8x128xf32, #tpu.memory_space<hbm>> -> memref<8x128xf32, #tpu.memory_space<hbm>>
    %dma_wait3A_388 = arith.constant 0 : i32
    %dma_wait3A_389 = arith.constant 0 : i32
    %dma_wait3A_390 = tpu.memref_slice %arg10[%dma_wait3A_369, %dma_wait3A_388, %dma_wait3A_389] : memref<2x64x129xf32, #tpu.memory_space<vmem>> -> memref<1x64x129xf32, #tpu.memory_space<vmem>>
    %dma_wait3A_391 = tpu.memref_squeeze %dma_wait3A_390 : memref<1x64x129xf32, #tpu.memory_space<vmem>> -> memref<64x129xf32, #tpu.memory_space<vmem>>
    %dma_wait3A_392 = arith.constant 0 : i32
    %dma_wait3A_393 = arith.constant 0 : i32
    %dma_wait3A_394 = tpu.memref_slice %dma_wait3A_391[%dma_wait3A_392, %dma_wait3A_393] : memref<64x129xf32, #tpu.memory_space<vmem>> -> memref<8x128xf32, #tpu.memory_space<vmem>>
    tpu.wait_dma2 semaphore(%arg14 : memref<!tpu.dma_semaphore, #tpu.memory_space<semaphore_mem>>) src(%dma_wait3A_394 : memref<8x128xf32, #tpu.memory_space<vmem>>) dst(%dma_wait3A_387 : memref<8x128xf32, #tpu.memory_space<hbm>>)
    %dma_wait3A_395 = arith.constant 1 : i32
    %dma_wait3A_396 = arith.constant 0 : i32
    %dma_wait3A_397 = arith.constant 1 : i32
    %dma_wait3A_398 = arith.constant 0 : i32
    %dma_wait3A_399 = arith.constant 0 : i32
    %dma_wait3A_400 = arith.constant 0 : i32
    %dma_wait3A_401 = tpu.memref_slice %arg10[%dma_wait3A_395, %dma_wait3A_399, %dma_wait3A_400] : memref<2x64x129xf32, #tpu.memory_space<vmem>> -> memref<1x64x129xf32, #tpu.memory_space<vmem>>
    %dma_wait3A_402 = tpu.memref_squeeze %dma_wait3A_401 : memref<1x64x129xf32, #tpu.memory_space<vmem>> -> memref<64x129xf32, #tpu.memory_space<vmem>>
    %dma_wait3A_403 = arith.constant 8 : i32
    %dma_wait3A_404 = arith.constant 0 : i32
    %dma_wait3A_405 = tpu.memref_slice %dma_wait3A_402[%dma_wait3A_403, %dma_wait3A_404] : memref<64x129xf32, #tpu.memory_space<vmem>> -> memref<8x128xf32, #tpu.memory_space<vmem>>
    %dma_wait3A_406 = arith.constant 0 : i32
    %dma_wait3A_407 = arith.constant 0 : i32
    %dma_wait3A_408 = tpu.memref_slice %arg5[%dma_wait3A_396, %dma_wait3A_397, %dma_wait3A_398, %dma_wait3A_406, %dma_wait3A_407] : memref<200x8x32x8x128xf32, #tpu.memory_space<hbm>> -> memref<1x1x1x8x128xf32, #tpu.memory_space<hbm>>
    %dma_wait3A_409 = tpu.memref_squeeze %dma_wait3A_408 : memref<1x1x1x8x128xf32, #tpu.memory_space<hbm>> -> memref<8x128xf32, #tpu.memory_space<hbm>>
    %dma_wait3A_410 = arith.constant 0 : i32
    %dma_wait3A_411 = arith.constant 0 : i32
    %dma_wait3A_412 = tpu.memref_slice %arg5[%dma_wait3A_396, %dma_wait3A_397, %dma_wait3A_398, %dma_wait3A_410, %dma_wait3A_411] : memref<200x8x32x8x128xf32, #tpu.memory_space<hbm>> -> memref<1x1x1x8x128xf32, #tpu.memory_space<hbm>>
    %dma_wait3A_413 = tpu.memref_squeeze %dma_wait3A_412 : memref<1x1x1x8x128xf32, #tpu.memory_space<hbm>> -> memref<8x128xf32, #tpu.memory_space<hbm>>
    %dma_wait3A_414 = arith.constant 0 : i32
    %dma_wait3A_415 = arith.constant 0 : i32
    %dma_wait3A_416 = tpu.memref_slice %arg10[%dma_wait3A_395, %dma_wait3A_414, %dma_wait3A_415] : memref<2x64x129xf32, #tpu.memory_space<vmem>> -> memref<1x64x129xf32, #tpu.memory_space<vmem>>
    %dma_wait3A_417 = tpu.memref_squeeze %dma_wait3A_416 : memref<1x64x129xf32, #tpu.memory_space<vmem>> -> memref<64x129xf32, #tpu.memory_space<vmem>>
    %dma_wait3A_418 = arith.constant 8 : i32
    %dma_wait3A_419 = arith.constant 0 : i32
    %dma_wait3A_420 = tpu.memref_slice %dma_wait3A_417[%dma_wait3A_418, %dma_wait3A_419] : memref<64x129xf32, #tpu.memory_space<vmem>> -> memref<8x128xf32, #tpu.memory_space<vmem>>
    tpu.wait_dma2 semaphore(%arg14 : memref<!tpu.dma_semaphore, #tpu.memory_space<semaphore_mem>>) src(%dma_wait3A_420 : memref<8x128xf32, #tpu.memory_space<vmem>>) dst(%dma_wait3A_413 : memref<8x128xf32, #tpu.memory_space<hbm>>)
    %dma_wait3A_421 = arith.constant 1 : i32
    %dma_wait3A_422 = arith.constant 0 : i32
    %dma_wait3A_423 = arith.constant 2 : i32
    %dma_wait3A_424 = arith.constant 0 : i32
    %dma_wait3A_425 = arith.constant 0 : i32
    %dma_wait3A_426 = arith.constant 0 : i32
    %dma_wait3A_427 = tpu.memref_slice %arg10[%dma_wait3A_421, %dma_wait3A_425, %dma_wait3A_426] : memref<2x64x129xf32, #tpu.memory_space<vmem>> -> memref<1x64x129xf32, #tpu.memory_space<vmem>>
    %dma_wait3A_428 = tpu.memref_squeeze %dma_wait3A_427 : memref<1x64x129xf32, #tpu.memory_space<vmem>> -> memref<64x129xf32, #tpu.memory_space<vmem>>
    %dma_wait3A_429 = arith.constant 16 : i32
    %dma_wait3A_430 = arith.constant 0 : i32
    %dma_wait3A_431 = tpu.memref_slice %dma_wait3A_428[%dma_wait3A_429, %dma_wait3A_430] : memref<64x129xf32, #tpu.memory_space<vmem>> -> memref<8x128xf32, #tpu.memory_space<vmem>>
    %dma_wait3A_432 = arith.constant 0 : i32
    %dma_wait3A_433 = arith.constant 0 : i32
    %dma_wait3A_434 = tpu.memref_slice %arg5[%dma_wait3A_422, %dma_wait3A_423, %dma_wait3A_424, %dma_wait3A_432, %dma_wait3A_433] : memref<200x8x32x8x128xf32, #tpu.memory_space<hbm>> -> memref<1x1x1x8x128xf32, #tpu.memory_space<hbm>>
    %dma_wait3A_435 = tpu.memref_squeeze %dma_wait3A_434 : memref<1x1x1x8x128xf32, #tpu.memory_space<hbm>> -> memref<8x128xf32, #tpu.memory_space<hbm>>
    %dma_wait3A_436 = arith.constant 0 : i32
    %dma_wait3A_437 = arith.constant 0 : i32
    %dma_wait3A_438 = tpu.memref_slice %arg5[%dma_wait3A_422, %dma_wait3A_423, %dma_wait3A_424, %dma_wait3A_436, %dma_wait3A_437] : memref<200x8x32x8x128xf32, #tpu.memory_space<hbm>> -> memref<1x1x1x8x128xf32, #tpu.memory_space<hbm>>
    %dma_wait3A_439 = tpu.memref_squeeze %dma_wait3A_438 : memref<1x1x1x8x128xf32, #tpu.memory_space<hbm>> -> memref<8x128xf32, #tpu.memory_space<hbm>>
    %dma_wait3A_440 = arith.constant 0 : i32
    %dma_wait3A_441 = arith.constant 0 : i32
    %dma_wait3A_442 = tpu.memref_slice %arg10[%dma_wait3A_421, %dma_wait3A_440, %dma_wait3A_441] : memref<2x64x129xf32, #tpu.memory_space<vmem>> -> memref<1x64x129xf32, #tpu.memory_space<vmem>>
    %dma_wait3A_443 = tpu.memref_squeeze %dma_wait3A_442 : memref<1x64x129xf32, #tpu.memory_space<vmem>> -> memref<64x129xf32, #tpu.memory_space<vmem>>
    %dma_wait3A_444 = arith.constant 16 : i32
    %dma_wait3A_445 = arith.constant 0 : i32
    %dma_wait3A_446 = tpu.memref_slice %dma_wait3A_443[%dma_wait3A_444, %dma_wait3A_445] : memref<64x129xf32, #tpu.memory_space<vmem>> -> memref<8x128xf32, #tpu.memory_space<vmem>>
    tpu.wait_dma2 semaphore(%arg14 : memref<!tpu.dma_semaphore, #tpu.memory_space<semaphore_mem>>) src(%dma_wait3A_446 : memref<8x128xf32, #tpu.memory_space<vmem>>) dst(%dma_wait3A_439 : memref<8x128xf32, #tpu.memory_space<hbm>>)
    %dma_wait3A_447 = arith.constant 1 : i32
    %dma_wait3A_448 = arith.constant 0 : i32
    %dma_wait3A_449 = arith.constant 3 : i32
    %dma_wait3A_450 = arith.constant 0 : i32
    %dma_wait3A_451 = arith.constant 0 : i32
    %dma_wait3A_452 = arith.constant 0 : i32
    %dma_wait3A_453 = tpu.memref_slice %arg10[%dma_wait3A_447, %dma_wait3A_451, %dma_wait3A_452] : memref<2x64x129xf32, #tpu.memory_space<vmem>> -> memref<1x64x129xf32, #tpu.memory_space<vmem>>
    %dma_wait3A_454 = tpu.memref_squeeze %dma_wait3A_453 : memref<1x64x129xf32, #tpu.memory_space<vmem>> -> memref<64x129xf32, #tpu.memory_space<vmem>>
    %dma_wait3A_455 = arith.constant 24 : i32
    %dma_wait3A_456 = arith.constant 0 : i32
    %dma_wait3A_457 = tpu.memref_slice %dma_wait3A_454[%dma_wait3A_455, %dma_wait3A_456] : memref<64x129xf32, #tpu.memory_space<vmem>> -> memref<8x128xf32, #tpu.memory_space<vmem>>
    %dma_wait3A_458 = arith.constant 0 : i32
    %dma_wait3A_459 = arith.constant 0 : i32
    %dma_wait3A_460 = tpu.memref_slice %arg5[%dma_wait3A_448, %dma_wait3A_449, %dma_wait3A_450, %dma_wait3A_458, %dma_wait3A_459] : memref<200x8x32x8x128xf32, #tpu.memory_space<hbm>> -> memref<1x1x1x8x128xf32, #tpu.memory_space<hbm>>
    %dma_wait3A_461 = tpu.memref_squeeze %dma_wait3A_460 : memref<1x1x1x8x128xf32, #tpu.memory_space<hbm>> -> memref<8x128xf32, #tpu.memory_space<hbm>>
    %dma_wait3A_462 = arith.constant 0 : i32
    %dma_wait3A_463 = arith.constant 0 : i32
    %dma_wait3A_464 = tpu.memref_slice %arg5[%dma_wait3A_448, %dma_wait3A_449, %dma_wait3A_450, %dma_wait3A_462, %dma_wait3A_463] : memref<200x8x32x8x128xf32, #tpu.memory_space<hbm>> -> memref<1x1x1x8x128xf32, #tpu.memory_space<hbm>>
    %dma_wait3A_465 = tpu.memref_squeeze %dma_wait3A_464 : memref<1x1x1x8x128xf32, #tpu.memory_space<hbm>> -> memref<8x128xf32, #tpu.memory_space<hbm>>
    %dma_wait3A_466 = arith.constant 0 : i32
    %dma_wait3A_467 = arith.constant 0 : i32
    %dma_wait3A_468 = tpu.memref_slice %arg10[%dma_wait3A_447, %dma_wait3A_466, %dma_wait3A_467] : memref<2x64x129xf32, #tpu.memory_space<vmem>> -> memref<1x64x129xf32, #tpu.memory_space<vmem>>
    %dma_wait3A_469 = tpu.memref_squeeze %dma_wait3A_468 : memref<1x64x129xf32, #tpu.memory_space<vmem>> -> memref<64x129xf32, #tpu.memory_space<vmem>>
    %dma_wait3A_470 = arith.constant 24 : i32
    %dma_wait3A_471 = arith.constant 0 : i32
    %dma_wait3A_472 = tpu.memref_slice %dma_wait3A_469[%dma_wait3A_470, %dma_wait3A_471] : memref<64x129xf32, #tpu.memory_space<vmem>> -> memref<8x128xf32, #tpu.memory_space<vmem>>
    tpu.wait_dma2 semaphore(%arg14 : memref<!tpu.dma_semaphore, #tpu.memory_space<semaphore_mem>>) src(%dma_wait3A_472 : memref<8x128xf32, #tpu.memory_space<vmem>>) dst(%dma_wait3A_465 : memref<8x128xf32, #tpu.memory_space<hbm>>)
    %dma_wait3A_473 = arith.constant 1 : i32
    %dma_wait3A_474 = arith.constant 0 : i32
    %dma_wait3A_475 = arith.constant 4 : i32
    %dma_wait3A_476 = arith.constant 0 : i32
    %dma_wait3A_477 = arith.constant 0 : i32
    %dma_wait3A_478 = arith.constant 0 : i32
    %dma_wait3A_479 = tpu.memref_slice %arg10[%dma_wait3A_473, %dma_wait3A_477, %dma_wait3A_478] : memref<2x64x129xf32, #tpu.memory_space<vmem>> -> memref<1x64x129xf32, #tpu.memory_space<vmem>>
    %dma_wait3A_480 = tpu.memref_squeeze %dma_wait3A_479 : memref<1x64x129xf32, #tpu.memory_space<vmem>> -> memref<64x129xf32, #tpu.memory_space<vmem>>
    %dma_wait3A_481 = arith.constant 32 : i32
    %dma_wait3A_482 = arith.constant 0 : i32
    %dma_wait3A_483 = tpu.memref_slice %dma_wait3A_480[%dma_wait3A_481, %dma_wait3A_482] : memref<64x129xf32, #tpu.memory_space<vmem>> -> memref<8x128xf32, #tpu.memory_space<vmem>>
    %dma_wait3A_484 = arith.constant 0 : i32
    %dma_wait3A_485 = arith.constant 0 : i32
    %dma_wait3A_486 = tpu.memref_slice %arg5[%dma_wait3A_474, %dma_wait3A_475, %dma_wait3A_476, %dma_wait3A_484, %dma_wait3A_485] : memref<200x8x32x8x128xf32, #tpu.memory_space<hbm>> -> memref<1x1x1x8x128xf32, #tpu.memory_space<hbm>>
    %dma_wait3A_487 = tpu.memref_squeeze %dma_wait3A_486 : memref<1x1x1x8x128xf32, #tpu.memory_space<hbm>> -> memref<8x128xf32, #tpu.memory_space<hbm>>
    %dma_wait3A_488 = arith.constant 0 : i32
    %dma_wait3A_489 = arith.constant 0 : i32
    %dma_wait3A_490 = tpu.memref_slice %arg5[%dma_wait3A_474, %dma_wait3A_475, %dma_wait3A_476, %dma_wait3A_488, %dma_wait3A_489] : memref<200x8x32x8x128xf32, #tpu.memory_space<hbm>> -> memref<1x1x1x8x128xf32, #tpu.memory_space<hbm>>
    %dma_wait3A_491 = tpu.memref_squeeze %dma_wait3A_490 : memref<1x1x1x8x128xf32, #tpu.memory_space<hbm>> -> memref<8x128xf32, #tpu.memory_space<hbm>>
    %dma_wait3A_492 = arith.constant 0 : i32
    %dma_wait3A_493 = arith.constant 0 : i32
    %dma_wait3A_494 = tpu.memref_slice %arg10[%dma_wait3A_473, %dma_wait3A_492, %dma_wait3A_493] : memref<2x64x129xf32, #tpu.memory_space<vmem>> -> memref<1x64x129xf32, #tpu.memory_space<vmem>>
    %dma_wait3A_495 = tpu.memref_squeeze %dma_wait3A_494 : memref<1x64x129xf32, #tpu.memory_space<vmem>> -> memref<64x129xf32, #tpu.memory_space<vmem>>
    %dma_wait3A_496 = arith.constant 32 : i32
    %dma_wait3A_497 = arith.constant 0 : i32
    %dma_wait3A_498 = tpu.memref_slice %dma_wait3A_495[%dma_wait3A_496, %dma_wait3A_497] : memref<64x129xf32, #tpu.memory_space<vmem>> -> memref<8x128xf32, #tpu.memory_space<vmem>>
    tpu.wait_dma2 semaphore(%arg14 : memref<!tpu.dma_semaphore, #tpu.memory_space<semaphore_mem>>) src(%dma_wait3A_498 : memref<8x128xf32, #tpu.memory_space<vmem>>) dst(%dma_wait3A_491 : memref<8x128xf32, #tpu.memory_space<hbm>>)
    %dma_wait3A_499 = arith.constant 1 : i32
    %dma_wait3A_500 = arith.constant 0 : i32
    %dma_wait3A_501 = arith.constant 5 : i32
    %dma_wait3A_502 = arith.constant 0 : i32
    %dma_wait3A_503 = arith.constant 0 : i32
    %dma_wait3A_504 = arith.constant 0 : i32
    %dma_wait3A_505 = tpu.memref_slice %arg10[%dma_wait3A_499, %dma_wait3A_503, %dma_wait3A_504] : memref<2x64x129xf32, #tpu.memory_space<vmem>> -> memref<1x64x129xf32, #tpu.memory_space<vmem>>
    %dma_wait3A_506 = tpu.memref_squeeze %dma_wait3A_505 : memref<1x64x129xf32, #tpu.memory_space<vmem>> -> memref<64x129xf32, #tpu.memory_space<vmem>>
    %dma_wait3A_507 = arith.constant 40 : i32
    %dma_wait3A_508 = arith.constant 0 : i32
    %dma_wait3A_509 = tpu.memref_slice %dma_wait3A_506[%dma_wait3A_507, %dma_wait3A_508] : memref<64x129xf32, #tpu.memory_space<vmem>> -> memref<8x128xf32, #tpu.memory_space<vmem>>
    %dma_wait3A_510 = arith.constant 0 : i32
    %dma_wait3A_511 = arith.constant 0 : i32
    %dma_wait3A_512 = tpu.memref_slice %arg5[%dma_wait3A_500, %dma_wait3A_501, %dma_wait3A_502, %dma_wait3A_510, %dma_wait3A_511] : memref<200x8x32x8x128xf32, #tpu.memory_space<hbm>> -> memref<1x1x1x8x128xf32, #tpu.memory_space<hbm>>
    %dma_wait3A_513 = tpu.memref_squeeze %dma_wait3A_512 : memref<1x1x1x8x128xf32, #tpu.memory_space<hbm>> -> memref<8x128xf32, #tpu.memory_space<hbm>>
    %dma_wait3A_514 = arith.constant 0 : i32
    %dma_wait3A_515 = arith.constant 0 : i32
    %dma_wait3A_516 = tpu.memref_slice %arg5[%dma_wait3A_500, %dma_wait3A_501, %dma_wait3A_502, %dma_wait3A_514, %dma_wait3A_515] : memref<200x8x32x8x128xf32, #tpu.memory_space<hbm>> -> memref<1x1x1x8x128xf32, #tpu.memory_space<hbm>>
    %dma_wait3A_517 = tpu.memref_squeeze %dma_wait3A_516 : memref<1x1x1x8x128xf32, #tpu.memory_space<hbm>> -> memref<8x128xf32, #tpu.memory_space<hbm>>
    %dma_wait3A_518 = arith.constant 0 : i32
    %dma_wait3A_519 = arith.constant 0 : i32
    %dma_wait3A_520 = tpu.memref_slice %arg10[%dma_wait3A_499, %dma_wait3A_518, %dma_wait3A_519] : memref<2x64x129xf32, #tpu.memory_space<vmem>> -> memref<1x64x129xf32, #tpu.memory_space<vmem>>
    %dma_wait3A_521 = tpu.memref_squeeze %dma_wait3A_520 : memref<1x64x129xf32, #tpu.memory_space<vmem>> -> memref<64x129xf32, #tpu.memory_space<vmem>>
    %dma_wait3A_522 = arith.constant 40 : i32
    %dma_wait3A_523 = arith.constant 0 : i32
    %dma_wait3A_524 = tpu.memref_slice %dma_wait3A_521[%dma_wait3A_522, %dma_wait3A_523] : memref<64x129xf32, #tpu.memory_space<vmem>> -> memref<8x128xf32, #tpu.memory_space<vmem>>
    tpu.wait_dma2 semaphore(%arg14 : memref<!tpu.dma_semaphore, #tpu.memory_space<semaphore_mem>>) src(%dma_wait3A_524 : memref<8x128xf32, #tpu.memory_space<vmem>>) dst(%dma_wait3A_517 : memref<8x128xf32, #tpu.memory_space<hbm>>)
    %dma_wait3A_525 = arith.constant 1 : i32
    %dma_wait3A_526 = arith.constant 0 : i32
    %dma_wait3A_527 = arith.constant 6 : i32
    %dma_wait3A_528 = arith.constant 0 : i32
    %dma_wait3A_529 = arith.constant 0 : i32
    %dma_wait3A_530 = arith.constant 0 : i32
    %dma_wait3A_531 = tpu.memref_slice %arg10[%dma_wait3A_525, %dma_wait3A_529, %dma_wait3A_530] : memref<2x64x129xf32, #tpu.memory_space<vmem>> -> memref<1x64x129xf32, #tpu.memory_space<vmem>>
    %dma_wait3A_532 = tpu.memref_squeeze %dma_wait3A_531 : memref<1x64x129xf32, #tpu.memory_space<vmem>> -> memref<64x129xf32, #tpu.memory_space<vmem>>
    %dma_wait3A_533 = arith.constant 48 : i32
    %dma_wait3A_534 = arith.constant 0 : i32
    %dma_wait3A_535 = tpu.memref_slice %dma_wait3A_532[%dma_wait3A_533, %dma_wait3A_534] : memref<64x129xf32, #tpu.memory_space<vmem>> -> memref<8x128xf32, #tpu.memory_space<vmem>>
    %dma_wait3A_536 = arith.constant 0 : i32
    %dma_wait3A_537 = arith.constant 0 : i32
    %dma_wait3A_538 = tpu.memref_slice %arg5[%dma_wait3A_526, %dma_wait3A_527, %dma_wait3A_528, %dma_wait3A_536, %dma_wait3A_537] : memref<200x8x32x8x128xf32, #tpu.memory_space<hbm>> -> memref<1x1x1x8x128xf32, #tpu.memory_space<hbm>>
    %dma_wait3A_539 = tpu.memref_squeeze %dma_wait3A_538 : memref<1x1x1x8x128xf32, #tpu.memory_space<hbm>> -> memref<8x128xf32, #tpu.memory_space<hbm>>
    %dma_wait3A_540 = arith.constant 0 : i32
    %dma_wait3A_541 = arith.constant 0 : i32
    %dma_wait3A_542 = tpu.memref_slice %arg5[%dma_wait3A_526, %dma_wait3A_527, %dma_wait3A_528, %dma_wait3A_540, %dma_wait3A_541] : memref<200x8x32x8x128xf32, #tpu.memory_space<hbm>> -> memref<1x1x1x8x128xf32, #tpu.memory_space<hbm>>
    %dma_wait3A_543 = tpu.memref_squeeze %dma_wait3A_542 : memref<1x1x1x8x128xf32, #tpu.memory_space<hbm>> -> memref<8x128xf32, #tpu.memory_space<hbm>>
    %dma_wait3A_544 = arith.constant 0 : i32
    %dma_wait3A_545 = arith.constant 0 : i32
    %dma_wait3A_546 = tpu.memref_slice %arg10[%dma_wait3A_525, %dma_wait3A_544, %dma_wait3A_545] : memref<2x64x129xf32, #tpu.memory_space<vmem>> -> memref<1x64x129xf32, #tpu.memory_space<vmem>>
    %dma_wait3A_547 = tpu.memref_squeeze %dma_wait3A_546 : memref<1x64x129xf32, #tpu.memory_space<vmem>> -> memref<64x129xf32, #tpu.memory_space<vmem>>
    %dma_wait3A_548 = arith.constant 48 : i32
    %dma_wait3A_549 = arith.constant 0 : i32
    %dma_wait3A_550 = tpu.memref_slice %dma_wait3A_547[%dma_wait3A_548, %dma_wait3A_549] : memref<64x129xf32, #tpu.memory_space<vmem>> -> memref<8x128xf32, #tpu.memory_space<vmem>>
    tpu.wait_dma2 semaphore(%arg14 : memref<!tpu.dma_semaphore, #tpu.memory_space<semaphore_mem>>) src(%dma_wait3A_550 : memref<8x128xf32, #tpu.memory_space<vmem>>) dst(%dma_wait3A_543 : memref<8x128xf32, #tpu.memory_space<hbm>>)
    %dma_wait3A_551 = arith.constant 1 : i32
    %dma_wait3A_552 = arith.constant 0 : i32
    %dma_wait3A_553 = arith.constant 7 : i32
    %dma_wait3A_554 = arith.constant 0 : i32
    %dma_wait3A_555 = arith.constant 0 : i32
    %dma_wait3A_556 = arith.constant 0 : i32
    %dma_wait3A_557 = tpu.memref_slice %arg10[%dma_wait3A_551, %dma_wait3A_555, %dma_wait3A_556] : memref<2x64x129xf32, #tpu.memory_space<vmem>> -> memref<1x64x129xf32, #tpu.memory_space<vmem>>
    %dma_wait3A_558 = tpu.memref_squeeze %dma_wait3A_557 : memref<1x64x129xf32, #tpu.memory_space<vmem>> -> memref<64x129xf32, #tpu.memory_space<vmem>>
    %dma_wait3A_559 = arith.constant 56 : i32
    %dma_wait3A_560 = arith.constant 0 : i32
    %dma_wait3A_561 = tpu.memref_slice %dma_wait3A_558[%dma_wait3A_559, %dma_wait3A_560] : memref<64x129xf32, #tpu.memory_space<vmem>> -> memref<8x128xf32, #tpu.memory_space<vmem>>
    %dma_wait3A_562 = arith.constant 0 : i32
    %dma_wait3A_563 = arith.constant 0 : i32
    %dma_wait3A_564 = tpu.memref_slice %arg5[%dma_wait3A_552, %dma_wait3A_553, %dma_wait3A_554, %dma_wait3A_562, %dma_wait3A_563] : memref<200x8x32x8x128xf32, #tpu.memory_space<hbm>> -> memref<1x1x1x8x128xf32, #tpu.memory_space<hbm>>
    %dma_wait3A_565 = tpu.memref_squeeze %dma_wait3A_564 : memref<1x1x1x8x128xf32, #tpu.memory_space<hbm>> -> memref<8x128xf32, #tpu.memory_space<hbm>>
    %dma_wait3A_566 = arith.constant 0 : i32
    %dma_wait3A_567 = arith.constant 0 : i32
    %dma_wait3A_568 = tpu.memref_slice %arg5[%dma_wait3A_552, %dma_wait3A_553, %dma_wait3A_554, %dma_wait3A_566, %dma_wait3A_567] : memref<200x8x32x8x128xf32, #tpu.memory_space<hbm>> -> memref<1x1x1x8x128xf32, #tpu.memory_space<hbm>>
    %dma_wait3A_569 = tpu.memref_squeeze %dma_wait3A_568 : memref<1x1x1x8x128xf32, #tpu.memory_space<hbm>> -> memref<8x128xf32, #tpu.memory_space<hbm>>
    %dma_wait3A_570 = arith.constant 0 : i32
    %dma_wait3A_571 = arith.constant 0 : i32
    %dma_wait3A_572 = tpu.memref_slice %arg10[%dma_wait3A_551, %dma_wait3A_570, %dma_wait3A_571] : memref<2x64x129xf32, #tpu.memory_space<vmem>> -> memref<1x64x129xf32, #tpu.memory_space<vmem>>
    %dma_wait3A_573 = tpu.memref_squeeze %dma_wait3A_572 : memref<1x64x129xf32, #tpu.memory_space<vmem>> -> memref<64x129xf32, #tpu.memory_space<vmem>>
    %dma_wait3A_574 = arith.constant 56 : i32
    %dma_wait3A_575 = arith.constant 0 : i32
    %dma_wait3A_576 = tpu.memref_slice %dma_wait3A_573[%dma_wait3A_574, %dma_wait3A_575] : memref<64x129xf32, #tpu.memory_space<vmem>> -> memref<8x128xf32, #tpu.memory_space<vmem>>
    tpu.wait_dma2 semaphore(%arg14 : memref<!tpu.dma_semaphore, #tpu.memory_space<semaphore_mem>>) src(%dma_wait3A_576 : memref<8x128xf32, #tpu.memory_space<vmem>>) dst(%dma_wait3A_569 : memref<8x128xf32, #tpu.memory_space<hbm>>)
    return
  }
}

</mosaic_0001>

<sc_bundles>
// kernel: kernel.3.cloned.1.call-start
scs
__scs_entry_jumppad:
0x0: {  	(pc) =	sbr.rel $0x88, $3  }
0x1: {  	(tag) =	ssettag $0x0;
	lr =	simm.s32 $0x1  }
0x2: {  	[smem:$0x3F9F] =	sst lr;
	_ =	strace $0xD0000000  }
0x3: {  	_ = 	snop  }
0x4: {  	_ = 	snop  }
0x5: {  	_ = 	snop  }
0x6: {  	_ = 	snop  }
0x7: {  	_ = 	snop  }
__scs_overlays_trampoline_lowered:
0x8: {  	[smem:$0x3FAE] =	sst s0  }
0x9: {  	[smem:$0x3FAF] =	sst s1  }
0xa: {  	[smem:$0x3FB0] =	sst s2  }
0xb: {  	[smem:$0x3FB1] =	sst s3  }
0xc: {  	[smem:$0x3FB2] =	sst s4  }
0xd: {  	[smem:$0x3FB3] =	sst s5  }
0xe: {  	[smem:$0x3FB4] =	sst s6  }
0xf: {  	[smem:$0x3FB5] =	sst s7  }
0x10: {  	[smem:$0x3FB6] =	sst s8  }
0x11: {  	[smem:$0x3FB7] =	sst s9;
	s0 =	simm.s32 @!p0 $0x0  }
0x12: {  	s1 =	sld [smem:$0x3F9D];
	s0 =	simm.s32 @p0 $0x1  }
0x13: {  	[smem:$0x3FB8] =	sst s0;
	s0 =	simm.s32 @!p1 $0x0  }
0x14: {  	s2 =	sld [smem:$0x3F9C];
	s0 =	simm.s32 @p1 $0x1  }
0x15: {  	[smem:$0x3FB9] =	sst s0;
	s0 =	simm.s32 @!p2 $0x0  }
0x16: {  	s3 =	sld [smem:$0x3FDB];
	s0 =	simm.s32 @p2 $0x1  }
0x17: {  	s4 =	simm.s32 $0x1BF5;
	[smem:$0x3FBB] =	sst s0  }
0x18: {  	s0 =	sld [smem:$0x3F9E];
	_ =	swait.ge [sflag:s4], $0x0  }
0x19: {  	s7 =	sld [smem:$0x3F9F]  }
0x1a: {  	s8 =	sadd.s32 $0xFFFFE003, lr  }
0x1b: {  	s9 =	sadd.s32 $0xFFFFFEF7, lr;
	s5 =	simm.s32 $0xFFFFFFFF;
	p2 =	slt.u32 s8, $0xFFFFF086  }
0x1c: {  	p1 =	slt.u32 s9, $0xF7A;
	s5 =	simm.s32 @!p2 $0x0  }
0x1d: {  	s5 =	simm.s32 @p1 $0x1;
	p0 =	seq.s32 s7, s2  }
0x1e: {  	s7 =	smul.u32 @!p0 $0xF7A, s2;
	p2 =	seq.s32 @!p0 s5, $0x0  }
0x1f: {  	s9 =	smul.u32 $0xF7A, s1;
	s8 =	simm.s32 @!p0 $0x1BF5;
	p2 =	por !p2, p0  }
0x20: {  	[sflag:s8] =	ssyncset.s32 @!p0 $0xFFFFF086;
	s6 =	sadd.s32 @!p0 s3, s7;
	s7 =	simm.s32 @!p0 $0x108  }
0x21: {  	s3 =	sadd.s32 s3, s9;
	s6 =	sadd.s32 @!p0 $0x88, s6;
	s7 =	simm.s32 @p2 $0x1082  }
0x22: {  	[simem:s7], [sflag:s8] =	dma.local @!p0 [hbm:s6], $0xF7A  }
0x23: {  	s9 =	sor.u32 $0xD0000000, s2;
	s6 =	simm.s32 $0x108;
	_ =	swait.ge @!p0 [sflag:s8], $0x0  }
0x24: {  	s3 =	sadd.s32 $0x88, s3;
	s6 =	simm.s32 @!p1 $0x1082;
	[sflag:s4] =	ssyncset.s32 $0xFFFFF086  }
0x25: {  	[simem:s6], [sflag:s4] =	dma.local [hbm:s3], $0xF7A  }
0x26: {  	[smem:$0x3F9F] =	sst s1;
	(tag) =	ssettag s2;
	_ =	strace s9  }
0x27: {  	s1 =	sld [smem:$0x3FAF]  }
0x28: {  	s2 =	sld [smem:$0x3FB0]  }
0x29: {  	s4 =	sld [smem:$0x3FB2]  }
0x2a: {  	p0 =	seq.s32 s5, $0x0;
	s5 =	sld [smem:$0x3FB3]  }
0x2b: {  	s6 =	sld [smem:$0x3FB4]  }
0x2c: {  	s7 =	sld [smem:$0x3FB5]  }
0x2d: {  	s3 =	simm.s32 $0x108;
	s8 =	sld [smem:$0x3FB6]  }
0x2e: {  	s3 =	simm.s32 @!p0 $0x1082;
	s9 =	sld [smem:$0x3FB7]  }
0x2f: {  	lr =	sadd.s32 s0, s3;
	s0 =	sld [smem:$0x3FAE]  }
0x30: {  	s3 =	sld [smem:$0x3FB1]  }
0x31: {  	[smem:$0x3FBA] =	sst s10  }
0x32: {  	s10 =	sld [smem:$0x3FB8];
	_ =	sdelay $0x3  }
0x33: {  	p0 =	seq.s32 s10, $0x1;
	s10 =	sld [smem:$0x3FBA];
	_ =	sdelay $0x3  }
0x34: {  	[smem:$0x3FBA] =	sst s10  }
0x35: {  	s10 =	sld [smem:$0x3FB9];
	_ =	sdelay $0x3  }
0x36: {  	p1 =	seq.s32 s10, $0x1;
	s10 =	sld [smem:$0x3FBA];
	_ =	sdelay $0x3  }
0x37: {  	[smem:$0x3FBA] =	sst s10  }
0x38: {  	s10 =	sld [smem:$0x3FBB]  }
0x39: {  	_ = 	snop;
	(pc) =	sbr.ind lr, $3  }
0x3a: {  	_ = 	snop  }
0x3b: {  	_ = 	snop  }
0x3c: {  	p2 =	seq.s32 s10, $0x1;
	s10 =	sld [smem:$0x3FBA]  }
0x3d: {  	_ =	shalt  }
0x3e: {  	_ =	shalt  }
0x3f: {  	_ =	shalt  }
0x40: {  	_ =	shalt  }
0x41: {  	_ =	shalt  }
0x42: {  	_ =	shalt  }
0x43: {  	_ =	shalt  }
0x44: {  	_ =	shalt  }
0x45: {  	_ =	shalt  }
0x46: {  	_ =	shalt  }
0x47: {  	_ =	shalt  }
0x48: {  	_ =	shalt  }
0x49: {  	_ =	shalt  }
0x4a: {  	_ =	shalt  }
0x4b: {  	_ =	shalt  }
0x4c: {  	_ =	shalt  }
0x4d: {  	_ =	shalt  }
0x4e: {  	_ =	shalt  }
0x4f: {  	_ =	shalt  }
0x50: {  	_ =	shalt  }
0x51: {  	_ =	shalt  }
0x52: {  	_ =	shalt  }
0x53: {  	_ =	shalt  }
0x54: {  	_ =	shalt  }
0x55: {  	_ =	shalt  }
0x56: {  	_ =	shalt  }
0x57: {  	_ =	shalt  }
0x58: {  	_ =	shalt  }
0x59: {  	_ =	shalt  }
0x5a: {  	_ =	shalt  }
0x5b: {  	_ =	shalt  }
0x5c: {  	_ =	shalt  }
0x5d: {  	_ =	shalt  }
0x5e: {  	_ =	shalt  }
0x5f: {  	_ =	shalt  }
0x60: {  	_ =	shalt  }
0x61: {  	_ =	shalt  }
0x62: {  	_ =	shalt  }
0x63: {  	_ =	shalt  }
0x64: {  	_ =	shalt  }
0x65: {  	_ =	shalt  }
0x66: {  	_ =	shalt  }
0x67: {  	_ =	shalt  }
0x68: {  	_ =	shalt  }
0x69: {  	_ =	shalt  }
0x6a: {  	_ =	shalt  }
0x6b: {  	_ =	shalt  }
0x6c: {  	_ =	shalt  }
0x6d: {  	_ =	shalt  }
0x6e: {  	_ =	shalt  }
0x6f: {  	_ =	shalt  }
0x70: {  	_ =	shalt  }
0x71: {  	_ =	shalt  }
0x72: {  	_ =	shalt  }
0x73: {  	_ =	shalt  }
0x74: {  	_ =	shalt  }
0x75: {  	_ =	shalt  }
0x76: {  	_ =	shalt  }
0x77: {  	_ =	shalt  }
0x78: {  	_ =	shalt  }
0x79: {  	_ =	shalt  }
0x7a: {  	_ =	shalt  }
0x7b: {  	_ =	shalt  }
0x7c: {  	_ =	shalt  }
0x7d: {  	_ =	shalt  }
0x7e: {  	_ =	shalt  }
0x7f: {  	_ =	shalt  }
0x80: {  	_ =	shalt  }
0x81: {  	_ =	shalt  }
0x82: {  	_ =	shalt  }
0x83: {  	_ =	shalt  }
0x84: {  	_ =	shalt  }
0x85: {  	_ =	shalt  }
0x86: {  	_ =	shalt  }
0x87: {  	_ =	shalt  }
.Lfunc_end0:
.L_simem_size_0:
called_computation_lowered:
.L_overlay_start_0:
0x88: {  	s2 =	sld [smem:$0x3FD9]  }
0x89: {  	s3 =	sld [smem:$0x3FFE];
	_ =	sdelay $0x1  }
0x8a: {  	s1 =	srdreg.scid  }
0x8b: {  	s0 =	sand.u32 $0x1, s1  }
0x8c: {  	s17 =	sshll.u32 s0, $0xA;
	s2 =	sadd.s32 s3, s2  }
0x8d: {  	s2 =	sadd.s32 s2, s17  }
0x8e: {  	[smem:$0x3FC6] =	sst s2  }
0x8f: {  	_ = 	snop  }
0x90: {  	s2 =	sld [smem:$0x3FD0];
	(tm) =	ssettm $0x1  }
0x91: {  	s18 =	sld [smem:$0x3FFB];
	_ =	sdelay $0x3  }
0x92: {  	_ =	strace s18  }
0x93: {  	s3 =	sld [smem:$0x3FFC];
	_ =	sdelay $0x3  }
0x94: {  	_ =	strace s3  }
0x95: {  	s3 =	sld [smem:$0x3FFD];
	_ =	sdelay $0x3  }
0x96: {  	_ =	strace s3  }
0x97: {  	_ =	strace $0x8FFFFFFF  }
0x98: {  	s19 =	sld [smem:$0x3FDB];
	_ =	sdelay $0x1  }
0x99: {  	s4 =	simm.s32 $_scs_section_size  }
0x9a: {  	s5 =	simm.s32 $_size__tile_overlayer_lowered;
	s6 =	simm.s32 $_tile_overlayer_lowered  }
0x9b: {  	s22 =	simm.s32 $0x1BFF;
	s21 =	sshll.u32 s6, $0x1;
	s3 =	sadd.s32 s4, s19  }
0x9c: {  	s7 =	simm.s32 $0x0;
	s20 =	sshll.u32 s5, $0x1;
	s5 =	sadd.s32 s21, s3  }
0x9d: {  	[timem:s7], [sflag:s22] =	dma.local [hbm:s5], s20  }
0x9e: {  	_ =	swait.ge [sflag:s22], s20  }
0x9f: {  	s4 =	ssub.s32 $0x0, s20;
	[sflag:s22] =	ssyncset.done $0x0  }
0xa0: {  	[sflag:s22] =	ssyncadd.s32 s4;
	_ =	sdelay $0x1  }
0xa1: {  	s23 =	simm.s32 $0x1B8B  }
0xa2: {  	_ =	swait.ge [sflag:s23], $0x1  }
0xa3: {  	[sflag:s23] =	ssyncset.done $0x0  }
0xa4: {  	s25 =	simm.s32 $0x1B8E;
	s24 =	sld [smem:$0x3FFE];
	[sflag:s23] =	ssyncadd.s32 $0xFFFFFFFF  }
0xa5: {  	s26 =	simm.s32 $execute0_lowered;
	[smem:$0x3FD2] =	sst s25  }
0xa6: {  	s5 =	sshll.u32 s26, $0x1;
	_ =	strace $0x80000046;
	[dreg:$0x1] =	wrdreg $0xFFFFFFFF  }
0xa7: {  	s28 =	simm.s32 $_size_execute0_lowered;
	s3 =	sadd.s32 s3, s5;
	[dreg:$0x0] =	wrdreg $0x0  }
0xa8: {  	s5 =	sshll.u32 s28, $0x1;
	[dreg:$0x2] =	wrdreg s3  }
0xa9: {  	[dreg:$0x3] =	wrdreg s5  }
0xaa: {  	[dreg:$0x4] =	wrdreg $0xC0  }
0xab: {  	_ =	task [dreg:s7], $0x5FFFF  }
0xac: {  	[dreg:$0x1] =	wrdreg $0xFFFFFFFF  }
0xad: {  	[dreg:$0x0] =	wrdreg $0x60  }
0xae: {  	[dreg:$0x2] =	wrdreg s24  }
0xaf: {  	[dreg:$0x3] =	wrdreg s2  }
0xb0: {  	[dreg:$0x4] =	wrdreg $0x9  }
0xb1: {  	_ =	task.clear_ibuf [dreg:s7], $0x5FFFF;
	_ =	strace $0x90000046  }
0xb2: {  	s29 =	simm.s32 $0x9;
	_ =	strace $0x80000048  }
0xb3: {  	_ =	swait.ge [sflag:s29], $0x1  }
0xb4: {  	[sflag:s29] =	ssyncadd.s32 $0xFFFFFFFF  }
0xb5: {  	_ =	strace $0x90000048  }
0xb6: {  	_ =	sfence  }
0xb7: {  	s30 =	sld [smem:$0x0];
	_ =	sdelay $0x2  }
0xb8: {  	s31 =	sshll.u32 s1, $0xD;
	s1 =	sshrl.u32 s1, $0x2  }
0xb9: {  	s3 =	sand.u32 $0x4000, s31;
	s1 =	sadd.s32 s1, s30  }
0xba: {  	s0 =	sor.u32 s3, s0;
	s1 =	sshll.u32 s1, $0x11  }
0xbb: {  	s0 =	sor.u32 s1, s0  }
0xbc: {  	s0 =	sadd.s32 $0x8F2B, s0  }
0xbd: {  	[sflag:s0] =	ssyncadd.remote.s32 $0x1  }
0xbe: {  	_ =	sfence.sel $0xFFFF  }
0xbf: {  	[dreg:$0x0] =	wrdreg $0xFFFFFFFF;
	(pc) =	sbr.abs _section_cstart, $3  }
0xc0: {  	[dreg:$0x1] =	wrdreg $0xFFFFFFFF  }
0xc1: {  	_ =	task.clear_ibuf [dreg:s7], $0x2FFFF;
	_ =	strace $0x9FFFFFFF  }
0xc2: {  	(tm) =	ssettm $0x7FFFFFFF  }
0xc3: {  	_ =	shalt  }
tec
execute0_lowered:
.L_overlay_start_1:
0x0: {  	(tag) =	ssettag $0x1  }
0x1: {  	s4 =	rddreg [dreg:$0x0]  }
0x2: {  	s3 =	rddreg [dreg:$0x1]  }
0x3: {  	s0 =	rddreg [dreg:$0x2];
	s2 =	simm.s32 $0x0  }
0x4: {  	s9 =	simm.s32 $0x12E80;
	[smem:$0x7FF] =	sst s2  }
0x5: {  	s10 =	simm.s32 $0x12F08;
	_ =	strace $0x80000047;
	[dreg:$0x4] =	wrdreg s9  }
0x6: {  	s11 =	simm.s32 $0x12F90;
	[dreg:$0x5] =	wrdreg s10  }
0x7: {  	s12 =	simm.s32 $0x13018;
	[dreg:$0x6] =	wrdreg s11  }
0x8: {  	s13 =	simm.s32 $0x130A0;
	[dreg:$0x7] =	wrdreg s12  }
0x9: {  	s14 =	simm.s32 $0x13128;
	[dreg:$0x8] =	wrdreg s13  }
0xa: {  	s15 =	simm.s32 $0x131B0;
	[dreg:$0x9] =	wrdreg s14  }
0xb: {  	s16 =	simm.s32 $0x13238;
	[dreg:$0xa] =	wrdreg s15  }
0xc: {  	s17 =	simm.s32 $0x132C0;
	[dreg:$0xb] =	wrdreg s16  }
0xd: {  	s18 =	simm.s32 $0x13348;
	[dreg:$0xc] =	wrdreg s17  }
0xe: {  	s19 =	simm.s32 $0x133D0;
	[dreg:$0xd] =	wrdreg s18  }
0xf: {  	s20 =	simm.s32 $0x13458;
	[dreg:$0xe] =	wrdreg s19  }
0x10: {  	s21 =	simm.s32 $0x134E0;
	[dreg:$0xf] =	wrdreg s20  }
0x11: {  	s22 =	simm.s32 $0x13568;
	[dreg:$0x10] =	wrdreg s21  }
0x12: {  	s23 =	simm.s32 $0x135F0;
	[dreg:$0x11] =	wrdreg s22  }
0x13: {  	s24 =	simm.s32 $0x13678;
	[dreg:$0x12] =	wrdreg s23  }
0x14: {  	s25 =	simm.s32 $0x13700;
	[dreg:$0x13] =	wrdreg s24  }
0x15: {  	s26 =	simm.s32 $0x13788;
	[dreg:$0x14] =	wrdreg s25  }
0x16: {  	s28 =	simm.s32 $0x13810;
	[dreg:$0x15] =	wrdreg s26  }
0x17: {  	s29 =	simm.s32 $0x13898;
	[dreg:$0x16] =	wrdreg s28  }
0x18: {  	s30 =	simm.s32 $0x13920;
	[dreg:$0x17] =	wrdreg s29  }
0x19: {  	s1 =	stileid.u32;
	s31 =	simm.s32 $0x139A8;
	[dreg:$0x18] =	wrdreg s30  }
0x1a: {  	s7 =	simm.s32 $0x13AB8;
	s6 =	sshll.u32 s1, $0x8;
	[dreg:$0x19] =	wrdreg s31  }
0x1b: {  	s3 =	sadd.s32 s6, s3;
	s6 =	simm.s32 $0x13A30;
	[dreg:$0x1b] =	wrdreg s7  }
0x1c: {  	s9 =	simm.s32 $0x13BC8;
	[dreg:$0x1a] =	wrdreg s6  }
0x1d: {  	s10 =	simm.s32 $0x13C50;
	[dreg:$0x1d] =	wrdreg s9  }
0x1e: {  	s11 =	simm.s32 $0x13CD8;
	[dreg:$0x1e] =	wrdreg s10  }
0x1f: {  	s12 =	simm.s32 $0x13D60;
	[dreg:$0x1f] =	wrdreg s11  }
0x20: {  	s13 =	simm.s32 $0x13DE8;
	[smem:$0x79A] =	sst s12  }
0x21: {  	s14 =	simm.s32 $0x13E70;
	[smem:$0x79B] =	sst s13  }
0x22: {  	s15 =	simm.s32 $0x13EF8;
	[smem:$0x79C] =	sst s14  }
0x23: {  	s16 =	simm.s32 $0x13F80;
	[smem:$0x79D] =	sst s15  }
0x24: {  	s17 =	simm.s32 $0x14008;
	[smem:$0x79E] =	sst s16  }
0x25: {  	s18 =	simm.s32 $0x14090;
	[smem:$0x79F] =	sst s17  }
0x26: {  	s19 =	simm.s32 $0x14118;
	[smem:$0x7A0] =	sst s18  }
0x27: {  	s20 =	simm.s32 $0x141A0;
	[smem:$0x7A1] =	sst s19  }
0x28: {  	s21 =	simm.s32 $0x14228;
	[smem:$0x7A2] =	sst s20  }
0x29: {  	s22 =	simm.s32 $0x142B0;
	[smem:$0x7A3] =	sst s21  }
0x2a: {  	s23 =	simm.s32 $0x14338;
	[smem:$0x7A4] =	sst s22  }
0x2b: {  	s24 =	simm.s32 $0x143C0;
	[smem:$0x7A5] =	sst s23  }
0x2c: {  	s25 =	simm.s32 $0x14448;
	[smem:$0x7A6] =	sst s24  }
0x2d: {  	s26 =	simm.s32 $0x144D0;
	[smem:$0x7A7] =	sst s25  }
0x2e: {  	s28 =	simm.s32 $0x14558;
	[smem:$0x7A8] =	sst s26  }
0x2f: {  	s29 =	simm.s32 $0x145E0;
	[smem:$0x7A9] =	sst s28  }
0x30: {  	s5 =	srdreg.scid;
	s30 =	simm.s32 $0x14668;
	[smem:$0x7AA] =	sst s29  }
0x31: {  	s5 =	sand.u32 $0x1, s5;
	s31 =	simm.s32 $0x146F0;
	[smem:$0x7AB] =	sst s30  }
0x32: {  	s8 =	sshll.u32 s5, $0x7;
	s7 =	simm.s32 $0x14800;
	[smem:$0x7AC] =	sst s31  }
0x33: {  	s3 =	sadd.s32 s8, s3;
	[smem:$0x7AE] =	sst s7  }
0x34: {  	s8 =	simm.s32 $0x13B40;
	[dreg:$0x3] =	wrdreg s3  }
0x35: {  	s6 =	simm.s32 $0x14778;
	[dreg:$0x1c] =	wrdreg s8  }
0x36: {  	s9 =	simm.s32 $0x14910;
	[smem:$0x7AD] =	sst s6  }
0x37: {  	s10 =	simm.s32 $0x14998;
	[smem:$0x7B0] =	sst s9  }
0x38: {  	s11 =	simm.s32 $0x14A20;
	[smem:$0x7B1] =	sst s10  }
0x39: {  	s12 =	simm.s32 $0x14AA8;
	[smem:$0x7B2] =	sst s11  }
0x3a: {  	s13 =	simm.s32 $0x14B30;
	[smem:$0x7B3] =	sst s12  }
0x3b: {  	s14 =	simm.s32 $0x14BB8;
	[smem:$0x7B4] =	sst s13  }
0x3c: {  	s15 =	simm.s32 $0x14C40;
	[smem:$0x7B5] =	sst s14  }
0x3d: {  	s16 =	simm.s32 $0x14CC8;
	[smem:$0x7B6] =	sst s15  }
0x3e: {  	s17 =	simm.s32 $0x14D50;
	[smem:$0x7B7] =	sst s16  }
0x3f: {  	s18 =	simm.s32 $0x14DD8;
	[smem:$0x7B8] =	sst s17  }
0x40: {  	s19 =	simm.s32 $0x14E60;
	[smem:$0x7B9] =	sst s18  }
0x41: {  	s20 =	simm.s32 $0x14EE8;
	[smem:$0x7BA] =	sst s19  }
0x42: {  	s21 =	simm.s32 $0x14F70;
	[smem:$0x7BB] =	sst s20  }
0x43: {  	s22 =	simm.s32 $0x14FF8;
	[smem:$0x7BC] =	sst s21  }
0x44: {  	s23 =	simm.s32 $0x15080;
	[smem:$0x7BD] =	sst s22  }
0x45: {  	s24 =	simm.s32 $0x15108;
	[smem:$0x7BE] =	sst s23  }
0x46: {  	s25 =	simm.s32 $0x15190;
	[smem:$0x7BF] =	sst s24  }
0x47: {  	s26 =	simm.s32 $0x15218;
	[smem:$0x7C0] =	sst s25  }
0x48: {  	s28 =	simm.s32 $0x152A0;
	[smem:$0x7C1] =	sst s26  }
0x49: {  	s29 =	simm.s32 $0x15328;
	[smem:$0x7C2] =	sst s28  }
0x4a: {  	s30 =	simm.s32 $0x153B0;
	[smem:$0x7C3] =	sst s29  }
0x4b: {  	s31 =	simm.s32 $0x15438;
	[smem:$0x7C4] =	sst s30  }
0x4c: {  	s7 =	simm.s32 $0x15548;
	[smem:$0x7C5] =	sst s31  }
0x4d: {  	s8 =	simm.s32 $0x14888;
	[smem:$0x7C7] =	sst s7  }
0x4e: {  	s6 =	simm.s32 $0x154C0;
	[smem:$0x7AF] =	sst s8  }
0x4f: {  	s9 =	simm.s32 $0x15658;
	[smem:$0x7C6] =	sst s6  }
0x50: {  	s10 =	simm.s32 $0x156E0;
	[smem:$0x7C9] =	sst s9  }
0x51: {  	s11 =	simm.s32 $0x15768;
	[smem:$0x7CA] =	sst s10  }
0x52: {  	s12 =	simm.s32 $0x157F0;
	[smem:$0x7CB] =	sst s11  }
0x53: {  	s13 =	simm.s32 $0x15878;
	[smem:$0x7CC] =	sst s12  }
0x54: {  	s14 =	simm.s32 $0x15900;
	[smem:$0x7CD] =	sst s13  }
0x55: {  	s15 =	simm.s32 $0x15988;
	[smem:$0x7CE] =	sst s14  }
0x56: {  	s16 =	simm.s32 $0x15A10;
	[smem:$0x7CF] =	sst s15  }
0x57: {  	s17 =	simm.s32 $0x15A98;
	[smem:$0x7D0] =	sst s16  }
0x58: {  	s18 =	simm.s32 $0x15B20;
	[smem:$0x7D1] =	sst s17  }
0x59: {  	s19 =	simm.s32 $0x15BA8;
	[smem:$0x7D2] =	sst s18  }
0x5a: {  	s20 =	simm.s32 $0x15C30;
	[smem:$0x7D3] =	sst s19  }
0x5b: {  	s21 =	simm.s32 $0x15CB8;
	[smem:$0x7D4] =	sst s20  }
0x5c: {  	s22 =	simm.s32 $0x15D40;
	[smem:$0x7D5] =	sst s21  }
0x5d: {  	s23 =	simm.s32 $0x15DC8;
	[smem:$0x7D6] =	sst s22  }
0x5e: {  	s24 =	simm.s32 $0x15E50;
	[smem:$0x7D7] =	sst s23  }
0x5f: {  	s25 =	simm.s32 $0x15ED8;
	[smem:$0x7D8] =	sst s24  }
0x60: {  	s26 =	simm.s32 $0x15F60;
	[smem:$0x7D9] =	sst s25  }
0x61: {  	s28 =	simm.s32 $0x15FE8;
	[smem:$0x7DA] =	sst s26  }
0x62: {  	s29 =	simm.s32 $0x16070;
	[smem:$0x7DB] =	sst s28  }
0x63: {  	s30 =	simm.s32 $0x160F8;
	[smem:$0x7DC] =	sst s29  }
0x64: {  	s31 =	simm.s32 $0x16180;
	[smem:$0x7DD] =	sst s30  }
0x65: {  	s7 =	simm.s32 $0x16290;
	[smem:$0x7DE] =	sst s31  }
0x66: {  	s8 =	simm.s32 $0x155D0;
	[smem:$0x7E0] =	sst s7  }
0x67: {  	s6 =	simm.s32 $0x16208;
	[smem:$0x7C8] =	sst s8  }
0x68: {  	s9 =	simm.s32 $0x163A0;
	[smem:$0x7DF] =	sst s6  }
0x69: {  	s10 =	simm.s32 $0x16428;
	[smem:$0x7E2] =	sst s9  }
0x6a: {  	s11 =	simm.s32 $0x164B0;
	[smem:$0x7E3] =	sst s10  }
0x6b: {  	s12 =	simm.s32 $0x16538;
	[smem:$0x7E4] =	sst s11  }
0x6c: {  	s13 =	simm.s32 $0x165C0;
	[smem:$0x7E5] =	sst s12  }
0x6d: {  	s14 =	simm.s32 $0x16648;
	[smem:$0x7E6] =	sst s13  }
0x6e: {  	s15 =	simm.s32 $0x166D0;
	[smem:$0x7E7] =	sst s14  }
0x6f: {  	s16 =	simm.s32 $0x16758;
	[smem:$0x7E8] =	sst s15  }
0x70: {  	s17 =	simm.s32 $0x167E0;
	[smem:$0x7E9] =	sst s16  }
0x71: {  	s18 =	simm.s32 $0x16868;
	[smem:$0x7EA] =	sst s17  }
0x72: {  	s19 =	simm.s32 $0x168F0;
	[smem:$0x7EB] =	sst s18  }
0x73: {  	s20 =	simm.s32 $0x16978;
	[smem:$0x7EC] =	sst s19  }
0x74: {  	s21 =	simm.s32 $0x16A00;
	[smem:$0x7ED] =	sst s20  }
0x75: {  	s22 =	simm.s32 $0x16A88;
	[smem:$0x7EE] =	sst s21  }
0x76: {  	s23 =	simm.s32 $0x16B10;
	[smem:$0x7EF] =	sst s22  }
0x77: {  	s24 =	simm.s32 $0x16B98;
	[smem:$0x7F0] =	sst s23  }
0x78: {  	s26 =	simm.s32 $0x16C20;
	[smem:$0x7F1] =	sst s24  }
0x79: {  	s28 =	simm.s32 $0x16CA8;
	[smem:$0x7F2] =	sst s26  }
0x7a: {  	s29 =	simm.s32 $0x16D30;
	[smem:$0x7F3] =	sst s28  }
0x7b: {  	s30 =	simm.s32 $0x16DB8;
	[smem:$0x7F4] =	sst s29  }
0x7c: {  	s3 =	sadd.s32 $0xF43000, s4;
	s31 =	simm.s32 $0x16E40;
	[smem:$0x7F5] =	sst s30  }
0x7d: {  	s7 =	sshll.u32 s1, $0xC;
	s8 =	simm.s32 $0x16318;
	[smem:$0x7F6] =	sst s31  }
0x7e: {  	s9 =	simm.s32 $0x16EC8;
	s10 =	simm.s32 $0x16F50;
	s11 =	simm.s32 $0x16FD8  }
0x7f: {  	s12 =	simm.s32 $0x17060;
	s13 =	simm.s32 $0x170E8;
	[smem:$0x7E1] =	sst s8  }
0x80: {  	s14 =	simm.s32 $0x17170;
	s16 =	simm.s32 $0x171F8;
	[smem:$0x7F7] =	sst s9  }
0x81: {  	s15 =	simm.s32 $0x2;
	s17 =	simm.s32 $0x4;
	[smem:$0x7F8] =	sst s10  }
0x82: {  	s18 =	simm.s32 $0x0;
	s8 =	sshll.u32 s5, $0xB;
	[smem:$0x7F9] =	sst s11  }
0x83: {  	v0 =	vlaneseq.u32;
	s5 =	ssub.s32 $0x2, s5;
	s9 =	simm.s32 $0x8000;
	[smem:$0x7FA] =	sst s12  }
0x84: {  	v0 =	vmul.u32 $0x88, v0;
	s10 =	simm.s32 $0x80;
	s11 =	simm.s32 $0xEE80;
	[smem:$0x7FB] =	sst s13  }
0x85: {  	s12 =	simm.s32 $0x8088;
	s13 =	simm.s32 $0x10E80;
	[smem:$0x7FC] =	sst s14  }
0x86: {  	v1 =	vadd.s32 $0x880, v0;
	v2 =	vadd.s32 $0x1100, v0;
	v3 =	vadd.s32 $0x1980, v0;
	s14 =	simm.s32 $0x1;
	[smem:$0x7FD] =	sst s16;
	s7 =	sor.u32 s8, s7  }
0x87: {  	v4 =	vadd.s32 $0x2200, v0;
	v5 =	vadd.s32 $0x2A80, v0;
	v6 =	vadd.s32 $0x3300, v0;
	s16 =	simm.s32 $0x3;
	s25 =	sshrl.u32 s5, $0x1;
	s7 =	sadd.s32 s7, s4  }
0x88: {  	v7 =	vadd.s32 $0x3B80, v0;
	v8 =	vadd.s32 $0x4400, v0;
	v9 =	vadd.s32 $0x4C80, v0;
	s8 =	simm.s32 $0x4000;
	s6 =	ssub.s32 s5, s25;
	s4 =	sadd.s32 $0xC00, s7  }
0x89: {  	v10 =	vadd.s32 $0x5500, v0;
	v11 =	vadd.s32 $0x5D80, v0;
	v12 =	vadd.s32 $0x6600, v0;
	s5 =	sadd.s32 $0x10C00, s7;
	s6 =	smax.u32 s6, $0x1;
	s7 =	simm.s32 $0x5  }
.LBB2_1:
0x8a: {  	[tilespmem:s2], [sflag:$0x5] =	stream.linear.gather [hbm4b:s4+s2], $0x4000, $0x38;
	[tilespmem:$0x17280] =	vst v63  }
0x8b: {  	_ =	swait.ge [sflag:s7], $0x4000  }
0x8c: {  	[sflag:s7] =	ssyncset.done $0x0  }
0x8d: {  	[sflag:s7] =	ssyncadd.s32 $0xFFFFC000  }
0x8e: {  	[tilespmem:s8], [sflag:$0x5] =	stream.linear.gather [hbm4b:s5+s2], $0x4000, $0x38;
	[tilespmem:$0x17280] =	vst v63  }
0x8f: {  	_ =	swait.ge [sflag:s7], $0x4000  }
0x90: {  	v13 =	vmov s2;
	[sflag:s7] =	ssyncset.done $0x0  }
0x91: {  	s19 =	simm.s32 $0x40;
	v14 =	vand.u32 $0x7F, v13;
	[sflag:s7] =	ssyncadd.s32 $0xFFFFC000  }
0x92: {  	v15 =	vadd.s32 v0, v14;
	v13 =	vld [tilespmem:s19+$0xFFFFFFC0];
	_ =	sdelay $0x4  }
0x93: {  	[tilespmem:v15+s9+$0x0] =	vst.idx.msk $0xffff, v13  }
0x94: {  	v15 =	vadd.s32 v1, v14;
	v13 =	vld [tilespmem:s19+$0xFFFFFFD0];
	_ =	sdelay $0x4  }
0x95: {  	[tilespmem:v15+s9+$0x0] =	vst.idx.msk $0xffff, v13  }
0x96: {  	v15 =	vadd.s32 v2, v14;
	v13 =	vld [tilespmem:s19+$0xFFFFFFE0];
	_ =	sdelay $0x4  }
0x97: {  	[tilespmem:v15+s9+$0x0] =	vst.idx.msk $0xffff, v13  }
0x98: {  	v15 =	vadd.s32 v3, v14;
	v13 =	vld [tilespmem:s19+$0xFFFFFFF0];
	_ =	sdelay $0x4  }
0x99: {  	[tilespmem:v15+s9+$0x0] =	vst.idx.msk $0xffff, v13  }
0x9a: {  	v15 =	vadd.s32 v4, v14;
	v13 =	vld [tilespmem:s19+$0x0];
	_ =	sdelay $0x4  }
0x9b: {  	[tilespmem:v15+s9+$0x0] =	vst.idx.msk $0xffff, v13  }
0x9c: {  	v15 =	vadd.s32 v5, v14;
	v13 =	vld [tilespmem:s19+$0x10];
	_ =	sdelay $0x4  }
0x9d: {  	[tilespmem:v15+s9+$0x0] =	vst.idx.msk $0xffff, v13  }
0x9e: {  	v15 =	vadd.s32 v6, v14;
	v13 =	vld [tilespmem:s19+$0x20];
	_ =	sdelay $0x4  }
0x9f: {  	[tilespmem:v15+s9+$0x0] =	vst.idx.msk $0xffff, v13  }
0xa0: {  	v14 =	vadd.s32 v7, v14;
	v13 =	vld [tilespmem:s19+$0x30];
	_ =	sdelay $0x2  }
0xa1: {  	s20 =	simm.s32 $0x1  }
0xa2: {  	v15 =	vmov s20;
	s20 =	simm.s32 $0x2  }
.LBB2_2:
0xa3: {  	p0 =	sne.s32 s20, $0x7F;
	v15 =	vand.u32 $0x7F, v15;
	[tilespmem:v14+s9+$0x0] =	vst.idx.msk $0xffff, v13;
	s19 =	sadd.s32 $0x80, s19  }
0xa4: {  	v13 =	vld [tilespmem:s19+$0xFFFFFFC0];
	v14 =	vadd.s32 v0, v15;
	_ =	sdelay $0x4  }
0xa5: {  	[tilespmem:v14+s9+$0x0] =	vst.idx.msk $0xffff, v13  }
0xa6: {  	v14 =	vadd.s32 v1, v15;
	v13 =	vld [tilespmem:s19+$0xFFFFFFD0];
	_ =	sdelay $0x4  }
0xa7: {  	[tilespmem:v14+s9+$0x0] =	vst.idx.msk $0xffff, v13  }
0xa8: {  	v14 =	vadd.s32 v2, v15;
	v13 =	vld [tilespmem:s19+$0xFFFFFFE0];
	_ =	sdelay $0x4  }
0xa9: {  	[tilespmem:v14+s9+$0x0] =	vst.idx.msk $0xffff, v13  }
0xaa: {  	v14 =	vadd.s32 v3, v15;
	v13 =	vld [tilespmem:s19+$0xFFFFFFF0];
	_ =	sdelay $0x4  }
0xab: {  	[tilespmem:v14+s9+$0x0] =	vst.idx.msk $0xffff, v13  }
0xac: {  	v14 =	vadd.s32 v4, v15;
	v13 =	vld [tilespmem:s19+$0x0];
	_ =	sdelay $0x4  }
0xad: {  	[tilespmem:v14+s9+$0x0] =	vst.idx.msk $0xffff, v13  }
0xae: {  	v14 =	vadd.s32 v5, v15;
	v13 =	vld [tilespmem:s19+$0x10];
	_ =	sdelay $0x4  }
0xaf: {  	[tilespmem:v14+s9+$0x0] =	vst.idx.msk $0xffff, v13  }
0xb0: {  	v14 =	vadd.s32 v6, v15;
	v13 =	vld [tilespmem:s19+$0x20];
	_ =	sdelay $0x4  }
0xb1: {  	[tilespmem:v14+s9+$0x0] =	vst.idx.msk $0xffff, v13  }
.Ltmp0:
0xb2: {  	v14 =	vadd.s32 v7, v15;
	v13 =	vld [tilespmem:s19+$0x30];
	(pc) =	sbr.rel @p0 .LBB2_2-.Ltmp0, $2  }
0xb3: {  	_ =	sdelay $0x2  }
0xb4: {  	v15 =	vmov s20;
	s20 =	sadd.s32 $0x1, s20  }
0xb5: {  	_ =	sdelay $0x3  }
0xb6: {  	v15 =	vand.u32 $0x7F, v15;
	[tilespmem:v14+s9+$0x0] =	vst.idx.msk $0xffff, v13;
	s19 =	sadd.s32 $0x80, s19  }
0xb7: {  	v13 =	vld [tilespmem:s19+$0xFFFFFFC0];
	v14 =	vadd.s32 v0, v15;
	_ =	sdelay $0x4  }
0xb8: {  	[tilespmem:v14+s9+$0x0] =	vst.idx.msk $0xffff, v13  }
0xb9: {  	v14 =	vadd.s32 v1, v15;
	v13 =	vld [tilespmem:s19+$0xFFFFFFD0];
	_ =	sdelay $0x4  }
0xba: {  	[tilespmem:v14+s9+$0x0] =	vst.idx.msk $0xffff, v13  }
0xbb: {  	v14 =	vadd.s32 v2, v15;
	v13 =	vld [tilespmem:s19+$0xFFFFFFE0];
	_ =	sdelay $0x4  }
0xbc: {  	[tilespmem:v14+s9+$0x0] =	vst.idx.msk $0xffff, v13  }
0xbd: {  	v14 =	vadd.s32 v3, v15;
	v13 =	vld [tilespmem:s19+$0xFFFFFFF0];
	_ =	sdelay $0x4  }
0xbe: {  	[tilespmem:v14+s9+$0x0] =	vst.idx.msk $0xffff, v13  }
0xbf: {  	v14 =	vadd.s32 v4, v15;
	v13 =	vld [tilespmem:s19+$0x0];
	_ =	sdelay $0x4  }
0xc0: {  	[tilespmem:v14+s9+$0x0] =	vst.idx.msk $0xffff, v13  }
0xc1: {  	v14 =	vadd.s32 v5, v15;
	v13 =	vld [tilespmem:s19+$0x10];
	_ =	sdelay $0x4  }
0xc2: {  	[tilespmem:v14+s9+$0x0] =	vst.idx.msk $0xffff, v13  }
0xc3: {  	v14 =	vadd.s32 v6, v15;
	v13 =	vld [tilespmem:s19+$0x20];
	_ =	sdelay $0x4  }
0xc4: {  	[tilespmem:v14+s9+$0x0] =	vst.idx.msk $0xffff, v13  }
0xc5: {  	v14 =	vadd.s32 v7, v15;
	v13 =	vld [tilespmem:s19+$0x30];
	_ =	sdelay $0x2  }
0xc6: {  	s31 =	simm.s32 $0x0  }
0xc7: {  	v15 =	vmov s31  }
0xc8: {  	s19 =	simm.s32 $0x4020;
	[tilespmem:v14+s9+$0x0] =	vst.idx.msk $0xffff, v13;
	v14 =	vand.u32 $0x7F, v15  }
0xc9: {  	v13 =	vld [tilespmem:s19+$0xFFFFFFE0];
	v15 =	vadd.s32 v8, v14;
	_ =	sdelay $0x4  }
0xca: {  	[tilespmem:v15+s9+$0x0] =	vst.idx.msk $0xffff, v13  }
0xcb: {  	v15 =	vadd.s32 v9, v14;
	v13 =	vld [tilespmem:s19+$0xFFFFFFF0];
	_ =	sdelay $0x4  }
0xcc: {  	[tilespmem:v15+s9+$0x0] =	vst.idx.msk $0xffff, v13  }
0xcd: {  	v15 =	vadd.s32 v10, v14;
	v13 =	vld [tilespmem:s19+$0x0];
	_ =	sdelay $0x4  }
0xce: {  	[tilespmem:v15+s9+$0x0] =	vst.idx.msk $0xffff, v13  }
0xcf: {  	v15 =	vadd.s32 v11, v14;
	v13 =	vld [tilespmem:s19+$0x10];
	_ =	sdelay $0x4  }
0xd0: {  	[tilespmem:v15+s9+$0x0] =	vst.idx.msk $0xffff, v13  }
0xd1: {  	v14 =	vadd.s32 v12, v14;
	v13 =	vld [tilespmem:s19+$0x20];
	_ =	sdelay $0x2  }
0xd2: {  	s20 =	simm.s32 $0x1  }
0xd3: {  	v15 =	vmov s20;
	s20 =	simm.s32 $0x2  }
.LBB2_4:
0xd4: {  	p0 =	sne.s32 s20, $0x7F;
	v15 =	vand.u32 $0x7F, v15;
	[tilespmem:v14+s9+$0x0] =	vst.idx.msk $0xffff, v13;
	s19 =	sadd.s32 $0x80, s19  }
0xd5: {  	v13 =	vld [tilespmem:s19+$0xFFFFFFE0];
	v14 =	vadd.s32 v8, v15;
	_ =	sdelay $0x4  }
0xd6: {  	[tilespmem:v14+s9+$0x0] =	vst.idx.msk $0xffff, v13  }
0xd7: {  	v14 =	vadd.s32 v9, v15;
	v13 =	vld [tilespmem:s19+$0xFFFFFFF0];
	_ =	sdelay $0x4  }
0xd8: {  	[tilespmem:v14+s9+$0x0] =	vst.idx.msk $0xffff, v13  }
0xd9: {  	v14 =	vadd.s32 v10, v15;
	v13 =	vld [tilespmem:s19+$0x0];
	_ =	sdelay $0x4  }
0xda: {  	[tilespmem:v14+s9+$0x0] =	vst.idx.msk $0xffff, v13  }
0xdb: {  	v14 =	vadd.s32 v11, v15;
	v13 =	vld [tilespmem:s19+$0x10];
	_ =	sdelay $0x4  }
0xdc: {  	[tilespmem:v14+s9+$0x0] =	vst.idx.msk $0xffff, v13  }
.Ltmp1:
0xdd: {  	v14 =	vadd.s32 v12, v15;
	v13 =	vld [tilespmem:s19+$0x20];
	(pc) =	sbr.rel @p0 .LBB2_4-.Ltmp1, $2  }
0xde: {  	_ =	sdelay $0x2  }
0xdf: {  	v15 =	vmov s20;
	s20 =	sadd.s32 $0x1, s20  }
0xe0: {  	_ =	sdelay $0x3  }
0xe1: {  	v15 =	vand.u32 $0x7F, v15;
	[tilespmem:v14+s9+$0x0] =	vst.idx.msk $0xffff, v13;
	s19 =	sadd.s32 $0x80, s19  }
0xe2: {  	v13 =	vld [tilespmem:s19+$0xFFFFFFE0];
	v14 =	vadd.s32 v8, v15;
	_ =	sdelay $0x4  }
0xe3: {  	[tilespmem:v14+s9+$0x0] =	vst.idx.msk $0xffff, v13  }
0xe4: {  	v14 =	vadd.s32 v9, v15;
	v13 =	vld [tilespmem:s19+$0xFFFFFFF0];
	_ =	sdelay $0x4  }
0xe5: {  	[tilespmem:v14+s9+$0x0] =	vst.idx.msk $0xffff, v13  }
0xe6: {  	v14 =	vadd.s32 v10, v15;
	v13 =	vld [tilespmem:s19+$0x0];
	_ =	sdelay $0x4  }
0xe7: {  	[tilespmem:v14+s9+$0x0] =	vst.idx.msk $0xffff, v13  }
0xe8: {  	v14 =	vadd.s32 v11, v15;
	v13 =	vld [tilespmem:s19+$0x10];
	_ =	sdelay $0x4  }
0xe9: {  	[tilespmem:v14+s9+$0x0] =	vst.idx.msk $0xffff, v13  }
0xea: {  	v14 =	vadd.s32 v12, v15;
	v13 =	vld [tilespmem:s19+$0x20];
	_ =	sdelay $0x4  }
0xeb: {  	[tilespmem:v14+s9+$0x0] =	vst.idx.msk $0xffff, v13  }
0xec: {  	[tilespmem:s11], [sflag:$0x1] =	stream.indirect.gather [hbm4b:s3+s10], $0x40, s9, s10, $0xb8;
	[tilespmem:$0x17280] =	vst v63  }
0xed: {  	_ = 	snop  }
0xee: {  	[tilespmem:s13], [sflag:$0x2] =	stream.indirect.gather [hbm4b:s3+s10], $0x40, s12, s10, $0xb8;
	[tilespmem:$0x17280] =	vst v63  }
0xef: {  	_ =	swait.ge [sflag:s14], $0x2000  }
0xf0: {  	p0 =	por $0x1, $0x1;
	[sflag:s14] =	ssyncset.done $0x0  }
0xf1: {  	s20 =	simm.s32 @!p0 $0x3;
	[sflag:s14] =	ssyncadd.s32 $0xFFFFE000  }
0xf2: {  	_ =	swait.ge @!p0 [sflag:s20], $0x400  }
0xf3: {  	[sflag:s20] =	ssyncset.done @!p0 $0x0  }
0xf4: {  	[sflag:s20] =	ssyncadd.s32 @!p0 $0xFFFFFC00  }
0xf5: {  	_ =	swait.ge @!p0 [sflag:s20], $0x400  }
0xf6: {  	[sflag:s20] =	ssyncset.done @!p0 $0x0  }
0xf7: {  	[sflag:s20] =	ssyncadd.s32 @!p0 $0xFFFFFC00  }
0xf8: {  	_ =	swait.ge @!p0 [sflag:s20], $0x400  }
0xf9: {  	[sflag:s20] =	ssyncset.done @!p0 $0x0  }
0xfa: {  	[sflag:s20] =	ssyncadd.s32 @!p0 $0xFFFFFC00  }
0xfb: {  	_ =	swait.ge @!p0 [sflag:s20], $0x400  }
0xfc: {  	[sflag:s20] =	ssyncset.done @!p0 $0x0  }
0xfd: {  	[sflag:s20] =	ssyncadd.s32 @!p0 $0xFFFFFC00  }
0xfe: {  	_ =	swait.ge @!p0 [sflag:s20], $0x400  }
0xff: {  	[sflag:s20] =	ssyncset.done @!p0 $0x0  }
0x100: {  	[sflag:s20] =	ssyncadd.s32 @!p0 $0xFFFFFC00  }
0x101: {  	_ =	swait.ge @!p0 [sflag:s20], $0x400  }
0x102: {  	[sflag:s20] =	ssyncset.done @!p0 $0x0  }
0x103: {  	[sflag:s20] =	ssyncadd.s32 @!p0 $0xFFFFFC00  }
0x104: {  	s19 =	simm.s32 $0x0;
	_ =	swait.ge @!p0 [sflag:s20], $0x400  }
0x105: {  	s21 =	smin.u32 s19, $0xC5;
	[sflag:s20] =	ssyncset.done @!p0 $0x0  }
0x106: {  	s21 =	smul.u32 $0x220, s21;
	[sflag:s20] =	ssyncadd.s32 @!p0 $0xFFFFFC00  }
0x107: {  	_ =	swait.ge @!p0 [sflag:s20], $0x400  }
0x108: {  	s21 =	sshrl.u32 s21, $0x2;
	[sflag:s20] =	ssyncset.done @!p0 $0x0;
	s22 =	rddreg [dreg:$0x3]  }
0x109: {  	s28 =	sadd.s32 $0x8110, s21;
	s29 =	rddreg [dreg:$0x4];
	[sflag:s20] =	ssyncadd.s32 @!p0 $0xFFFFFC00  }
0x10a: {  	[tilespmem:s11], [sflag:$0x1] =	stream.indirect.gather [hbm4b:s3+s10], $0x40, s28, s10, $0xb8;
	[tilespmem:$0x17280] =	vst v63  }
0x10b: {  	s30 =	rddreg [dreg:$0x5];
	s20 =	sadd.s32 $0x0, s22  }
0x10c: {  	[hbm4b:s20+s2] =	stream.linear.scatter [tilespmem:s29], [sflag:$0x3], $0x80, $0x38;
	[tilespmem:$0x17280] =	vst v63  }
0x10d: {  	s23 =	rddreg [dreg:$0x6];
	s31 =	sadd.s32 $0x10, s20  }
0x10e: {  	[hbm4b:s31+s2] =	stream.linear.scatter [tilespmem:s30], [sflag:$0x3], $0x80, $0x38;
	[tilespmem:$0x17280] =	vst v63  }
0x10f: {  	s24 =	rddreg [dreg:$0x7];
	s22 =	sadd.s32 $0x20, s20  }
0x110: {  	[hbm4b:s22+s2] =	stream.linear.scatter [tilespmem:s23], [sflag:$0x3], $0x80, $0x38;
	[tilespmem:$0x17280] =	vst v63  }
0x111: {  	s26 =	rddreg [dreg:$0x8];
	s25 =	sadd.s32 $0x30, s20  }
0x112: {  	[hbm4b:s25+s2] =	stream.linear.scatter [tilespmem:s24], [sflag:$0x3], $0x80, $0x38;
	[tilespmem:$0x17280] =	vst v63  }
0x113: {  	s28 =	sadd.s32 $0x40, s20;
	s29 =	rddreg [dreg:$0x9]  }
0x114: {  	[hbm4b:s28+s2] =	stream.linear.scatter [tilespmem:s26], [sflag:$0x3], $0x80, $0x38;
	[tilespmem:$0x17280] =	vst v63  }
0x115: {  	s30 =	sadd.s32 $0x50, s20;
	s31 =	rddreg [dreg:$0xa]  }
0x116: {  	[hbm4b:s30+s2] =	stream.linear.scatter [tilespmem:s29], [sflag:$0x3], $0x80, $0x38;
	[tilespmem:$0x17280] =	vst v63  }
0x117: {  	s22 =	sadd.s32 $0x60, s20;
	s24 =	rddreg [dreg:$0xb]  }
0x118: {  	[hbm4b:s22+s2] =	stream.linear.scatter [tilespmem:s31], [sflag:$0x3], $0x80, $0x38;
	[tilespmem:$0x17280] =	vst v63  }
0x119: {  	s25 =	sadd.s32 $0x70, s20;
	s26 =	rddreg [dreg:$0xc]  }
0x11a: {  	[hbm4b:s25+s2] =	stream.linear.scatter [tilespmem:s24], [sflag:$0x3], $0x80, $0x38;
	[tilespmem:$0x17280] =	vst v63  }
0x11b: {  	s28 =	sadd.s32 $0x1000, s20;
	s29 =	rddreg [dreg:$0xd]  }
0x11c: {  	[hbm4b:s28+s2] =	stream.linear.scatter [tilespmem:s26], [sflag:$0x3], $0x80, $0x38;
	[tilespmem:$0x17280] =	vst v63  }
0x11d: {  	s30 =	sadd.s32 $0x1010, s20;
	s31 =	rddreg [dreg:$0xe]  }
0x11e: {  	[hbm4b:s30+s2] =	stream.linear.scatter [tilespmem:s29], [sflag:$0x3], $0x80, $0x38;
	[tilespmem:$0x17280] =	vst v63  }
0x11f: {  	s22 =	sadd.s32 $0x1020, s20;
	s24 =	rddreg [dreg:$0xf]  }
0x120: {  	[hbm4b:s22+s2] =	stream.linear.scatter [tilespmem:s31], [sflag:$0x3], $0x80, $0x38;
	[tilespmem:$0x17280] =	vst v63  }
0x121: {  	s25 =	sadd.s32 $0x1030, s20;
	s26 =	rddreg [dreg:$0x10]  }
0x122: {  	[hbm4b:s25+s2] =	stream.linear.scatter [tilespmem:s24], [sflag:$0x3], $0x80, $0x38;
	[tilespmem:$0x17280] =	vst v63  }
0x123: {  	s28 =	sadd.s32 $0x1040, s20;
	s29 =	rddreg [dreg:$0x11]  }
0x124: {  	[hbm4b:s28+s2] =	stream.linear.scatter [tilespmem:s26], [sflag:$0x3], $0x80, $0x38;
	[tilespmem:$0x17280] =	vst v63  }
0x125: {  	s30 =	sadd.s32 $0x1050, s20;
	s31 =	rddreg [dreg:$0x12]  }
0x126: {  	[hbm4b:s30+s2] =	stream.linear.scatter [tilespmem:s29], [sflag:$0x3], $0x80, $0x38;
	[tilespmem:$0x17280] =	vst v63  }
0x127: {  	s22 =	sadd.s32 $0x1060, s20;
	s24 =	rddreg [dreg:$0x13]  }
0x128: {  	[hbm4b:s22+s2] =	stream.linear.scatter [tilespmem:s31], [sflag:$0x3], $0x80, $0x38;
	[tilespmem:$0x17280] =	vst v63  }
0x129: {  	s25 =	sadd.s32 $0x1070, s20;
	s26 =	rddreg [dreg:$0x14]  }
0x12a: {  	[hbm4b:s25+s2] =	stream.linear.scatter [tilespmem:s24], [sflag:$0x3], $0x80, $0x38;
	[tilespmem:$0x17280] =	vst v63  }
0x12b: {  	s28 =	sadd.s32 $0x2000, s20;
	s29 =	rddreg [dreg:$0x15]  }
0x12c: {  	[hbm4b:s28+s2] =	stream.linear.scatter [tilespmem:s26], [sflag:$0x3], $0x80, $0x38;
	[tilespmem:$0x17280] =	vst v63  }
0x12d: {  	s30 =	sadd.s32 $0x2010, s20;
	s31 =	rddreg [dreg:$0x16]  }
0x12e: {  	[hbm4b:s30+s2] =	stream.linear.scatter [tilespmem:s29], [sflag:$0x3], $0x80, $0x38;
	[tilespmem:$0x17280] =	vst v63  }
0x12f: {  	s22 =	sadd.s32 $0x2020, s20;
	s24 =	rddreg [dreg:$0x17]  }
0x130: {  	[hbm4b:s22+s2] =	stream.linear.scatter [tilespmem:s31], [sflag:$0x3], $0x80, $0x38;
	[tilespmem:$0x17280] =	vst v63  }
0x131: {  	s25 =	sadd.s32 $0x2030, s20;
	s26 =	rddreg [dreg:$0x18]  }
0x132: {  	[hbm4b:s25+s2] =	stream.linear.scatter [tilespmem:s24], [sflag:$0x3], $0x80, $0x38;
	[tilespmem:$0x17280] =	vst v63  }
0x133: {  	s28 =	sadd.s32 $0x2040, s20;
	s29 =	rddreg [dreg:$0x19]  }
0x134: {  	[hbm4b:s28+s2] =	stream.linear.scatter [tilespmem:s26], [sflag:$0x3], $0x80, $0x38;
	[tilespmem:$0x17280] =	vst v63  }
0x135: {  	s30 =	sadd.s32 $0x2050, s20;
	s31 =	rddreg [dreg:$0x1a]  }
0x136: {  	[hbm4b:s30+s2] =	stream.linear.scatter [tilespmem:s29], [sflag:$0x3], $0x80, $0x38;
	[tilespmem:$0x17280] =	vst v63  }
0x137: {  	s22 =	sadd.s32 $0x2060, s20;
	s24 =	rddreg [dreg:$0x1b]  }
0x138: {  	[hbm4b:s22+s2] =	stream.linear.scatter [tilespmem:s31], [sflag:$0x3], $0x80, $0x38;
	[tilespmem:$0x17280] =	vst v63  }
0x139: {  	s25 =	sadd.s32 $0x2070, s20;
	s26 =	rddreg [dreg:$0x1c]  }
0x13a: {  	[hbm4b:s25+s2] =	stream.linear.scatter [tilespmem:s24], [sflag:$0x3], $0x80, $0x38;
	[tilespmem:$0x17280] =	vst v63  }
0x13b: {  	s28 =	sadd.s32 $0x3000, s20;
	s29 =	rddreg [dreg:$0x1d]  }
0x13c: {  	[hbm4b:s28+s2] =	stream.linear.scatter [tilespmem:s26], [sflag:$0x3], $0x80, $0x38;
	[tilespmem:$0x17280] =	vst v63  }
0x13d: {  	s30 =	sadd.s32 $0x3010, s20;
	s31 =	rddreg [dreg:$0x1e]  }
0x13e: {  	[hbm4b:s30+s2] =	stream.linear.scatter [tilespmem:s29], [sflag:$0x3], $0x80, $0x38;
	[tilespmem:$0x17280] =	vst v63  }
0x13f: {  	s22 =	sadd.s32 $0x3020, s20;
	s24 =	rddreg [dreg:$0x1f]  }
0x140: {  	[hbm4b:s22+s2] =	stream.linear.scatter [tilespmem:s31], [sflag:$0x3], $0x80, $0x38;
	[tilespmem:$0x17280] =	vst v63  }
0x141: {  	s25 =	sadd.s32 $0x3030, s20;
	s26 =	sld [smem:$0x79A]  }
0x142: {  	[hbm4b:s25+s2] =	stream.linear.scatter [tilespmem:s24], [sflag:$0x3], $0x80, $0x38;
	[tilespmem:$0x17280] =	vst v63  }
0x143: {  	s28 =	sadd.s32 $0x3040, s20;
	s29 =	sld [smem:$0x79B]  }
0x144: {  	[hbm4b:s28+s2] =	stream.linear.scatter [tilespmem:s26], [sflag:$0x3], $0x80, $0x38;
	[tilespmem:$0x17280] =	vst v63  }
0x145: {  	s30 =	sadd.s32 $0x3050, s20;
	s31 =	sld [smem:$0x79C]  }
0x146: {  	[hbm4b:s30+s2] =	stream.linear.scatter [tilespmem:s29], [sflag:$0x3], $0x80, $0x38;
	[tilespmem:$0x17280] =	vst v63  }
0x147: {  	s22 =	sadd.s32 $0x3060, s20;
	s24 =	sld [smem:$0x79D]  }
0x148: {  	[hbm4b:s22+s2] =	stream.linear.scatter [tilespmem:s31], [sflag:$0x3], $0x80, $0x38;
	[tilespmem:$0x17280] =	vst v63  }
0x149: {  	s25 =	sadd.s32 $0x3070, s20;
	s26 =	sld [smem:$0x79E]  }
0x14a: {  	[hbm4b:s25+s2] =	stream.linear.scatter [tilespmem:s24], [sflag:$0x3], $0x80, $0x38;
	[tilespmem:$0x17280] =	vst v63  }
0x14b: {  	s28 =	sadd.s32 $0x4000, s20;
	s29 =	sld [smem:$0x79F]  }
0x14c: {  	[hbm4b:s28+s2] =	stream.linear.scatter [tilespmem:s26], [sflag:$0x3], $0x80, $0x38;
	[tilespmem:$0x17280] =	vst v63  }
0x14d: {  	s30 =	sadd.s32 $0x4010, s20;
	s31 =	sld [smem:$0x7A0]  }
0x14e: {  	[hbm4b:s30+s2] =	stream.linear.scatter [tilespmem:s29], [sflag:$0x3], $0x80, $0x38;
	[tilespmem:$0x17280] =	vst v63  }
0x14f: {  	s22 =	sadd.s32 $0x4020, s20;
	s24 =	sld [smem:$0x7A1]  }
0x150: {  	[hbm4b:s22+s2] =	stream.linear.scatter [tilespmem:s31], [sflag:$0x3], $0x80, $0x38;
	[tilespmem:$0x17280] =	vst v63  }
0x151: {  	s25 =	sadd.s32 $0x4030, s20;
	s26 =	sld [smem:$0x7A2]  }
0x152: {  	[hbm4b:s25+s2] =	stream.linear.scatter [tilespmem:s24], [sflag:$0x3], $0x80, $0x38;
	[tilespmem:$0x17280] =	vst v63  }
0x153: {  	s28 =	sadd.s32 $0x4040, s20;
	s29 =	sld [smem:$0x7A3]  }
0x154: {  	[hbm4b:s28+s2] =	stream.linear.scatter [tilespmem:s26], [sflag:$0x3], $0x80, $0x38;
	[tilespmem:$0x17280] =	vst v63  }
0x155: {  	s30 =	sadd.s32 $0x4050, s20;
	s31 =	sld [smem:$0x7A4]  }
0x156: {  	[hbm4b:s30+s2] =	stream.linear.scatter [tilespmem:s29], [sflag:$0x3], $0x80, $0x38;
	[tilespmem:$0x17280] =	vst v63  }
0x157: {  	s22 =	sadd.s32 $0x4060, s20;
	s24 =	sld [smem:$0x7A5]  }
0x158: {  	[hbm4b:s22+s2] =	stream.linear.scatter [tilespmem:s31], [sflag:$0x3], $0x80, $0x38;
	[tilespmem:$0x17280] =	vst v63  }
0x159: {  	s25 =	sadd.s32 $0x4070, s20;
	s26 =	sld [smem:$0x7A6]  }
0x15a: {  	[hbm4b:s25+s2] =	stream.linear.scatter [tilespmem:s24], [sflag:$0x3], $0x80, $0x38;
	[tilespmem:$0x17280] =	vst v63  }
0x15b: {  	s28 =	sadd.s32 $0x5000, s20;
	s29 =	sld [smem:$0x7A7]  }
0x15c: {  	[hbm4b:s28+s2] =	stream.linear.scatter [tilespmem:s26], [sflag:$0x3], $0x80, $0x38;
	[tilespmem:$0x17280] =	vst v63  }
0x15d: {  	s30 =	sadd.s32 $0x5010, s20;
	s31 =	sld [smem:$0x7A8]  }
0x15e: {  	[hbm4b:s30+s2] =	stream.linear.scatter [tilespmem:s29], [sflag:$0x3], $0x80, $0x38;
	[tilespmem:$0x17280] =	vst v63  }
0x15f: {  	s22 =	sadd.s32 $0x5020, s20;
	s24 =	sld [smem:$0x7A9]  }
0x160: {  	[hbm4b:s22+s2] =	stream.linear.scatter [tilespmem:s31], [sflag:$0x3], $0x80, $0x38;
	[tilespmem:$0x17280] =	vst v63  }
0x161: {  	s25 =	sadd.s32 $0x5030, s20;
	s26 =	sld [smem:$0x7AA]  }
0x162: {  	[hbm4b:s25+s2] =	stream.linear.scatter [tilespmem:s24], [sflag:$0x3], $0x80, $0x38;
	[tilespmem:$0x17280] =	vst v63  }
0x163: {  	s28 =	sadd.s32 $0x5040, s20;
	s29 =	sld [smem:$0x7AB]  }
0x164: {  	[hbm4b:s28+s2] =	stream.linear.scatter [tilespmem:s26], [sflag:$0x3], $0x80, $0x38;
	[tilespmem:$0x17280] =	vst v63  }
0x165: {  	s30 =	sadd.s32 $0x5050, s20;
	s31 =	sld [smem:$0x7AC]  }
0x166: {  	[hbm4b:s30+s2] =	stream.linear.scatter [tilespmem:s29], [sflag:$0x3], $0x80, $0x38;
	[tilespmem:$0x17280] =	vst v63  }
0x167: {  	s22 =	sadd.s32 $0x5060, s20;
	s24 =	sld [smem:$0x7AD]  }
0x168: {  	[hbm4b:s22+s2] =	stream.linear.scatter [tilespmem:s31], [sflag:$0x3], $0x80, $0x38;
	[tilespmem:$0x17280] =	vst v63  }
0x169: {  	s25 =	sadd.s32 $0x5070, s20;
	s26 =	sld [smem:$0x7AE]  }
0x16a: {  	[hbm4b:s25+s2] =	stream.linear.scatter [tilespmem:s24], [sflag:$0x3], $0x80, $0x38;
	[tilespmem:$0x17280] =	vst v63  }
0x16b: {  	s28 =	sadd.s32 $0x6000, s20;
	s29 =	sld [smem:$0x7AF]  }
0x16c: {  	[hbm4b:s28+s2] =	stream.linear.scatter [tilespmem:s26], [sflag:$0x3], $0x80, $0x38;
	[tilespmem:$0x17280] =	vst v63  }
0x16d: {  	s30 =	sadd.s32 $0x6010, s20;
	s31 =	sld [smem:$0x7B0]  }
0x16e: {  	[hbm4b:s30+s2] =	stream.linear.scatter [tilespmem:s29], [sflag:$0x3], $0x80, $0x38;
	[tilespmem:$0x17280] =	vst v63  }
0x16f: {  	s22 =	sadd.s32 $0x6020, s20;
	s24 =	sld [smem:$0x7B1]  }
0x170: {  	[hbm4b:s22+s2] =	stream.linear.scatter [tilespmem:s31], [sflag:$0x3], $0x80, $0x38;
	[tilespmem:$0x17280] =	vst v63  }
0x171: {  	s25 =	sadd.s32 $0x6030, s20;
	s26 =	sld [smem:$0x7B2]  }
0x172: {  	[hbm4b:s25+s2] =	stream.linear.scatter [tilespmem:s24], [sflag:$0x3], $0x80, $0x38;
	[tilespmem:$0x17280] =	vst v63  }
0x173: {  	s28 =	sadd.s32 $0x6040, s20;
	s29 =	sld [smem:$0x7B3]  }
0x174: {  	[hbm4b:s28+s2] =	stream.linear.scatter [tilespmem:s26], [sflag:$0x3], $0x80, $0x38;
	[tilespmem:$0x17280] =	vst v63  }
0x175: {  	s30 =	sadd.s32 $0x6050, s20;
	s31 =	sld [smem:$0x7B4]  }
0x176: {  	[hbm4b:s30+s2] =	stream.linear.scatter [tilespmem:s29], [sflag:$0x3], $0x80, $0x38;
	[tilespmem:$0x17280] =	vst v63  }
0x177: {  	s22 =	sadd.s32 $0x6060, s20;
	s24 =	sld [smem:$0x7B5]  }
0x178: {  	[hbm4b:s22+s2] =	stream.linear.scatter [tilespmem:s31], [sflag:$0x3], $0x80, $0x38;
	[tilespmem:$0x17280] =	vst v63  }
0x179: {  	s25 =	sadd.s32 $0x6070, s20;
	s26 =	sld [smem:$0x7B6]  }
0x17a: {  	[hbm4b:s25+s2] =	stream.linear.scatter [tilespmem:s24], [sflag:$0x3], $0x80, $0x38;
	[tilespmem:$0x17280] =	vst v63  }
0x17b: {  	s28 =	sadd.s32 $0x7000, s20;
	s29 =	sld [smem:$0x7B7]  }
0x17c: {  	[hbm4b:s28+s2] =	stream.linear.scatter [tilespmem:s26], [sflag:$0x3], $0x80, $0x38;
	[tilespmem:$0x17280] =	vst v63  }
0x17d: {  	s30 =	sadd.s32 $0x7010, s20;
	s31 =	sld [smem:$0x7B8]  }
0x17e: {  	[hbm4b:s30+s2] =	stream.linear.scatter [tilespmem:s29], [sflag:$0x3], $0x80, $0x38;
	[tilespmem:$0x17280] =	vst v63  }
0x17f: {  	s22 =	sadd.s32 $0x7020, s20;
	s24 =	sld [smem:$0x7B9]  }
0x180: {  	[hbm4b:s22+s2] =	stream.linear.scatter [tilespmem:s31], [sflag:$0x3], $0x80, $0x38;
	[tilespmem:$0x17280] =	vst v63  }
0x181: {  	s25 =	sadd.s32 $0x7030, s20;
	s26 =	sld [smem:$0x7BA]  }
0x182: {  	[hbm4b:s25+s2] =	stream.linear.scatter [tilespmem:s24], [sflag:$0x3], $0x80, $0x38;
	[tilespmem:$0x17280] =	vst v63  }
0x183: {  	s28 =	sadd.s32 $0x7040, s20;
	s29 =	sld [smem:$0x7BB]  }
0x184: {  	[hbm4b:s28+s2] =	stream.linear.scatter [tilespmem:s26], [sflag:$0x3], $0x80, $0x38;
	[tilespmem:$0x17280] =	vst v63  }
0x185: {  	s30 =	sadd.s32 $0x7050, s20;
	s31 =	sld [smem:$0x7BC]  }
0x186: {  	[hbm4b:s30+s2] =	stream.linear.scatter [tilespmem:s29], [sflag:$0x3], $0x80, $0x38;
	[tilespmem:$0x17280] =	vst v63  }
0x187: {  	s22 =	sadd.s32 $0x7060, s20;
	s24 =	sld [smem:$0x7BD]  }
0x188: {  	[hbm4b:s22+s2] =	stream.linear.scatter [tilespmem:s31], [sflag:$0x3], $0x80, $0x38;
	[tilespmem:$0x17280] =	vst v63  }
0x189: {  	s25 =	sadd.s32 $0x7070, s20  }
0x18a: {  	[hbm4b:s25+s2] =	stream.linear.scatter [tilespmem:s24], [sflag:$0x3], $0x80, $0x38;
	[tilespmem:$0x17280] =	vst v63  }
0x18b: {  	_ =	swait.ge [sflag:s15], $0x2000  }
0x18c: {  	[sflag:s15] =	ssyncset.done $0x0  }
0x18d: {  	s21 =	simm.s32 @!p0 $0x4;
	[sflag:s15] =	ssyncadd.s32 $0xFFFFE000  }
0x18e: {  	_ =	swait.ge @!p0 [sflag:s21], $0x400  }
0x18f: {  	[sflag:s21] =	ssyncset.done @!p0 $0x0  }
0x190: {  	[sflag:s21] =	ssyncadd.s32 @!p0 $0xFFFFFC00  }
0x191: {  	_ =	swait.ge @!p0 [sflag:s21], $0x400  }
0x192: {  	[sflag:s21] =	ssyncset.done @!p0 $0x0  }
0x193: {  	[sflag:s21] =	ssyncadd.s32 @!p0 $0xFFFFFC00  }
0x194: {  	_ =	swait.ge @!p0 [sflag:s21], $0x400  }
0x195: {  	[sflag:s21] =	ssyncset.done @!p0 $0x0  }
0x196: {  	[sflag:s21] =	ssyncadd.s32 @!p0 $0xFFFFFC00  }
0x197: {  	_ =	swait.ge @!p0 [sflag:s21], $0x400  }
0x198: {  	[sflag:s21] =	ssyncset.done @!p0 $0x0  }
0x199: {  	[sflag:s21] =	ssyncadd.s32 @!p0 $0xFFFFFC00  }
0x19a: {  	_ =	swait.ge @!p0 [sflag:s21], $0x400  }
0x19b: {  	[sflag:s21] =	ssyncset.done @!p0 $0x0  }
0x19c: {  	[sflag:s21] =	ssyncadd.s32 @!p0 $0xFFFFFC00  }
0x19d: {  	_ =	swait.ge @!p0 [sflag:s21], $0x400  }
0x19e: {  	[sflag:s21] =	ssyncset.done @!p0 $0x0  }
0x19f: {  	[sflag:s21] =	ssyncadd.s32 @!p0 $0xFFFFFC00  }
0x1a0: {  	p1 =	por $0x1, $0x1;
	_ =	swait.ge @!p0 [sflag:s21], $0x400  }
0x1a1: {  	s19 =	simm.s32 @!p1 $0xC4;
	[sflag:s21] =	ssyncset.done @!p0 $0x0  }
0x1a2: {  	s19 =	smul.u32 $0x220, s19;
	[sflag:s21] =	ssyncadd.s32 @!p0 $0xFFFFFC00  }
0x1a3: {  	_ =	swait.ge @!p0 [sflag:s21], $0x400  }
0x1a4: {  	s19 =	sshra.s32 s19, $0x2;
	[sflag:s21] =	ssyncset.done @!p0 $0x0  }
0x1a5: {  	s19 =	sadd.s32 $0x8198, s19;
	s26 =	sld [smem:$0x7BE];
	[sflag:s21] =	ssyncadd.s32 @!p0 $0xFFFFFC00  }
0x1a6: {  	[tilespmem:s13], [sflag:$0x2] =	stream.indirect.gather [hbm4b:s3+s10], $0x40, s19, s10, $0xb8;
	[tilespmem:$0x17280] =	vst v63  }
0x1a7: {  	s28 =	sadd.s32 $0x8000, s20;
	s29 =	sld [smem:$0x7BF]  }
0x1a8: {  	[hbm4b:s28+s2] =	stream.linear.scatter [tilespmem:s26], [sflag:$0x4], $0x80, $0x38;
	[tilespmem:$0x17280] =	vst v63  }
0x1a9: {  	s30 =	sadd.s32 $0x8010, s20;
	s31 =	sld [smem:$0x7C0]  }
0x1aa: {  	[hbm4b:s30+s2] =	stream.linear.scatter [tilespmem:s29], [sflag:$0x4], $0x80, $0x38;
	[tilespmem:$0x17280] =	vst v63  }
0x1ab: {  	s23 =	sadd.s32 $0x8020, s20;
	s24 =	sld [smem:$0x7C1]  }
0x1ac: {  	[hbm4b:s23+s2] =	stream.linear.scatter [tilespmem:s31], [sflag:$0x4], $0x80, $0x38;
	[tilespmem:$0x17280] =	vst v63  }
0x1ad: {  	s25 =	sadd.s32 $0x8030, s20;
	s26 =	sld [smem:$0x7C2]  }
0x1ae: {  	[hbm4b:s25+s2] =	stream.linear.scatter [tilespmem:s24], [sflag:$0x4], $0x80, $0x38;
	[tilespmem:$0x17280] =	vst v63  }
0x1af: {  	s28 =	sadd.s32 $0x8040, s20;
	s29 =	sld [smem:$0x7C3]  }
0x1b0: {  	[hbm4b:s28+s2] =	stream.linear.scatter [tilespmem:s26], [sflag:$0x4], $0x80, $0x38;
	[tilespmem:$0x17280] =	vst v63  }
0x1b1: {  	s30 =	sadd.s32 $0x8050, s20;
	s31 =	sld [smem:$0x7C4]  }
0x1b2: {  	[hbm4b:s30+s2] =	stream.linear.scatter [tilespmem:s29], [sflag:$0x4], $0x80, $0x38;
	[tilespmem:$0x17280] =	vst v63  }
0x1b3: {  	s23 =	sadd.s32 $0x8060, s20;
	s24 =	sld [smem:$0x7C5]  }
0x1b4: {  	[hbm4b:s23+s2] =	stream.linear.scatter [tilespmem:s31], [sflag:$0x4], $0x80, $0x38;
	[tilespmem:$0x17280] =	vst v63  }
0x1b5: {  	s25 =	sadd.s32 $0x8070, s20;
	s26 =	sld [smem:$0x7C6]  }
0x1b6: {  	[hbm4b:s25+s2] =	stream.linear.scatter [tilespmem:s24], [sflag:$0x4], $0x80, $0x38;
	[tilespmem:$0x17280] =	vst v63  }
0x1b7: {  	s28 =	sadd.s32 $0x9000, s20;
	s29 =	sld [smem:$0x7C7]  }
0x1b8: {  	[hbm4b:s28+s2] =	stream.linear.scatter [tilespmem:s26], [sflag:$0x4], $0x80, $0x38;
	[tilespmem:$0x17280] =	vst v63  }
0x1b9: {  	s30 =	sadd.s32 $0x9010, s20;
	s31 =	sld [smem:$0x7C8]  }
0x1ba: {  	[hbm4b:s30+s2] =	stream.linear.scatter [tilespmem:s29], [sflag:$0x4], $0x80, $0x38;
	[tilespmem:$0x17280] =	vst v63  }
0x1bb: {  	s23 =	sadd.s32 $0x9020, s20;
	s24 =	sld [smem:$0x7C9]  }
0x1bc: {  	[hbm4b:s23+s2] =	stream.linear.scatter [tilespmem:s31], [sflag:$0x4], $0x80, $0x38;
	[tilespmem:$0x17280] =	vst v63  }
0x1bd: {  	s25 =	sadd.s32 $0x9030, s20;
	s26 =	sld [smem:$0x7CA]  }
0x1be: {  	[hbm4b:s25+s2] =	stream.linear.scatter [tilespmem:s24], [sflag:$0x4], $0x80, $0x38;
	[tilespmem:$0x17280] =	vst v63  }
0x1bf: {  	s28 =	sadd.s32 $0x9040, s20;
	s29 =	sld [smem:$0x7CB]  }
0x1c0: {  	[hbm4b:s28+s2] =	stream.linear.scatter [tilespmem:s26], [sflag:$0x4], $0x80, $0x38;
	[tilespmem:$0x17280] =	vst v63  }
0x1c1: {  	s30 =	sadd.s32 $0x9050, s20;
	s31 =	sld [smem:$0x7CC]  }
0x1c2: {  	[hbm4b:s30+s2] =	stream.linear.scatter [tilespmem:s29], [sflag:$0x4], $0x80, $0x38;
	[tilespmem:$0x17280] =	vst v63  }
0x1c3: {  	s23 =	sadd.s32 $0x9060, s20;
	s24 =	sld [smem:$0x7CD]  }
0x1c4: {  	[hbm4b:s23+s2] =	stream.linear.scatter [tilespmem:s31], [sflag:$0x4], $0x80, $0x38;
	[tilespmem:$0x17280] =	vst v63  }
0x1c5: {  	s25 =	sadd.s32 $0x9070, s20;
	s26 =	sld [smem:$0x7CE]  }
0x1c6: {  	[hbm4b:s25+s2] =	stream.linear.scatter [tilespmem:s24], [sflag:$0x4], $0x80, $0x38;
	[tilespmem:$0x17280] =	vst v63  }
0x1c7: {  	s28 =	sadd.s32 $0xA000, s20;
	s29 =	sld [smem:$0x7CF]  }
0x1c8: {  	[hbm4b:s28+s2] =	stream.linear.scatter [tilespmem:s26], [sflag:$0x4], $0x80, $0x38;
	[tilespmem:$0x17280] =	vst v63  }
0x1c9: {  	s30 =	sadd.s32 $0xA010, s20;
	s31 =	sld [smem:$0x7D0]  }
0x1ca: {  	[hbm4b:s30+s2] =	stream.linear.scatter [tilespmem:s29], [sflag:$0x4], $0x80, $0x38;
	[tilespmem:$0x17280] =	vst v63  }
0x1cb: {  	s23 =	sadd.s32 $0xA020, s20;
	s24 =	sld [smem:$0x7D1]  }
0x1cc: {  	[hbm4b:s23+s2] =	stream.linear.scatter [tilespmem:s31], [sflag:$0x4], $0x80, $0x38;
	[tilespmem:$0x17280] =	vst v63  }
0x1cd: {  	s25 =	sadd.s32 $0xA030, s20;
	s26 =	sld [smem:$0x7D2]  }
0x1ce: {  	[hbm4b:s25+s2] =	stream.linear.scatter [tilespmem:s24], [sflag:$0x4], $0x80, $0x38;
	[tilespmem:$0x17280] =	vst v63  }
0x1cf: {  	s28 =	sadd.s32 $0xA040, s20;
	s29 =	sld [smem:$0x7D3]  }
0x1d0: {  	[hbm4b:s28+s2] =	stream.linear.scatter [tilespmem:s26], [sflag:$0x4], $0x80, $0x38;
	[tilespmem:$0x17280] =	vst v63  }
0x1d1: {  	s30 =	sadd.s32 $0xA050, s20;
	s31 =	sld [smem:$0x7D4]  }
0x1d2: {  	[hbm4b:s30+s2] =	stream.linear.scatter [tilespmem:s29], [sflag:$0x4], $0x80, $0x38;
	[tilespmem:$0x17280] =	vst v63  }
0x1d3: {  	s23 =	sadd.s32 $0xA060, s20;
	s24 =	sld [smem:$0x7D5]  }
0x1d4: {  	[hbm4b:s23+s2] =	stream.linear.scatter [tilespmem:s31], [sflag:$0x4], $0x80, $0x38;
	[tilespmem:$0x17280] =	vst v63  }
0x1d5: {  	s25 =	sadd.s32 $0xA070, s20;
	s26 =	sld [smem:$0x7D6]  }
0x1d6: {  	[hbm4b:s25+s2] =	stream.linear.scatter [tilespmem:s24], [sflag:$0x4], $0x80, $0x38;
	[tilespmem:$0x17280] =	vst v63  }
0x1d7: {  	s28 =	sadd.s32 $0xB000, s20;
	s29 =	sld [smem:$0x7D7]  }
0x1d8: {  	[hbm4b:s28+s2] =	stream.linear.scatter [tilespmem:s26], [sflag:$0x4], $0x80, $0x38;
	[tilespmem:$0x17280] =	vst v63  }
0x1d9: {  	s30 =	sadd.s32 $0xB010, s20;
	s31 =	sld [smem:$0x7D8]  }
0x1da: {  	[hbm4b:s30+s2] =	stream.linear.scatter [tilespmem:s29], [sflag:$0x4], $0x80, $0x38;
	[tilespmem:$0x17280] =	vst v63  }
0x1db: {  	s23 =	sadd.s32 $0xB020, s20;
	s24 =	sld [smem:$0x7D9]  }
0x1dc: {  	[hbm4b:s23+s2] =	stream.linear.scatter [tilespmem:s31], [sflag:$0x4], $0x80, $0x38;
	[tilespmem:$0x17280] =	vst v63  }
0x1dd: {  	s25 =	sadd.s32 $0xB030, s20;
	s26 =	sld [smem:$0x7DA]  }
0x1de: {  	[hbm4b:s25+s2] =	stream.linear.scatter [tilespmem:s24], [sflag:$0x4], $0x80, $0x38;
	[tilespmem:$0x17280] =	vst v63  }
0x1df: {  	s28 =	sadd.s32 $0xB040, s20;
	s29 =	sld [smem:$0x7DB]  }
0x1e0: {  	[hbm4b:s28+s2] =	stream.linear.scatter [tilespmem:s26], [sflag:$0x4], $0x80, $0x38;
	[tilespmem:$0x17280] =	vst v63  }
0x1e1: {  	s30 =	sadd.s32 $0xB050, s20;
	s31 =	sld [smem:$0x7DC]  }
0x1e2: {  	[hbm4b:s30+s2] =	stream.linear.scatter [tilespmem:s29], [sflag:$0x4], $0x80, $0x38;
	[tilespmem:$0x17280] =	vst v63  }
0x1e3: {  	s23 =	sadd.s32 $0xB060, s20;
	s24 =	sld [smem:$0x7DD]  }
0x1e4: {  	[hbm4b:s23+s2] =	stream.linear.scatter [tilespmem:s31], [sflag:$0x4], $0x80, $0x38;
	[tilespmem:$0x17280] =	vst v63  }
0x1e5: {  	s25 =	sadd.s32 $0xB070, s20;
	s26 =	sld [smem:$0x7DE]  }
0x1e6: {  	[hbm4b:s25+s2] =	stream.linear.scatter [tilespmem:s24], [sflag:$0x4], $0x80, $0x38;
	[tilespmem:$0x17280] =	vst v63  }
0x1e7: {  	s28 =	sadd.s32 $0xC000, s20;
	s29 =	sld [smem:$0x7DF]  }
0x1e8: {  	[hbm4b:s28+s2] =	stream.linear.scatter [tilespmem:s26], [sflag:$0x4], $0x80, $0x38;
	[tilespmem:$0x17280] =	vst v63  }
0x1e9: {  	s30 =	sadd.s32 $0xC010, s20;
	s31 =	sld [smem:$0x7E0]  }
0x1ea: {  	[hbm4b:s30+s2] =	stream.linear.scatter [tilespmem:s29], [sflag:$0x4], $0x80, $0x38;
	[tilespmem:$0x17280] =	vst v63  }
0x1eb: {  	s23 =	sadd.s32 $0xC020, s20;
	s24 =	sld [smem:$0x7E1]  }
0x1ec: {  	[hbm4b:s23+s2] =	stream.linear.scatter [tilespmem:s31], [sflag:$0x4], $0x80, $0x38;
	[tilespmem:$0x17280] =	vst v63  }
0x1ed: {  	s25 =	sadd.s32 $0xC030, s20;
	s26 =	sld [smem:$0x7E2]  }
0x1ee: {  	[hbm4b:s25+s2] =	stream.linear.scatter [tilespmem:s24], [sflag:$0x4], $0x80, $0x38;
	[tilespmem:$0x17280] =	vst v63  }
0x1ef: {  	s28 =	sadd.s32 $0xC040, s20;
	s29 =	sld [smem:$0x7E3]  }
0x1f0: {  	[hbm4b:s28+s2] =	stream.linear.scatter [tilespmem:s26], [sflag:$0x4], $0x80, $0x38;
	[tilespmem:$0x17280] =	vst v63  }
0x1f1: {  	s30 =	sadd.s32 $0xC050, s20;
	s31 =	sld [smem:$0x7E4]  }
0x1f2: {  	[hbm4b:s30+s2] =	stream.linear.scatter [tilespmem:s29], [sflag:$0x4], $0x80, $0x38;
	[tilespmem:$0x17280] =	vst v63  }
0x1f3: {  	s23 =	sadd.s32 $0xC060, s20;
	s24 =	sld [smem:$0x7E5]  }
0x1f4: {  	[hbm4b:s23+s2] =	stream.linear.scatter [tilespmem:s31], [sflag:$0x4], $0x80, $0x38;
	[tilespmem:$0x17280] =	vst v63  }
0x1f5: {  	s25 =	sadd.s32 $0xC070, s20;
	s26 =	sld [smem:$0x7E6]  }
0x1f6: {  	[hbm4b:s25+s2] =	stream.linear.scatter [tilespmem:s24], [sflag:$0x4], $0x80, $0x38;
	[tilespmem:$0x17280] =	vst v63  }
0x1f7: {  	s28 =	sadd.s32 $0xD000, s20;
	s29 =	sld [smem:$0x7E7]  }
0x1f8: {  	[hbm4b:s28+s2] =	stream.linear.scatter [tilespmem:s26], [sflag:$0x4], $0x80, $0x38;
	[tilespmem:$0x17280] =	vst v63  }
0x1f9: {  	s30 =	sadd.s32 $0xD010, s20;
	s31 =	sld [smem:$0x7E8]  }
0x1fa: {  	[hbm4b:s30+s2] =	stream.linear.scatter [tilespmem:s29], [sflag:$0x4], $0x80, $0x38;
	[tilespmem:$0x17280] =	vst v63  }
0x1fb: {  	s23 =	sadd.s32 $0xD020, s20;
	s24 =	sld [smem:$0x7E9]  }
0x1fc: {  	[hbm4b:s23+s2] =	stream.linear.scatter [tilespmem:s31], [sflag:$0x4], $0x80, $0x38;
	[tilespmem:$0x17280] =	vst v63  }
0x1fd: {  	s25 =	sadd.s32 $0xD030, s20;
	s26 =	sld [smem:$0x7EA]  }
0x1fe: {  	[hbm4b:s25+s2] =	stream.linear.scatter [tilespmem:s24], [sflag:$0x4], $0x80, $0x38;
	[tilespmem:$0x17280] =	vst v63  }
0x1ff: {  	s28 =	sadd.s32 $0xD040, s20;
	s29 =	sld [smem:$0x7EB]  }
0x200: {  	[hbm4b:s28+s2] =	stream.linear.scatter [tilespmem:s26], [sflag:$0x4], $0x80, $0x38;
	[tilespmem:$0x17280] =	vst v63  }
0x201: {  	s30 =	sadd.s32 $0xD050, s20;
	s31 =	sld [smem:$0x7EC]  }
0x202: {  	[hbm4b:s30+s2] =	stream.linear.scatter [tilespmem:s29], [sflag:$0x4], $0x80, $0x38;
	[tilespmem:$0x17280] =	vst v63  }
0x203: {  	s23 =	sadd.s32 $0xD060, s20;
	s24 =	sld [smem:$0x7ED]  }
0x204: {  	[hbm4b:s23+s2] =	stream.linear.scatter [tilespmem:s31], [sflag:$0x4], $0x80, $0x38;
	[tilespmem:$0x17280] =	vst v63  }
0x205: {  	s25 =	sadd.s32 $0xD070, s20;
	s26 =	sld [smem:$0x7EE]  }
0x206: {  	[hbm4b:s25+s2] =	stream.linear.scatter [tilespmem:s24], [sflag:$0x4], $0x80, $0x38;
	[tilespmem:$0x17280] =	vst v63  }
0x207: {  	s28 =	sadd.s32 $0xE000, s20;
	s29 =	sld [smem:$0x7EF]  }
0x208: {  	[hbm4b:s28+s2] =	stream.linear.scatter [tilespmem:s26], [sflag:$0x4], $0x80, $0x38;
	[tilespmem:$0x17280] =	vst v63  }
0x209: {  	s30 =	sadd.s32 $0xE010, s20;
	s31 =	sld [smem:$0x7F0]  }
0x20a: {  	[hbm4b:s30+s2] =	stream.linear.scatter [tilespmem:s29], [sflag:$0x4], $0x80, $0x38;
	[tilespmem:$0x17280] =	vst v63  }
0x20b: {  	s23 =	sadd.s32 $0xE020, s20;
	s24 =	sld [smem:$0x7F1]  }
0x20c: {  	[hbm4b:s23+s2] =	stream.linear.scatter [tilespmem:s31], [sflag:$0x4], $0x80, $0x38;
	[tilespmem:$0x17280] =	vst v63  }
0x20d: {  	s25 =	sadd.s32 $0xE030, s20;
	s26 =	sld [smem:$0x7F2]  }
0x20e: {  	[hbm4b:s25+s2] =	stream.linear.scatter [tilespmem:s24], [sflag:$0x4], $0x80, $0x38;
	[tilespmem:$0x17280] =	vst v63  }
0x20f: {  	s28 =	sadd.s32 $0xE040, s20;
	s29 =	sld [smem:$0x7F3]  }
0x210: {  	[hbm4b:s28+s2] =	stream.linear.scatter [tilespmem:s26], [sflag:$0x4], $0x80, $0x38;
	[tilespmem:$0x17280] =	vst v63  }
0x211: {  	s30 =	sadd.s32 $0xE050, s20;
	s31 =	sld [smem:$0x7F4]  }
0x212: {  	[hbm4b:s30+s2] =	stream.linear.scatter [tilespmem:s29], [sflag:$0x4], $0x80, $0x38;
	[tilespmem:$0x17280] =	vst v63  }
0x213: {  	s23 =	sadd.s32 $0xE060, s20;
	s24 =	sld [smem:$0x7F5]  }
0x214: {  	[hbm4b:s23+s2] =	stream.linear.scatter [tilespmem:s31], [sflag:$0x4], $0x80, $0x38;
	[tilespmem:$0x17280] =	vst v63  }
0x215: {  	s25 =	sadd.s32 $0xE070, s20;
	s26 =	sld [smem:$0x7F6]  }
0x216: {  	[hbm4b:s25+s2] =	stream.linear.scatter [tilespmem:s24], [sflag:$0x4], $0x80, $0x38;
	[tilespmem:$0x17280] =	vst v63  }
0x217: {  	s28 =	sadd.s32 $0xF000, s20;
	s29 =	sld [smem:$0x7F7]  }
0x218: {  	[hbm4b:s28+s2] =	stream.linear.scatter [tilespmem:s26], [sflag:$0x4], $0x80, $0x38;
	[tilespmem:$0x17280] =	vst v63  }
0x219: {  	s30 =	sadd.s32 $0xF010, s20;
	s31 =	sld [smem:$0x7F8]  }
0x21a: {  	[hbm4b:s30+s2] =	stream.linear.scatter [tilespmem:s29], [sflag:$0x4], $0x80, $0x38;
	[tilespmem:$0x17280] =	vst v63  }
0x21b: {  	s22 =	sadd.s32 $0xF020, s20;
	s23 =	sld [smem:$0x7F9]  }
0x21c: {  	[hbm4b:s22+s2] =	stream.linear.scatter [tilespmem:s31], [sflag:$0x4], $0x80, $0x38;
	[tilespmem:$0x17280] =	vst v63  }
0x21d: {  	s24 =	sadd.s32 $0xF030, s20;
	s25 =	sld [smem:$0x7FA]  }
0x21e: {  	[hbm4b:s24+s2] =	stream.linear.scatter [tilespmem:s23], [sflag:$0x4], $0x80, $0x38;
	[tilespmem:$0x17280] =	vst v63  }
0x21f: {  	s21 =	sadd.s32 $0xF070, s20;
	s26 =	sadd.s32 $0xF040, s20;
	s28 =	sld [smem:$0x7FB]  }
0x220: {  	[hbm4b:s26+s2] =	stream.linear.scatter [tilespmem:s25], [sflag:$0x4], $0x80, $0x38;
	[tilespmem:$0x17280] =	vst v63  }
0x221: {  	s19 =	simm.s32 $0x10000;
	s29 =	sadd.s32 $0xF050, s20;
	s30 =	sld [smem:$0x7FC]  }
0x222: {  	[hbm4b:s29+s2] =	stream.linear.scatter [tilespmem:s28], [sflag:$0x4], $0x80, $0x38;
	[tilespmem:$0x17280] =	vst v63  }
0x223: {  	s31 =	sadd.s32 $0xF060, s20;
	s22 =	sld [smem:$0x7FD];
	s20 =	simm.s32 $0x2  }
0x224: {  	[hbm4b:s31+s2] =	stream.linear.scatter [tilespmem:s30], [sflag:$0x4], $0x80, $0x38;
	[tilespmem:$0x17280] =	vst v63  }
.LBB2_6:
0x225: {  	_ = 	snop  }
0x226: {  	[hbm4b:s21+s2] =	stream.linear.scatter [tilespmem:s22], [sflag:$0x4], $0x80, $0x38;
	[tilespmem:$0x17280] =	vst v63  }
0x227: {  	s31 =	smov.u32 s19;
	_ =	swait.ge [sflag:s14], $0x2000  }
0x228: {  	p1 =	seq.s32 s31, $0x0;
	[sflag:s14] =	ssyncset.done $0x0  }
0x229: {  	s22 =	simm.s32 @!p1 $0x3;
	[sflag:s14] =	ssyncadd.s32 $0xFFFFE000  }
0x22a: {  	_ =	swait.ge @!p1 [sflag:s22], $0x400  }
0x22b: {  	[sflag:s22] =	ssyncset.done @!p1 $0x0  }
0x22c: {  	[sflag:s22] =	ssyncadd.s32 @!p1 $0xFFFFFC00  }
0x22d: {  	_ =	swait.ge @!p1 [sflag:s22], $0x400  }
0x22e: {  	[sflag:s22] =	ssyncset.done @!p1 $0x0  }
0x22f: {  	[sflag:s22] =	ssyncadd.s32 @!p1 $0xFFFFFC00  }
0x230: {  	_ =	swait.ge @!p1 [sflag:s22], $0x400  }
0x231: {  	[sflag:s22] =	ssyncset.done @!p1 $0x0  }
0x232: {  	[sflag:s22] =	ssyncadd.s32 @!p1 $0xFFFFFC00  }
0x233: {  	_ =	swait.ge @!p1 [sflag:s22], $0x400  }
0x234: {  	[sflag:s22] =	ssyncset.done @!p1 $0x0  }
0x235: {  	[sflag:s22] =	ssyncadd.s32 @!p1 $0xFFFFFC00  }
0x236: {  	_ =	swait.ge @!p1 [sflag:s22], $0x400  }
0x237: {  	[sflag:s22] =	ssyncset.done @!p1 $0x0  }
0x238: {  	[sflag:s22] =	ssyncadd.s32 @!p1 $0xFFFFFC00  }
0x239: {  	_ =	swait.ge @!p1 [sflag:s22], $0x400  }
0x23a: {  	[sflag:s22] =	ssyncset.done @!p1 $0x0  }
0x23b: {  	[sflag:s22] =	ssyncadd.s32 @!p1 $0xFFFFFC00  }
0x23c: {  	_ =	swait.ge @!p1 [sflag:s22], $0x400  }
0x23d: {  	s23 =	smin.u32 s20, $0xC5;
	[sflag:s22] =	ssyncset.done @!p1 $0x0  }
0x23e: {  	s23 =	smul.u32 $0x220, s23;
	[sflag:s22] =	ssyncadd.s32 @!p1 $0xFFFFFC00  }
0x23f: {  	_ =	swait.ge @!p1 [sflag:s22], $0x400  }
0x240: {  	s23 =	sshrl.u32 s23, $0x2;
	[sflag:s22] =	ssyncset.done @!p1 $0x0;
	s24 =	rddreg [dreg:$0x3]  }
0x241: {  	s23 =	sadd.s32 $0x8110, s23;
	s25 =	rddreg [dreg:$0x4];
	[sflag:s22] =	ssyncadd.s32 @!p1 $0xFFFFFC00  }
0x242: {  	[tilespmem:s11], [sflag:$0x1] =	stream.indirect.gather [hbm4b:s3+s10], $0x40, s23, s10, $0xb8;
	[tilespmem:$0x17280] =	vst v63  }
0x243: {  	s26 =	rddreg [dreg:$0x5];
	s21 =	sadd.s32 s31, s24  }
0x244: {  	[hbm4b:s21+s2] =	stream.linear.scatter [tilespmem:s25], [sflag:$0x3], $0x80, $0x38;
	[tilespmem:$0x17280] =	vst v63  }
0x245: {  	s29 =	rddreg [dreg:$0x6];
	s28 =	sadd.s32 $0x10, s21  }
0x246: {  	[hbm4b:s28+s2] =	stream.linear.scatter [tilespmem:s26], [sflag:$0x3], $0x80, $0x38;
	[tilespmem:$0x17280] =	vst v63  }
0x247: {  	s31 =	rddreg [dreg:$0x7];
	s30 =	sadd.s32 $0x20, s21  }
0x248: {  	[hbm4b:s30+s2] =	stream.linear.scatter [tilespmem:s29], [sflag:$0x3], $0x80, $0x38;
	[tilespmem:$0x17280] =	vst v63  }
0x249: {  	s25 =	sadd.s32 $0x30, s21;
	s26 =	rddreg [dreg:$0x8]  }
0x24a: {  	[hbm4b:s25+s2] =	stream.linear.scatter [tilespmem:s31], [sflag:$0x3], $0x80, $0x38;
	[tilespmem:$0x17280] =	vst v63  }
0x24b: {  	s28 =	sadd.s32 $0x40, s21;
	s29 =	rddreg [dreg:$0x9]  }
0x24c: {  	[hbm4b:s28+s2] =	stream.linear.scatter [tilespmem:s26], [sflag:$0x3], $0x80, $0x38;
	[tilespmem:$0x17280] =	vst v63  }
0x24d: {  	s30 =	sadd.s32 $0x50, s21;
	s31 =	rddreg [dreg:$0xa]  }
0x24e: {  	[hbm4b:s30+s2] =	stream.linear.scatter [tilespmem:s29], [sflag:$0x3], $0x80, $0x38;
	[tilespmem:$0x17280] =	vst v63  }
0x24f: {  	s25 =	sadd.s32 $0x60, s21;
	s26 =	rddreg [dreg:$0xb]  }
0x250: {  	[hbm4b:s25+s2] =	stream.linear.scatter [tilespmem:s31], [sflag:$0x3], $0x80, $0x38;
	[tilespmem:$0x17280] =	vst v63  }
0x251: {  	s28 =	sadd.s32 $0x70, s21;
	s29 =	rddreg [dreg:$0xc]  }
0x252: {  	[hbm4b:s28+s2] =	stream.linear.scatter [tilespmem:s26], [sflag:$0x3], $0x80, $0x38;
	[tilespmem:$0x17280] =	vst v63  }
0x253: {  	s30 =	sadd.s32 $0x1000, s21;
	s31 =	rddreg [dreg:$0xd]  }
0x254: {  	[hbm4b:s30+s2] =	stream.linear.scatter [tilespmem:s29], [sflag:$0x3], $0x80, $0x38;
	[tilespmem:$0x17280] =	vst v63  }
0x255: {  	s25 =	sadd.s32 $0x1010, s21;
	s26 =	rddreg [dreg:$0xe]  }
0x256: {  	[hbm4b:s25+s2] =	stream.linear.scatter [tilespmem:s31], [sflag:$0x3], $0x80, $0x38;
	[tilespmem:$0x17280] =	vst v63  }
0x257: {  	s28 =	sadd.s32 $0x1020, s21;
	s29 =	rddreg [dreg:$0xf]  }
0x258: {  	[hbm4b:s28+s2] =	stream.linear.scatter [tilespmem:s26], [sflag:$0x3], $0x80, $0x38;
	[tilespmem:$0x17280] =	vst v63  }
0x259: {  	s30 =	sadd.s32 $0x1030, s21;
	s31 =	rddreg [dreg:$0x10]  }
0x25a: {  	[hbm4b:s30+s2] =	stream.linear.scatter [tilespmem:s29], [sflag:$0x3], $0x80, $0x38;
	[tilespmem:$0x17280] =	vst v63  }
0x25b: {  	s25 =	sadd.s32 $0x1040, s21;
	s26 =	rddreg [dreg:$0x11]  }
0x25c: {  	[hbm4b:s25+s2] =	stream.linear.scatter [tilespmem:s31], [sflag:$0x3], $0x80, $0x38;
	[tilespmem:$0x17280] =	vst v63  }
0x25d: {  	s28 =	sadd.s32 $0x1050, s21;
	s29 =	rddreg [dreg:$0x12]  }
0x25e: {  	[hbm4b:s28+s2] =	stream.linear.scatter [tilespmem:s26], [sflag:$0x3], $0x80, $0x38;
	[tilespmem:$0x17280] =	vst v63  }
0x25f: {  	s30 =	sadd.s32 $0x1060, s21;
	s31 =	rddreg [dreg:$0x13]  }
0x260: {  	[hbm4b:s30+s2] =	stream.linear.scatter [tilespmem:s29], [sflag:$0x3], $0x80, $0x38;
	[tilespmem:$0x17280] =	vst v63  }
0x261: {  	s25 =	sadd.s32 $0x1070, s21;
	s26 =	rddreg [dreg:$0x14]  }
0x262: {  	[hbm4b:s25+s2] =	stream.linear.scatter [tilespmem:s31], [sflag:$0x3], $0x80, $0x38;
	[tilespmem:$0x17280] =	vst v63  }
0x263: {  	s28 =	sadd.s32 $0x2000, s21;
	s29 =	rddreg [dreg:$0x15]  }
0x264: {  	[hbm4b:s28+s2] =	stream.linear.scatter [tilespmem:s26], [sflag:$0x3], $0x80, $0x38;
	[tilespmem:$0x17280] =	vst v63  }
0x265: {  	s30 =	sadd.s32 $0x2010, s21;
	s31 =	rddreg [dreg:$0x16]  }
0x266: {  	[hbm4b:s30+s2] =	stream.linear.scatter [tilespmem:s29], [sflag:$0x3], $0x80, $0x38;
	[tilespmem:$0x17280] =	vst v63  }
0x267: {  	s25 =	sadd.s32 $0x2020, s21;
	s26 =	rddreg [dreg:$0x17]  }
0x268: {  	[hbm4b:s25+s2] =	stream.linear.scatter [tilespmem:s31], [sflag:$0x3], $0x80, $0x38;
	[tilespmem:$0x17280] =	vst v63  }
0x269: {  	s28 =	sadd.s32 $0x2030, s21;
	s29 =	rddreg [dreg:$0x18]  }
0x26a: {  	[hbm4b:s28+s2] =	stream.linear.scatter [tilespmem:s26], [sflag:$0x3], $0x80, $0x38;
	[tilespmem:$0x17280] =	vst v63  }
0x26b: {  	s30 =	sadd.s32 $0x2040, s21;
	s31 =	rddreg [dreg:$0x19]  }
0x26c: {  	[hbm4b:s30+s2] =	stream.linear.scatter [tilespmem:s29], [sflag:$0x3], $0x80, $0x38;
	[tilespmem:$0x17280] =	vst v63  }
0x26d: {  	s25 =	sadd.s32 $0x2050, s21;
	s26 =	rddreg [dreg:$0x1a]  }
0x26e: {  	[hbm4b:s25+s2] =	stream.linear.scatter [tilespmem:s31], [sflag:$0x3], $0x80, $0x38;
	[tilespmem:$0x17280] =	vst v63  }
0x26f: {  	s28 =	sadd.s32 $0x2060, s21;
	s29 =	rddreg [dreg:$0x1b]  }
0x270: {  	[hbm4b:s28+s2] =	stream.linear.scatter [tilespmem:s26], [sflag:$0x3], $0x80, $0x38;
	[tilespmem:$0x17280] =	vst v63  }
0x271: {  	s30 =	sadd.s32 $0x2070, s21;
	s31 =	rddreg [dreg:$0x1c]  }
0x272: {  	[hbm4b:s30+s2] =	stream.linear.scatter [tilespmem:s29], [sflag:$0x3], $0x80, $0x38;
	[tilespmem:$0x17280] =	vst v63  }
0x273: {  	s25 =	sadd.s32 $0x3000, s21;
	s26 =	rddreg [dreg:$0x1d]  }
0x274: {  	[hbm4b:s25+s2] =	stream.linear.scatter [tilespmem:s31], [sflag:$0x3], $0x80, $0x38;
	[tilespmem:$0x17280] =	vst v63  }
0x275: {  	s28 =	sadd.s32 $0x3010, s21;
	s29 =	rddreg [dreg:$0x1e]  }
0x276: {  	[hbm4b:s28+s2] =	stream.linear.scatter [tilespmem:s26], [sflag:$0x3], $0x80, $0x38;
	[tilespmem:$0x17280] =	vst v63  }
0x277: {  	s30 =	sadd.s32 $0x3020, s21;
	s31 =	rddreg [dreg:$0x1f]  }
0x278: {  	[hbm4b:s30+s2] =	stream.linear.scatter [tilespmem:s29], [sflag:$0x3], $0x80, $0x38;
	[tilespmem:$0x17280] =	vst v63  }
0x279: {  	s25 =	sadd.s32 $0x3030, s21;
	s26 =	sld [smem:$0x79A]  }
0x27a: {  	[hbm4b:s25+s2] =	stream.linear.scatter [tilespmem:s31], [sflag:$0x3], $0x80, $0x38;
	[tilespmem:$0x17280] =	vst v63  }
0x27b: {  	s28 =	sadd.s32 $0x3040, s21;
	s29 =	sld [smem:$0x79B]  }
0x27c: {  	[hbm4b:s28+s2] =	stream.linear.scatter [tilespmem:s26], [sflag:$0x3], $0x80, $0x38;
	[tilespmem:$0x17280] =	vst v63  }
0x27d: {  	s30 =	sadd.s32 $0x3050, s21;
	s31 =	sld [smem:$0x79C]  }
0x27e: {  	[hbm4b:s30+s2] =	stream.linear.scatter [tilespmem:s29], [sflag:$0x3], $0x80, $0x38;
	[tilespmem:$0x17280] =	vst v63  }
0x27f: {  	s25 =	sadd.s32 $0x3060, s21;
	s26 =	sld [smem:$0x79D]  }
0x280: {  	[hbm4b:s25+s2] =	stream.linear.scatter [tilespmem:s31], [sflag:$0x3], $0x80, $0x38;
	[tilespmem:$0x17280] =	vst v63  }
0x281: {  	s28 =	sadd.s32 $0x3070, s21;
	s29 =	sld [smem:$0x79E]  }
0x282: {  	[hbm4b:s28+s2] =	stream.linear.scatter [tilespmem:s26], [sflag:$0x3], $0x80, $0x38;
	[tilespmem:$0x17280] =	vst v63  }
0x283: {  	s30 =	sadd.s32 $0x4000, s21;
	s31 =	sld [smem:$0x79F]  }
0x284: {  	[hbm4b:s30+s2] =	stream.linear.scatter [tilespmem:s29], [sflag:$0x3], $0x80, $0x38;
	[tilespmem:$0x17280] =	vst v63  }
0x285: {  	s25 =	sadd.s32 $0x4010, s21;
	s26 =	sld [smem:$0x7A0]  }
0x286: {  	[hbm4b:s25+s2] =	stream.linear.scatter [tilespmem:s31], [sflag:$0x3], $0x80, $0x38;
	[tilespmem:$0x17280] =	vst v63  }
0x287: {  	s28 =	sadd.s32 $0x4020, s21;
	s29 =	sld [smem:$0x7A1]  }
0x288: {  	[hbm4b:s28+s2] =	stream.linear.scatter [tilespmem:s26], [sflag:$0x3], $0x80, $0x38;
	[tilespmem:$0x17280] =	vst v63  }
0x289: {  	s30 =	sadd.s32 $0x4030, s21;
	s31 =	sld [smem:$0x7A2]  }
0x28a: {  	[hbm4b:s30+s2] =	stream.linear.scatter [tilespmem:s29], [sflag:$0x3], $0x80, $0x38;
	[tilespmem:$0x17280] =	vst v63  }
0x28b: {  	s25 =	sadd.s32 $0x4040, s21;
	s26 =	sld [smem:$0x7A3]  }
0x28c: {  	[hbm4b:s25+s2] =	stream.linear.scatter [tilespmem:s31], [sflag:$0x3], $0x80, $0x38;
	[tilespmem:$0x17280] =	vst v63  }
0x28d: {  	s28 =	sadd.s32 $0x4050, s21;
	s29 =	sld [smem:$0x7A4]  }
0x28e: {  	[hbm4b:s28+s2] =	stream.linear.scatter [tilespmem:s26], [sflag:$0x3], $0x80, $0x38;
	[tilespmem:$0x17280] =	vst v63  }
0x28f: {  	s30 =	sadd.s32 $0x4060, s21;
	s31 =	sld [smem:$0x7A5]  }
0x290: {  	[hbm4b:s30+s2] =	stream.linear.scatter [tilespmem:s29], [sflag:$0x3], $0x80, $0x38;
	[tilespmem:$0x17280] =	vst v63  }
0x291: {  	s25 =	sadd.s32 $0x4070, s21;
	s26 =	sld [smem:$0x7A6]  }
0x292: {  	[hbm4b:s25+s2] =	stream.linear.scatter [tilespmem:s31], [sflag:$0x3], $0x80, $0x38;
	[tilespmem:$0x17280] =	vst v63  }
0x293: {  	s28 =	sadd.s32 $0x5000, s21;
	s29 =	sld [smem:$0x7A7]  }
0x294: {  	[hbm4b:s28+s2] =	stream.linear.scatter [tilespmem:s26], [sflag:$0x3], $0x80, $0x38;
	[tilespmem:$0x17280] =	vst v63  }
0x295: {  	s30 =	sadd.s32 $0x5010, s21;
	s31 =	sld [smem:$0x7A8]  }
0x296: {  	[hbm4b:s30+s2] =	stream.linear.scatter [tilespmem:s29], [sflag:$0x3], $0x80, $0x38;
	[tilespmem:$0x17280] =	vst v63  }
0x297: {  	s25 =	sadd.s32 $0x5020, s21;
	s26 =	sld [smem:$0x7A9]  }
0x298: {  	[hbm4b:s25+s2] =	stream.linear.scatter [tilespmem:s31], [sflag:$0x3], $0x80, $0x38;
	[tilespmem:$0x17280] =	vst v63  }
0x299: {  	s28 =	sadd.s32 $0x5030, s21;
	s29 =	sld [smem:$0x7AA]  }
0x29a: {  	[hbm4b:s28+s2] =	stream.linear.scatter [tilespmem:s26], [sflag:$0x3], $0x80, $0x38;
	[tilespmem:$0x17280] =	vst v63  }
0x29b: {  	s30 =	sadd.s32 $0x5040, s21;
	s31 =	sld [smem:$0x7AB]  }
0x29c: {  	[hbm4b:s30+s2] =	stream.linear.scatter [tilespmem:s29], [sflag:$0x3], $0x80, $0x38;
	[tilespmem:$0x17280] =	vst v63  }
0x29d: {  	s25 =	sadd.s32 $0x5050, s21;
	s26 =	sld [smem:$0x7AC]  }
0x29e: {  	[hbm4b:s25+s2] =	stream.linear.scatter [tilespmem:s31], [sflag:$0x3], $0x80, $0x38;
	[tilespmem:$0x17280] =	vst v63  }
0x29f: {  	s28 =	sadd.s32 $0x5060, s21;
	s29 =	sld [smem:$0x7AD]  }
0x2a0: {  	[hbm4b:s28+s2] =	stream.linear.scatter [tilespmem:s26], [sflag:$0x3], $0x80, $0x38;
	[tilespmem:$0x17280] =	vst v63  }
0x2a1: {  	s30 =	sadd.s32 $0x5070, s21;
	s31 =	sld [smem:$0x7AE]  }
0x2a2: {  	[hbm4b:s30+s2] =	stream.linear.scatter [tilespmem:s29], [sflag:$0x3], $0x80, $0x38;
	[tilespmem:$0x17280] =	vst v63  }
0x2a3: {  	s25 =	sadd.s32 $0x6000, s21;
	s26 =	sld [smem:$0x7AF]  }
0x2a4: {  	[hbm4b:s25+s2] =	stream.linear.scatter [tilespmem:s31], [sflag:$0x3], $0x80, $0x38;
	[tilespmem:$0x17280] =	vst v63  }
0x2a5: {  	s28 =	sadd.s32 $0x6010, s21;
	s29 =	sld [smem:$0x7B0]  }
0x2a6: {  	[hbm4b:s28+s2] =	stream.linear.scatter [tilespmem:s26], [sflag:$0x3], $0x80, $0x38;
	[tilespmem:$0x17280] =	vst v63  }
0x2a7: {  	s30 =	sadd.s32 $0x6020, s21;
	s31 =	sld [smem:$0x7B1]  }
0x2a8: {  	[hbm4b:s30+s2] =	stream.linear.scatter [tilespmem:s29], [sflag:$0x3], $0x80, $0x38;
	[tilespmem:$0x17280] =	vst v63  }
0x2a9: {  	s25 =	sadd.s32 $0x6030, s21;
	s26 =	sld [smem:$0x7B2]  }
0x2aa: {  	[hbm4b:s25+s2] =	stream.linear.scatter [tilespmem:s31], [sflag:$0x3], $0x80, $0x38;
	[tilespmem:$0x17280] =	vst v63  }
0x2ab: {  	s28 =	sadd.s32 $0x6040, s21;
	s29 =	sld [smem:$0x7B3]  }
0x2ac: {  	[hbm4b:s28+s2] =	stream.linear.scatter [tilespmem:s26], [sflag:$0x3], $0x80, $0x38;
	[tilespmem:$0x17280] =	vst v63  }
0x2ad: {  	s30 =	sadd.s32 $0x6050, s21;
	s31 =	sld [smem:$0x7B4]  }
0x2ae: {  	[hbm4b:s30+s2] =	stream.linear.scatter [tilespmem:s29], [sflag:$0x3], $0x80, $0x38;
	[tilespmem:$0x17280] =	vst v63  }
0x2af: {  	s25 =	sadd.s32 $0x6060, s21;
	s26 =	sld [smem:$0x7B5]  }
0x2b0: {  	[hbm4b:s25+s2] =	stream.linear.scatter [tilespmem:s31], [sflag:$0x3], $0x80, $0x38;
	[tilespmem:$0x17280] =	vst v63  }
0x2b1: {  	s28 =	sadd.s32 $0x6070, s21;
	s29 =	sld [smem:$0x7B6]  }
0x2b2: {  	[hbm4b:s28+s2] =	stream.linear.scatter [tilespmem:s26], [sflag:$0x3], $0x80, $0x38;
	[tilespmem:$0x17280] =	vst v63  }
0x2b3: {  	s30 =	sadd.s32 $0x7000, s21;
	s31 =	sld [smem:$0x7B7]  }
0x2b4: {  	[hbm4b:s30+s2] =	stream.linear.scatter [tilespmem:s29], [sflag:$0x3], $0x80, $0x38;
	[tilespmem:$0x17280] =	vst v63  }
0x2b5: {  	s25 =	sadd.s32 $0x7010, s21;
	s26 =	sld [smem:$0x7B8]  }
0x2b6: {  	[hbm4b:s25+s2] =	stream.linear.scatter [tilespmem:s31], [sflag:$0x3], $0x80, $0x38;
	[tilespmem:$0x17280] =	vst v63  }
0x2b7: {  	s28 =	sadd.s32 $0x7020, s21;
	s29 =	sld [smem:$0x7B9]  }
0x2b8: {  	[hbm4b:s28+s2] =	stream.linear.scatter [tilespmem:s26], [sflag:$0x3], $0x80, $0x38;
	[tilespmem:$0x17280] =	vst v63  }
0x2b9: {  	s30 =	sadd.s32 $0x7030, s21;
	s31 =	sld [smem:$0x7BA]  }
0x2ba: {  	[hbm4b:s30+s2] =	stream.linear.scatter [tilespmem:s29], [sflag:$0x3], $0x80, $0x38;
	[tilespmem:$0x17280] =	vst v63  }
0x2bb: {  	s25 =	sadd.s32 $0x7040, s21;
	s26 =	sld [smem:$0x7BB]  }
0x2bc: {  	[hbm4b:s25+s2] =	stream.linear.scatter [tilespmem:s31], [sflag:$0x3], $0x80, $0x38;
	[tilespmem:$0x17280] =	vst v63  }
0x2bd: {  	s28 =	sadd.s32 $0x7050, s21;
	s29 =	sld [smem:$0x7BC]  }
0x2be: {  	[hbm4b:s28+s2] =	stream.linear.scatter [tilespmem:s26], [sflag:$0x3], $0x80, $0x38;
	[tilespmem:$0x17280] =	vst v63  }
0x2bf: {  	s30 =	sadd.s32 $0x7060, s21;
	s31 =	sld [smem:$0x7BD]  }
0x2c0: {  	[hbm4b:s30+s2] =	stream.linear.scatter [tilespmem:s29], [sflag:$0x3], $0x80, $0x38;
	[tilespmem:$0x17280] =	vst v63  }
0x2c1: {  	s24 =	sadd.s32 $0x7070, s21  }
0x2c2: {  	[hbm4b:s24+s2] =	stream.linear.scatter [tilespmem:s31], [sflag:$0x3], $0x80, $0x38;
	[tilespmem:$0x17280] =	vst v63  }
0x2c3: {  	_ =	swait.ge [sflag:s15], $0x2000  }
0x2c4: {  	[sflag:s15] =	ssyncset.done $0x0  }
0x2c5: {  	s22 =	simm.s32 @!p1 $0x4;
	[sflag:s15] =	ssyncadd.s32 $0xFFFFE000  }
0x2c6: {  	_ =	swait.ge @!p1 [sflag:s22], $0x400  }
0x2c7: {  	[sflag:s22] =	ssyncset.done @!p1 $0x0  }
0x2c8: {  	[sflag:s22] =	ssyncadd.s32 @!p1 $0xFFFFFC00  }
0x2c9: {  	_ =	swait.ge @!p1 [sflag:s22], $0x400  }
0x2ca: {  	[sflag:s22] =	ssyncset.done @!p1 $0x0  }
0x2cb: {  	[sflag:s22] =	ssyncadd.s32 @!p1 $0xFFFFFC00  }
0x2cc: {  	_ =	swait.ge @!p1 [sflag:s22], $0x400  }
0x2cd: {  	[sflag:s22] =	ssyncset.done @!p1 $0x0  }
0x2ce: {  	[sflag:s22] =	ssyncadd.s32 @!p1 $0xFFFFFC00  }
0x2cf: {  	_ =	swait.ge @!p1 [sflag:s22], $0x400  }
0x2d0: {  	[sflag:s22] =	ssyncset.done @!p1 $0x0  }
0x2d1: {  	[sflag:s22] =	ssyncadd.s32 @!p1 $0xFFFFFC00  }
0x2d2: {  	_ =	swait.ge @!p1 [sflag:s22], $0x400  }
0x2d3: {  	[sflag:s22] =	ssyncset.done @!p1 $0x0  }
0x2d4: {  	[sflag:s22] =	ssyncadd.s32 @!p1 $0xFFFFFC00  }
0x2d5: {  	_ =	swait.ge @!p1 [sflag:s22], $0x400  }
0x2d6: {  	[sflag:s22] =	ssyncset.done @!p1 $0x0  }
0x2d7: {  	[sflag:s22] =	ssyncadd.s32 @!p1 $0xFFFFFC00  }
0x2d8: {  	p2 =	slt.s32 s20, $0xC4;
	s23 =	smov.u32 s20;
	_ =	swait.ge @!p1 [sflag:s22], $0x400  }
0x2d9: {  	s23 =	simm.s32 @!p2 $0xC4;
	[sflag:s22] =	ssyncset.done @!p1 $0x0  }
0x2da: {  	s23 =	smul.u32 $0x220, s23;
	[sflag:s22] =	ssyncadd.s32 @!p1 $0xFFFFFC00  }
0x2db: {  	_ =	swait.ge @!p1 [sflag:s22], $0x400  }
0x2dc: {  	s23 =	sshra.s32 s23, $0x2;
	[sflag:s22] =	ssyncset.done @!p1 $0x0  }
0x2dd: {  	s25 =	sadd.s32 $0x8198, s23;
	s26 =	sld [smem:$0x7BE];
	[sflag:s22] =	ssyncadd.s32 @!p1 $0xFFFFFC00  }
0x2de: {  	[tilespmem:s13], [sflag:$0x2] =	stream.indirect.gather [hbm4b:s3+s10], $0x40, s25, s10, $0xb8;
	[tilespmem:$0x17280] =	vst v63  }
0x2df: {  	s28 =	sadd.s32 $0x8000, s21;
	s29 =	sld [smem:$0x7BF]  }
0x2e0: {  	[hbm4b:s28+s2] =	stream.linear.scatter [tilespmem:s26], [sflag:$0x4], $0x80, $0x38;
	[tilespmem:$0x17280] =	vst v63  }
0x2e1: {  	s30 =	sadd.s32 $0x8010, s21;
	s31 =	sld [smem:$0x7C0]  }
0x2e2: {  	[hbm4b:s30+s2] =	stream.linear.scatter [tilespmem:s29], [sflag:$0x4], $0x80, $0x38;
	[tilespmem:$0x17280] =	vst v63  }
0x2e3: {  	s25 =	sadd.s32 $0x8020, s21;
	s26 =	sld [smem:$0x7C1]  }
0x2e4: {  	[hbm4b:s25+s2] =	stream.linear.scatter [tilespmem:s31], [sflag:$0x4], $0x80, $0x38;
	[tilespmem:$0x17280] =	vst v63  }
0x2e5: {  	s28 =	sadd.s32 $0x8030, s21;
	s29 =	sld [smem:$0x7C2]  }
0x2e6: {  	[hbm4b:s28+s2] =	stream.linear.scatter [tilespmem:s26], [sflag:$0x4], $0x80, $0x38;
	[tilespmem:$0x17280] =	vst v63  }
0x2e7: {  	s30 =	sadd.s32 $0x8040, s21;
	s31 =	sld [smem:$0x7C3]  }
0x2e8: {  	[hbm4b:s30+s2] =	stream.linear.scatter [tilespmem:s29], [sflag:$0x4], $0x80, $0x38;
	[tilespmem:$0x17280] =	vst v63  }
0x2e9: {  	s25 =	sadd.s32 $0x8050, s21;
	s26 =	sld [smem:$0x7C4]  }
0x2ea: {  	[hbm4b:s25+s2] =	stream.linear.scatter [tilespmem:s31], [sflag:$0x4], $0x80, $0x38;
	[tilespmem:$0x17280] =	vst v63  }
0x2eb: {  	s28 =	sadd.s32 $0x8060, s21;
	s29 =	sld [smem:$0x7C5]  }
0x2ec: {  	[hbm4b:s28+s2] =	stream.linear.scatter [tilespmem:s26], [sflag:$0x4], $0x80, $0x38;
	[tilespmem:$0x17280] =	vst v63  }
0x2ed: {  	s30 =	sadd.s32 $0x8070, s21;
	s31 =	sld [smem:$0x7C6]  }
0x2ee: {  	[hbm4b:s30+s2] =	stream.linear.scatter [tilespmem:s29], [sflag:$0x4], $0x80, $0x38;
	[tilespmem:$0x17280] =	vst v63  }
0x2ef: {  	s25 =	sadd.s32 $0x9000, s21;
	s26 =	sld [smem:$0x7C7]  }
0x2f0: {  	[hbm4b:s25+s2] =	stream.linear.scatter [tilespmem:s31], [sflag:$0x4], $0x80, $0x38;
	[tilespmem:$0x17280] =	vst v63  }
0x2f1: {  	s28 =	sadd.s32 $0x9010, s21;
	s29 =	sld [smem:$0x7C8]  }
0x2f2: {  	[hbm4b:s28+s2] =	stream.linear.scatter [tilespmem:s26], [sflag:$0x4], $0x80, $0x38;
	[tilespmem:$0x17280] =	vst v63  }
0x2f3: {  	s30 =	sadd.s32 $0x9020, s21;
	s31 =	sld [smem:$0x7C9]  }
0x2f4: {  	[hbm4b:s30+s2] =	stream.linear.scatter [tilespmem:s29], [sflag:$0x4], $0x80, $0x38;
	[tilespmem:$0x17280] =	vst v63  }
0x2f5: {  	s25 =	sadd.s32 $0x9030, s21;
	s26 =	sld [smem:$0x7CA]  }
0x2f6: {  	[hbm4b:s25+s2] =	stream.linear.scatter [tilespmem:s31], [sflag:$0x4], $0x80, $0x38;
	[tilespmem:$0x17280] =	vst v63  }
0x2f7: {  	s28 =	sadd.s32 $0x9040, s21;
	s29 =	sld [smem:$0x7CB]  }
0x2f8: {  	[hbm4b:s28+s2] =	stream.linear.scatter [tilespmem:s26], [sflag:$0x4], $0x80, $0x38;
	[tilespmem:$0x17280] =	vst v63  }
0x2f9: {  	s30 =	sadd.s32 $0x9050, s21;
	s31 =	sld [smem:$0x7CC]  }
0x2fa: {  	[hbm4b:s30+s2] =	stream.linear.scatter [tilespmem:s29], [sflag:$0x4], $0x80, $0x38;
	[tilespmem:$0x17280] =	vst v63  }
0x2fb: {  	s25 =	sadd.s32 $0x9060, s21;
	s26 =	sld [smem:$0x7CD]  }
0x2fc: {  	[hbm4b:s25+s2] =	stream.linear.scatter [tilespmem:s31], [sflag:$0x4], $0x80, $0x38;
	[tilespmem:$0x17280] =	vst v63  }
0x2fd: {  	s28 =	sadd.s32 $0x9070, s21;
	s29 =	sld [smem:$0x7CE]  }
0x2fe: {  	[hbm4b:s28+s2] =	stream.linear.scatter [tilespmem:s26], [sflag:$0x4], $0x80, $0x38;
	[tilespmem:$0x17280] =	vst v63  }
0x2ff: {  	s30 =	sadd.s32 $0xA000, s21;
	s31 =	sld [smem:$0x7CF]  }
0x300: {  	[hbm4b:s30+s2] =	stream.linear.scatter [tilespmem:s29], [sflag:$0x4], $0x80, $0x38;
	[tilespmem:$0x17280] =	vst v63  }
0x301: {  	s25 =	sadd.s32 $0xA010, s21;
	s26 =	sld [smem:$0x7D0]  }
0x302: {  	[hbm4b:s25+s2] =	stream.linear.scatter [tilespmem:s31], [sflag:$0x4], $0x80, $0x38;
	[tilespmem:$0x17280] =	vst v63  }
0x303: {  	s28 =	sadd.s32 $0xA020, s21;
	s29 =	sld [smem:$0x7D1]  }
0x304: {  	[hbm4b:s28+s2] =	stream.linear.scatter [tilespmem:s26], [sflag:$0x4], $0x80, $0x38;
	[tilespmem:$0x17280] =	vst v63  }
0x305: {  	s30 =	sadd.s32 $0xA030, s21;
	s31 =	sld [smem:$0x7D2]  }
0x306: {  	[hbm4b:s30+s2] =	stream.linear.scatter [tilespmem:s29], [sflag:$0x4], $0x80, $0x38;
	[tilespmem:$0x17280] =	vst v63  }
0x307: {  	s25 =	sadd.s32 $0xA040, s21;
	s26 =	sld [smem:$0x7D3]  }
0x308: {  	[hbm4b:s25+s2] =	stream.linear.scatter [tilespmem:s31], [sflag:$0x4], $0x80, $0x38;
	[tilespmem:$0x17280] =	vst v63  }
0x309: {  	s28 =	sadd.s32 $0xA050, s21;
	s29 =	sld [smem:$0x7D4]  }
0x30a: {  	[hbm4b:s28+s2] =	stream.linear.scatter [tilespmem:s26], [sflag:$0x4], $0x80, $0x38;
	[tilespmem:$0x17280] =	vst v63  }
0x30b: {  	s30 =	sadd.s32 $0xA060, s21;
	s31 =	sld [smem:$0x7D5]  }
0x30c: {  	[hbm4b:s30+s2] =	stream.linear.scatter [tilespmem:s29], [sflag:$0x4], $0x80, $0x38;
	[tilespmem:$0x17280] =	vst v63  }
0x30d: {  	s25 =	sadd.s32 $0xA070, s21;
	s26 =	sld [smem:$0x7D6]  }
0x30e: {  	[hbm4b:s25+s2] =	stream.linear.scatter [tilespmem:s31], [sflag:$0x4], $0x80, $0x38;
	[tilespmem:$0x17280] =	vst v63  }
0x30f: {  	s28 =	sadd.s32 $0xB000, s21;
	s29 =	sld [smem:$0x7D7]  }
0x310: {  	[hbm4b:s28+s2] =	stream.linear.scatter [tilespmem:s26], [sflag:$0x4], $0x80, $0x38;
	[tilespmem:$0x17280] =	vst v63  }
0x311: {  	s30 =	sadd.s32 $0xB010, s21;
	s31 =	sld [smem:$0x7D8]  }
0x312: {  	[hbm4b:s30+s2] =	stream.linear.scatter [tilespmem:s29], [sflag:$0x4], $0x80, $0x38;
	[tilespmem:$0x17280] =	vst v63  }
0x313: {  	s25 =	sadd.s32 $0xB020, s21;
	s26 =	sld [smem:$0x7D9]  }
0x314: {  	[hbm4b:s25+s2] =	stream.linear.scatter [tilespmem:s31], [sflag:$0x4], $0x80, $0x38;
	[tilespmem:$0x17280] =	vst v63  }
0x315: {  	s28 =	sadd.s32 $0xB030, s21;
	s29 =	sld [smem:$0x7DA]  }
0x316: {  	[hbm4b:s28+s2] =	stream.linear.scatter [tilespmem:s26], [sflag:$0x4], $0x80, $0x38;
	[tilespmem:$0x17280] =	vst v63  }
0x317: {  	s30 =	sadd.s32 $0xB040, s21;
	s31 =	sld [smem:$0x7DB]  }
0x318: {  	[hbm4b:s30+s2] =	stream.linear.scatter [tilespmem:s29], [sflag:$0x4], $0x80, $0x38;
	[tilespmem:$0x17280] =	vst v63  }
0x319: {  	s25 =	sadd.s32 $0xB050, s21;
	s26 =	sld [smem:$0x7DC]  }
0x31a: {  	[hbm4b:s25+s2] =	stream.linear.scatter [tilespmem:s31], [sflag:$0x4], $0x80, $0x38;
	[tilespmem:$0x17280] =	vst v63  }
0x31b: {  	s28 =	sadd.s32 $0xB060, s21;
	s29 =	sld [smem:$0x7DD]  }
0x31c: {  	[hbm4b:s28+s2] =	stream.linear.scatter [tilespmem:s26], [sflag:$0x4], $0x80, $0x38;
	[tilespmem:$0x17280] =	vst v63  }
0x31d: {  	s30 =	sadd.s32 $0xB070, s21;
	s31 =	sld [smem:$0x7DE]  }
0x31e: {  	[hbm4b:s30+s2] =	stream.linear.scatter [tilespmem:s29], [sflag:$0x4], $0x80, $0x38;
	[tilespmem:$0x17280] =	vst v63  }
0x31f: {  	s25 =	sadd.s32 $0xC000, s21;
	s26 =	sld [smem:$0x7DF]  }
0x320: {  	[hbm4b:s25+s2] =	stream.linear.scatter [tilespmem:s31], [sflag:$0x4], $0x80, $0x38;
	[tilespmem:$0x17280] =	vst v63  }
0x321: {  	s28 =	sadd.s32 $0xC010, s21;
	s29 =	sld [smem:$0x7E0]  }
0x322: {  	[hbm4b:s28+s2] =	stream.linear.scatter [tilespmem:s26], [sflag:$0x4], $0x80, $0x38;
	[tilespmem:$0x17280] =	vst v63  }
0x323: {  	s30 =	sadd.s32 $0xC020, s21;
	s31 =	sld [smem:$0x7E1]  }
0x324: {  	[hbm4b:s30+s2] =	stream.linear.scatter [tilespmem:s29], [sflag:$0x4], $0x80, $0x38;
	[tilespmem:$0x17280] =	vst v63  }
0x325: {  	s25 =	sadd.s32 $0xC030, s21;
	s26 =	sld [smem:$0x7E2]  }
0x326: {  	[hbm4b:s25+s2] =	stream.linear.scatter [tilespmem:s31], [sflag:$0x4], $0x80, $0x38;
	[tilespmem:$0x17280] =	vst v63  }
0x327: {  	s28 =	sadd.s32 $0xC040, s21;
	s29 =	sld [smem:$0x7E3]  }
0x328: {  	[hbm4b:s28+s2] =	stream.linear.scatter [tilespmem:s26], [sflag:$0x4], $0x80, $0x38;
	[tilespmem:$0x17280] =	vst v63  }
0x329: {  	s30 =	sadd.s32 $0xC050, s21;
	s31 =	sld [smem:$0x7E4]  }
0x32a: {  	[hbm4b:s30+s2] =	stream.linear.scatter [tilespmem:s29], [sflag:$0x4], $0x80, $0x38;
	[tilespmem:$0x17280] =	vst v63  }
0x32b: {  	s25 =	sadd.s32 $0xC060, s21;
	s26 =	sld [smem:$0x7E5]  }
0x32c: {  	[hbm4b:s25+s2] =	stream.linear.scatter [tilespmem:s31], [sflag:$0x4], $0x80, $0x38;
	[tilespmem:$0x17280] =	vst v63  }
0x32d: {  	s28 =	sadd.s32 $0xC070, s21;
	s29 =	sld [smem:$0x7E6]  }
0x32e: {  	[hbm4b:s28+s2] =	stream.linear.scatter [tilespmem:s26], [sflag:$0x4], $0x80, $0x38;
	[tilespmem:$0x17280] =	vst v63  }
0x32f: {  	s30 =	sadd.s32 $0xD000, s21;
	s31 =	sld [smem:$0x7E7]  }
0x330: {  	[hbm4b:s30+s2] =	stream.linear.scatter [tilespmem:s29], [sflag:$0x4], $0x80, $0x38;
	[tilespmem:$0x17280] =	vst v63  }
0x331: {  	s25 =	sadd.s32 $0xD010, s21;
	s26 =	sld [smem:$0x7E8]  }
0x332: {  	[hbm4b:s25+s2] =	stream.linear.scatter [tilespmem:s31], [sflag:$0x4], $0x80, $0x38;
	[tilespmem:$0x17280] =	vst v63  }
0x333: {  	s28 =	sadd.s32 $0xD020, s21;
	s29 =	sld [smem:$0x7E9]  }
0x334: {  	[hbm4b:s28+s2] =	stream.linear.scatter [tilespmem:s26], [sflag:$0x4], $0x80, $0x38;
	[tilespmem:$0x17280] =	vst v63  }
0x335: {  	s30 =	sadd.s32 $0xD030, s21;
	s31 =	sld [smem:$0x7EA]  }
0x336: {  	[hbm4b:s30+s2] =	stream.linear.scatter [tilespmem:s29], [sflag:$0x4], $0x80, $0x38;
	[tilespmem:$0x17280] =	vst v63  }
0x337: {  	s25 =	sadd.s32 $0xD040, s21;
	s26 =	sld [smem:$0x7EB]  }
0x338: {  	[hbm4b:s25+s2] =	stream.linear.scatter [tilespmem:s31], [sflag:$0x4], $0x80, $0x38;
	[tilespmem:$0x17280] =	vst v63  }
0x339: {  	s28 =	sadd.s32 $0xD050, s21;
	s29 =	sld [smem:$0x7EC]  }
0x33a: {  	[hbm4b:s28+s2] =	stream.linear.scatter [tilespmem:s26], [sflag:$0x4], $0x80, $0x38;
	[tilespmem:$0x17280] =	vst v63  }
0x33b: {  	s30 =	sadd.s32 $0xD060, s21;
	s31 =	sld [smem:$0x7ED]  }
0x33c: {  	[hbm4b:s30+s2] =	stream.linear.scatter [tilespmem:s29], [sflag:$0x4], $0x80, $0x38;
	[tilespmem:$0x17280] =	vst v63  }
0x33d: {  	s25 =	sadd.s32 $0xD070, s21;
	s26 =	sld [smem:$0x7EE]  }
0x33e: {  	[hbm4b:s25+s2] =	stream.linear.scatter [tilespmem:s31], [sflag:$0x4], $0x80, $0x38;
	[tilespmem:$0x17280] =	vst v63  }
0x33f: {  	s28 =	sadd.s32 $0xE000, s21;
	s29 =	sld [smem:$0x7EF]  }
0x340: {  	[hbm4b:s28+s2] =	stream.linear.scatter [tilespmem:s26], [sflag:$0x4], $0x80, $0x38;
	[tilespmem:$0x17280] =	vst v63  }
0x341: {  	s30 =	sadd.s32 $0xE010, s21;
	s31 =	sld [smem:$0x7F0]  }
0x342: {  	[hbm4b:s30+s2] =	stream.linear.scatter [tilespmem:s29], [sflag:$0x4], $0x80, $0x38;
	[tilespmem:$0x17280] =	vst v63  }
0x343: {  	s25 =	sadd.s32 $0xE020, s21;
	s26 =	sld [smem:$0x7F1]  }
0x344: {  	[hbm4b:s25+s2] =	stream.linear.scatter [tilespmem:s31], [sflag:$0x4], $0x80, $0x38;
	[tilespmem:$0x17280] =	vst v63  }
0x345: {  	s28 =	sadd.s32 $0xE030, s21;
	s29 =	sld [smem:$0x7F2]  }
0x346: {  	[hbm4b:s28+s2] =	stream.linear.scatter [tilespmem:s26], [sflag:$0x4], $0x80, $0x38;
	[tilespmem:$0x17280] =	vst v63  }
0x347: {  	s30 =	sadd.s32 $0xE040, s21;
	s31 =	sld [smem:$0x7F3]  }
0x348: {  	[hbm4b:s30+s2] =	stream.linear.scatter [tilespmem:s29], [sflag:$0x4], $0x80, $0x38;
	[tilespmem:$0x17280] =	vst v63  }
0x349: {  	s25 =	sadd.s32 $0xE050, s21;
	s26 =	sld [smem:$0x7F4]  }
0x34a: {  	[hbm4b:s25+s2] =	stream.linear.scatter [tilespmem:s31], [sflag:$0x4], $0x80, $0x38;
	[tilespmem:$0x17280] =	vst v63  }
0x34b: {  	s28 =	sadd.s32 $0xE060, s21;
	s29 =	sld [smem:$0x7F5]  }
0x34c: {  	[hbm4b:s28+s2] =	stream.linear.scatter [tilespmem:s26], [sflag:$0x4], $0x80, $0x38;
	[tilespmem:$0x17280] =	vst v63  }
0x34d: {  	s30 =	sadd.s32 $0xE070, s21;
	s31 =	sld [smem:$0x7F6]  }
0x34e: {  	[hbm4b:s30+s2] =	stream.linear.scatter [tilespmem:s29], [sflag:$0x4], $0x80, $0x38;
	[tilespmem:$0x17280] =	vst v63  }
0x34f: {  	s25 =	sadd.s32 $0xF000, s21;
	s26 =	sld [smem:$0x7F7]  }
0x350: {  	[hbm4b:s25+s2] =	stream.linear.scatter [tilespmem:s31], [sflag:$0x4], $0x80, $0x38;
	[tilespmem:$0x17280] =	vst v63  }
0x351: {  	s28 =	sadd.s32 $0xF010, s21;
	s29 =	sld [smem:$0x7F8]  }
0x352: {  	[hbm4b:s28+s2] =	stream.linear.scatter [tilespmem:s26], [sflag:$0x4], $0x80, $0x38;
	[tilespmem:$0x17280] =	vst v63  }
0x353: {  	s30 =	sadd.s32 $0xF020, s21;
	s31 =	sld [smem:$0x7F9]  }
0x354: {  	[hbm4b:s30+s2] =	stream.linear.scatter [tilespmem:s29], [sflag:$0x4], $0x80, $0x38;
	[tilespmem:$0x17280] =	vst v63  }
0x355: {  	s19 =	sadd.s32 $0x10000, s19;
	s23 =	sadd.s32 $0xF030, s21;
	s25 =	sld [smem:$0x7FA]  }
0x356: {  	[hbm4b:s23+s2] =	stream.linear.scatter [tilespmem:s31], [sflag:$0x4], $0x80, $0x38;
	[tilespmem:$0x17280] =	vst v63  }
0x357: {  	p0 =	sne.s32 s19, $0x640000;
	s26 =	sadd.s32 $0xF040, s21;
	s28 =	sld [smem:$0x7FB]  }
0x358: {  	[hbm4b:s26+s2] =	stream.linear.scatter [tilespmem:s25], [sflag:$0x4], $0x80, $0x38;
	[tilespmem:$0x17280] =	vst v63  }
.Ltmp2:
0x359: {  	_ = 	snop;
	(pc) =	sbr.rel @p0 .LBB2_6-.Ltmp2, $4  }
0x35a: {  	s20 =	sadd.s32 $0x2, s20;
	s29 =	sadd.s32 $0xF050, s21;
	s30 =	sld [smem:$0x7FC]  }
0x35b: {  	[hbm4b:s29+s2] =	stream.linear.scatter [tilespmem:s28], [sflag:$0x4], $0x80, $0x38;
	[tilespmem:$0x17280] =	vst v63  }
0x35c: {  	s22 =	sld [smem:$0x7FD];
	s31 =	sadd.s32 $0xF060, s21;
	s21 =	sadd.s32 $0xF070, s21  }
0x35d: {  	[hbm4b:s31+s2] =	stream.linear.scatter [tilespmem:s30], [sflag:$0x4], $0x80, $0x38;
	[tilespmem:$0x17280] =	vst v63  }
0x35e: {  	_ = 	snop  }
0x35f: {  	[hbm4b:s21+s2] =	stream.linear.scatter [tilespmem:s22], [sflag:$0x4], $0x80, $0x38;
	[tilespmem:$0x17280] =	vst v63  }
0x360: {  	_ =	swait.ge [sflag:s14], $0x2000  }
0x361: {  	[sflag:s14] =	ssyncset.done $0x0  }
0x362: {  	[sflag:s14] =	ssyncadd.s32 $0xFFFFE000  }
0x363: {  	_ =	swait.ge [sflag:s16], $0x400  }
0x364: {  	[sflag:s16] =	ssyncset.done $0x0  }
0x365: {  	[sflag:s16] =	ssyncadd.s32 $0xFFFFFC00  }
0x366: {  	_ =	swait.ge [sflag:s16], $0x400  }
0x367: {  	[sflag:s16] =	ssyncset.done $0x0  }
0x368: {  	[sflag:s16] =	ssyncadd.s32 $0xFFFFFC00  }
0x369: {  	_ =	swait.ge [sflag:s16], $0x400  }
0x36a: {  	[sflag:s16] =	ssyncset.done $0x0  }
0x36b: {  	[sflag:s16] =	ssyncadd.s32 $0xFFFFFC00  }
0x36c: {  	_ =	swait.ge [sflag:s16], $0x400  }
0x36d: {  	[sflag:s16] =	ssyncset.done $0x0  }
0x36e: {  	[sflag:s16] =	ssyncadd.s32 $0xFFFFFC00  }
0x36f: {  	_ =	swait.ge [sflag:s16], $0x400  }
0x370: {  	[sflag:s16] =	ssyncset.done $0x0  }
0x371: {  	[sflag:s16] =	ssyncadd.s32 $0xFFFFFC00  }
0x372: {  	_ =	swait.ge [sflag:s16], $0x400  }
0x373: {  	[sflag:s16] =	ssyncset.done $0x0  }
0x374: {  	[sflag:s16] =	ssyncadd.s32 $0xFFFFFC00  }
0x375: {  	_ =	swait.ge [sflag:s16], $0x400  }
0x376: {  	[sflag:s16] =	ssyncset.done $0x0  }
0x377: {  	[sflag:s16] =	ssyncadd.s32 $0xFFFFFC00  }
0x378: {  	_ =	swait.ge [sflag:s16], $0x400  }
0x379: {  	[sflag:s16] =	ssyncset.done $0x0  }
0x37a: {  	[sflag:s16] =	ssyncadd.s32 $0xFFFFFC00  }
0x37b: {  	_ =	swait.ge [sflag:s15], $0x2000  }
0x37c: {  	[sflag:s15] =	ssyncset.done $0x0  }
0x37d: {  	[sflag:s15] =	ssyncadd.s32 $0xFFFFE000  }
0x37e: {  	_ =	swait.ge [sflag:s17], $0x400  }
0x37f: {  	[sflag:s17] =	ssyncset.done $0x0  }
0x380: {  	[sflag:s17] =	ssyncadd.s32 $0xFFFFFC00  }
0x381: {  	_ =	swait.ge [sflag:s17], $0x400  }
0x382: {  	[sflag:s17] =	ssyncset.done $0x0  }
0x383: {  	[sflag:s17] =	ssyncadd.s32 $0xFFFFFC00  }
0x384: {  	_ =	swait.ge [sflag:s17], $0x400  }
0x385: {  	[sflag:s17] =	ssyncset.done $0x0  }
0x386: {  	[sflag:s17] =	ssyncadd.s32 $0xFFFFFC00  }
0x387: {  	_ =	swait.ge [sflag:s17], $0x400  }
0x388: {  	[sflag:s17] =	ssyncset.done $0x0  }
0x389: {  	[sflag:s17] =	ssyncadd.s32 $0xFFFFFC00  }
0x38a: {  	_ =	swait.ge [sflag:s17], $0x400  }
0x38b: {  	[sflag:s17] =	ssyncset.done $0x0  }
0x38c: {  	[sflag:s17] =	ssyncadd.s32 $0xFFFFFC00  }
0x38d: {  	_ =	swait.ge [sflag:s17], $0x400  }
0x38e: {  	[sflag:s17] =	ssyncset.done $0x0  }
0x38f: {  	s18 =	sadd.s32 $0x1, s18;
	[sflag:s17] =	ssyncadd.s32 $0xFFFFFC00  }
0x390: {  	p0 =	sne.s32 s18, s6;
	_ =	swait.ge [sflag:s17], $0x400  }
.Ltmp3:
0x391: {  	[sflag:s17] =	ssyncset.done $0x0;
	(pc) =	sbr.rel @p0 .LBB2_1-.Ltmp3, $4  }
0x392: {  	[sflag:s17] =	ssyncadd.s32 $0xFFFFFC00  }
0x393: {  	_ =	swait.ge [sflag:s17], $0x400  }
0x394: {  	[sflag:s17] =	ssyncset.done $0x0  }
0x395: {  	[sflag:s17] =	ssyncadd.s32 $0xFFFFFC00  }
0x396: {  	_ =	sfence.sel $0x180000  }
0x397: {  	[bflag:$0x0] =	sbarrier.arrive $0xFFFF  }
0x398: {  	p0 =	sne.s32 s1, $0x0;
	_ =	strace $0x90000047  }
0x399: {  	s0 =	sadd.s32 @!p0 $0x100000, s0;
	[bflag:$0x2] =	sbarrier.arrive $0xFFFF  }
0x39a: {  	[sflag:s0] =	ssyncadd.tile.s32 @!p0 $0x1;
	_ =	shalt  }
.Lfunc_end2:
_tile_overlayer_lowered:
.L_overlay_start_2:
0x39b: {  	(tag) =	ssettag $0x2  }
0x39c: {  	s0 =	rddreg [dreg:$0x0];
	s2 =	stileid.u32  }
0x39d: {  	s1 =	rddreg [dreg:$0x1];
	p0 =	sne.s32 s2, $0x0  }
0x39e: {  	s3 =	rddreg [dreg:$0x2];
	[bflag:$0x3] =	sbarrier.arrive $0xFFFF;
	s2 =	simm.s32 @!p0 $0x1C05  }
0x39f: {  	[timem:s3], [sflag:s2] =	dma.local @!p0 [hbm:s0], s1  }
0x3a0: {  	s0 =	simm.s32 @!p0 $0x5  }
0x3a1: {  	_ =	swait.ge @!p0 [sflag:s0], s1  }
0x3a2: {  	s1 =	ssub.s32 @!p0 $0x0, s1;
	[sflag:s0] =	ssyncset.done @!p0 $0x0  }
0x3a3: {  	[sflag:s0] =	ssyncadd.s32 @!p0 s1  }
0x3a4: {  	[bflag:$0x3] =	sbarrier.arrive $0xFFFF  }
0x3a5: {  	_ =	shalt  }

</sc_bundles>
